<compile_context>
chip_gen: v7x
topology: tpu7x:2x2x1
jax: 0.10.2.dev20260603
libtpu: 0.0.44.dev20260713+nightly
codegen_flags: <defaults>
</compile_context>

<pallas_src>
import jax
import jax.numpy as jnp
from jax import lax
from jax.experimental import pallas as pl
from jax.experimental.pallas import tpu as pltpu
from jax.experimental.pallas import tpu_sc as plsc

_DD = 1000000
_NC = 2
_NS = 16
_NW = _NC * _NS
_B = 512
_NCH = _B // 128
_Z0 = 16384
_Z1 = 200
_F = 32
_TPJ = _Z0 // _B


def _sc_body(z_hbm, u_hbm, out_hbm, z_v, idx0_v, idx1_v, w_v, f0_v, f1_v,
             sem_z, sem_g, sem_o0, sem_o1):
    wid = lax.axis_index("c") * _NS + lax.axis_index("s")
    nblk = (_Z1 * _TPJ) // _NW
    blk0 = wid * nblk
    sem_o = (sem_o0, sem_o1)

    def compute_idx(slot):
        def idx_body(g, c):
            o = g * 16
            z = z_v[slot, pl.ds(o, 16)]
            z = jnp.minimum(jnp.maximum(z, 0.0), 1.0)
            zi = z * jnp.float32(_DD - 1)
            z0 = zi.astype(jnp.int32)
            w = zi - z0.astype(jnp.float32)
            idx0_v[slot, pl.ds(o, 16)] = z0
            idx1_v[slot, pl.ds(o, 16)] = jnp.minimum(z0 + 1, _DD - 1)
            w_v[slot, pl.ds(o, 16)] = w
            return c
        lax.fori_loop(0, _B // 16, idx_body, 0)

    def gather_copies(slot):
        copies = []
        for c in range(_NCH):
            o = c * 128
            copies.append(pltpu.make_async_copy(
                u_hbm.at[idx0_v.at[slot, pl.ds(o, 128)]],
                f0_v.at[slot, pl.ds(o, 128)], sem_g))
            copies.append(pltpu.make_async_copy(
                u_hbm.at[idx1_v.at[slot, pl.ds(o, 128)]],
                f1_v.at[slot, pl.ds(o, 128)], sem_g))
        return copies

    def fire_gathers(slot):
        for cp in gather_copies(slot):
            cp.start()

    def out_copy(slot, b):
        return pltpu.make_async_copy(
            f0_v.at[slot],
            out_hbm.at[pl.ds(b * _B, _B)], sem_o[slot])

    def mix(slot):
        def mix_body(g, c):
            wg = w_v[slot, pl.ds(g * 16, 16)]
            i0 = g * 16
            for l in range(16):
                i = i0 + l
                w = lax.broadcast_in_dim(
                    lax.slice(wg, (l,), (l + 1,)), (16,), (0,))
                a0 = f0_v[slot, i, pl.ds(0, 16)]
                b0 = f1_v[slot, i, pl.ds(0, 16)]
                a1 = f0_v[slot, i, pl.ds(16, 16)]
                b1 = f1_v[slot, i, pl.ds(16, 16)]
                f0_v[slot, i, pl.ds(0, 16)] = a0 + w * (b0 - a0)
                f0_v[slot, i, pl.ds(16, 16)] = a1 + w * (b1 - a1)
            return c
        lax.fori_loop(0, _B // 16, mix_body, 0)

    pltpu.sync_copy(z_hbm.at[pl.ds(blk0 * _B, _B)], z_v.at[0])
    compute_idx(0)
    fire_gathers(0)

    def blk_body(k, carry):
        p = lax.rem(k, 2)
        b = blk0 + k

        def half(p, q):
            zcp = pltpu.make_async_copy(
                z_hbm.at[pl.ds((b + 1) * _B, _B)], z_v.at[q], sem_z)

            @pl.when(k + 1 < nblk)
            def _():
                zcp.start()

            for cp in gather_copies(p):
                cp.wait()

            @pl.when(k + 1 < nblk)
            def _():
                zcp.wait()
                compute_idx(q)
                fire_gathers(q)

            @pl.when(k >= 2)
            def _():
                out_copy(p, b - 2).wait()

            mix(p)
            out_copy(p, b).start()

        @pl.when(p == 0)
        def _():
            half(0, 1)

        @pl.when(p == 1)
        def _():
            half(1, 0)

        return carry

    lax.fori_loop(0, nblk, blk_body, 0)

    out_copy((nblk - 2) % 2, blk0 + nblk - 2).wait()
    out_copy((nblk - 1) % 2, blk0 + nblk - 1).wait()


def kernel(z_grid, U):
    n = z_grid.shape[0] * z_grid.shape[1]
    zt_flat = z_grid.T.reshape(n)
    mesh = plsc.VectorSubcoreMesh(
        core_axis_name="c", subcore_axis_name="s",
        num_cores=_NC, num_subcores=_NS)
    sc_kern = pl.kernel(
        _sc_body,
        out_type=jax.ShapeDtypeStruct((n, _F), jnp.float32),
        mesh=mesh,
        scratch_types=[
            pltpu.VMEM((2, _B), jnp.float32),
            pltpu.VMEM((2, _B), jnp.int32),
            pltpu.VMEM((2, _B), jnp.int32),
            pltpu.VMEM((2, _B), jnp.float32),
            pltpu.VMEM((2, _B, _F), jnp.float32),
            pltpu.VMEM((2, _B, _F), jnp.float32),
            pltpu.SemaphoreType.DMA,
            pltpu.SemaphoreType.DMA,
            pltpu.SemaphoreType.DMA,
            pltpu.SemaphoreType.DMA,
        ],
        compiler_params=pltpu.CompilerParams(use_tc_tiling_on_sc=False),
    )
    rows = sc_kern(zt_flat, U)

    z0, z1 = z_grid.shape
    return rows.reshape(z1, z0, _F).transpose(1, 0, 2)

# --- scband reference (transcript-rebuilt; emitter-appended) ---
"""Pipeline reference for scband-feature-d-86079734546839 (READ-ONLY COPY).

The authoritative reference and input builder live on the scoring server;
editing this copy changes nothing except your own understanding.
"""

import jax, jax.numpy as jnp
import numpy as np

Dd = 1000000
Z_MIN = 0.0
Z_MAX = 1.0
Q = 32


def setup_inputs(seed: int = 0) -> dict:
    key = jax.random.key(seed)
    k1, k2 = jax.random.split(key)
    z_grid = jax.random.uniform(k1, (16384, 200), dtype=jnp.float32, minval=0.0, maxval=1.0)
    U = 0.5 * jax.random.normal(k2, (Dd, Q), dtype=jnp.float32)
    return {"z_grid": z_grid, "U": U}


def reference(z_grid, U):
    z = jnp.clip(z_grid, Z_MIN, Z_MAX)
    z_idx = (z - Z_MIN) * (Dd - 1) / (Z_MAX - Z_MIN)
    z0 = jnp.floor(z_idx).astype(jnp.int32)
    z1 = jnp.clip(z0 + 1, None, Dd - 1)
    z0 = jnp.clip(z0, 0, Dd - 1)
    w = (z_idx - z0.astype(z_idx.dtype))[..., None]
    f0 = jnp.take(U, z0, axis=0)
    f1 = jnp.take(U, z1, axis=0)
    u = (1.0 - w) * f0 + w * f1
    return u

if __name__ == "__main__":
    import jax
    _d = setup_inputs()
    print(jax.jit(kernel)(*tuple(_d.values())))

</pallas_src>

<mosaic_0001>
#map = affine_map<(d0, d1) -> (0)>
#map1 = affine_map<(d0, d1) -> (0, 0)>
module attributes {stable_mosaic.version = 14 : i64} {
  func.func @_sc_body(%arg0: i32, %arg1: i32, %arg2: memref<3276800xf32, #tpu.memory_space<hbm>>, %arg3: memref<1000000x32xf32, #tpu.memory_space<hbm>>, %arg4: memref<3276800x32xf32, #tpu.memory_space<hbm>>, %arg5: memref<2x512xf32, #tpu.memory_space<vmem>>, %arg6: memref<2x512xi32, #tpu.memory_space<vmem>>, %arg7: memref<2x512xi32, #tpu.memory_space<vmem>>, %arg8: memref<2x512xf32, #tpu.memory_space<vmem>>, %arg9: memref<2x512x32xf32, #tpu.memory_space<vmem>>, %arg10: memref<2x512x32xf32, #tpu.memory_space<vmem>>, %arg11: memref<!tpu.dma_semaphore, #tpu.memory_space<semaphore_mem>>, %arg12: memref<!tpu.dma_semaphore, #tpu.memory_space<semaphore_mem>>, %arg13: memref<!tpu.dma_semaphore, #tpu.memory_space<semaphore_mem>>, %arg14: memref<!tpu.dma_semaphore, #tpu.memory_space<semaphore_mem>>) attributes {dimension_semantics = [#tpu.dimension_semantics<core_parallel>, #tpu.dimension_semantics<subcore_parallel>], iteration_bounds = array<i64: 2, 16>, scalar_prefetch = 0 : i64, scratch_operands = 10 : i64, tpu.core_type = #tpu.core_type<sc_vector_subcore>, window_params = [{transform_indices = #map}, {transform_indices = #map1}, {transform_indices = #map1}]} {
    %mul3A = arith.constant 16 : i32
    %mul3A_0 = arith.muli %arg0, %mul3A : i32
    %add3A = arith.addi %mul3A_0, %arg1 : i32
    %mul3A_1 = arith.constant 200 : i32
    %mul3A_2 = arith.muli %add3A, %mul3A_1 : i32
    %mul3A_3 = arith.constant 512 : i32
    %mul3A_4 = arith.muli %mul3A_2, %mul3A_3 : i32
    %run_scoped3A = arith.constant 0 : i32
    "tpu.region"() ({
      %run_scoped3A_147 = tpu.sem_alloc : memref<!tpu.dma_semaphore, #tpu.memory_space<semaphore_mem>>
      %dma_start3A_148 = arith.constant 0 : i32
      %dma_start3A_149 = tpu.memref_slice %arg5[%run_scoped3A, %dma_start3A_148] : memref<2x512xf32, #tpu.memory_space<vmem>> -> memref<1x512xf32, #tpu.memory_space<vmem>>
      %dma_start3A_150 = tpu.memref_squeeze %dma_start3A_149 : memref<1x512xf32, #tpu.memory_space<vmem>> -> memref<512xf32, #tpu.memory_space<vmem>>
      %dma_start3A_151 = tpu.memref_slice %arg2[%mul3A_4] : memref<3276800xf32, #tpu.memory_space<hbm>> -> memref<512xf32, #tpu.memory_space<hbm>>
      %dma_start3A_152 = arith.constant 0 : i32
      %dma_start3A_153 = tpu.memref_slice %arg5[%run_scoped3A, %dma_start3A_152] : memref<2x512xf32, #tpu.memory_space<vmem>> -> memref<1x512xf32, #tpu.memory_space<vmem>>
      %dma_start3A_154 = tpu.memref_squeeze %dma_start3A_153 : memref<1x512xf32, #tpu.memory_space<vmem>> -> memref<512xf32, #tpu.memory_space<vmem>>
      %dma_start3A_155 = tpu.memref_slice %arg2[%mul3A_4] : memref<3276800xf32, #tpu.memory_space<hbm>> -> memref<512xf32, #tpu.memory_space<hbm>>
      tpu.enqueue_dma source(%dma_start3A_155 : memref<512xf32, #tpu.memory_space<hbm>>) target(%dma_start3A_154 : memref<512xf32, #tpu.memory_space<vmem>>) target_semaphore(%run_scoped3A_147 : memref<!tpu.dma_semaphore, #tpu.memory_space<semaphore_mem>>)
      %dma_wait3A_156 = arith.constant 0 : i32
      %dma_wait3A_157 = tpu.memref_slice %arg5[%run_scoped3A, %dma_wait3A_156] : memref<2x512xf32, #tpu.memory_space<vmem>> -> memref<1x512xf32, #tpu.memory_space<vmem>>
      %dma_wait3A_158 = tpu.memref_squeeze %dma_wait3A_157 : memref<1x512xf32, #tpu.memory_space<vmem>> -> memref<512xf32, #tpu.memory_space<vmem>>
      %dma_wait3A_159 = tpu.memref_slice %arg2[%mul3A_4] : memref<3276800xf32, #tpu.memory_space<hbm>> -> memref<512xf32, #tpu.memory_space<hbm>>
      %dma_wait3A_160 = arith.constant 0 : i32
      %dma_wait3A_161 = tpu.memref_slice %arg5[%run_scoped3A, %dma_wait3A_160] : memref<2x512xf32, #tpu.memory_space<vmem>> -> memref<1x512xf32, #tpu.memory_space<vmem>>
      %dma_wait3A_162 = tpu.memref_squeeze %dma_wait3A_161 : memref<1x512xf32, #tpu.memory_space<vmem>> -> memref<512xf32, #tpu.memory_space<vmem>>
      %dma_wait3A_163 = tpu.memref_slice %arg2[%mul3A_4] : memref<3276800xf32, #tpu.memory_space<hbm>> -> memref<512xf32, #tpu.memory_space<hbm>>
      tpu.wait_dma2 semaphore(%run_scoped3A_147 : memref<!tpu.dma_semaphore, #tpu.memory_space<semaphore_mem>>) src(%dma_wait3A_163 : memref<512xf32, #tpu.memory_space<hbm>>) dst(%dma_wait3A_162 : memref<512xf32, #tpu.memory_space<vmem>>)
      tpu.yield
    }) : () -> ()
    %scan3A = arith.constant 0 : i32
    %scan3A_5 = arith.constant 0 : i32
    %scan3A_6 = arith.constant 32 : i32
    %scan3A_7 = arith.addi %scan3A_5, %scan3A_6 : i32
    %scan3A_8 = arith.constant 1 : i32
    scf.for %scan3A_147 = %scan3A_5 to %scan3A_7 step %scan3A_8  : i32 {
      %mul3A_148 = arith.constant 16 : i32
      %mul3A_149 = arith.muli %scan3A_147, %mul3A_148 : i32
      %get3A = arith.constant 0 : i32
      %get3A_150 = arith.index_cast %get3A : i32 to index
      %get3A_151 = arith.index_cast %mul3A_149 : i32 to index
      %get3A_152 = tpu.vector_load %arg5[%get3A_150, %get3A_151] {strides = array<i32>} : memref<2x512xf32, #tpu.memory_space<vmem>>, vector<1x16xf32>,
      %get3A_153 = vector.shape_cast %get3A_152 : vector<1x16xf32> to vector<16xf32>
      %max3A = arith.constant 0.000000e+00 : f32
      %max3A_154 = vector.broadcast %max3A : f32 to vector<16xf32>
      %max3A_155 = arith.maximumf %get3A_153, %max3A_154 : vector<16xf32>
      %min3A = arith.constant 1.000000e+00 : f32
      %min3A_156 = vector.broadcast %min3A : f32 to vector<16xf32>
      %min3A_157 = arith.minimumf %max3A_155, %min3A_156 : vector<16xf32>
      %mul3A_158 = arith.constant 9.999990e+05 : f32
      %mul3A_159 = vector.broadcast %mul3A_158 : f32 to vector<16xf32>
      %mul3A_160 = arith.mulf %min3A_157, %mul3A_159 : vector<16xf32>
      %convert_element_type3A = arith.fptosi %mul3A_160 : vector<16xf32> to vector<16xi32>
      %convert_element_type3A_161 = arith.sitofp %convert_element_type3A : vector<16xi32> to vector<16xf32>
      %sub3A_162 = arith.subf %mul3A_160, %convert_element_type3A_161 : vector<16xf32>
      %swap3A = arith.constant 0 : i32
      %swap3A_163 = arith.index_cast %swap3A : i32 to index
      %swap3A_164 = arith.index_cast %mul3A_149 : i32 to index
      %swap3A_165 = tpu.vector_load %arg6[%swap3A_163, %swap3A_164] {strides = array<i32>} : memref<2x512xi32, #tpu.memory_space<vmem>>, vector<1x16xi32>,
      %swap3A_166 = vector.shape_cast %swap3A_165 : vector<1x16xi32> to vector<16xi32>
      %swap3A_167 = vector.shape_cast %convert_element_type3A : vector<16xi32> to vector<1x16xi32>
      tpu.vector_store %arg6[%swap3A_163, %swap3A_164], %swap3A_167 {strides = array<i32>} : memref<2x512xi32, #tpu.memory_space<vmem>>, vector<1x16xi32>,
      %add3A_168 = arith.constant 1 : i32
      %add3A_169 = vector.broadcast %add3A_168 : i32 to vector<16xi32>
      %add3A_170 = arith.addi %convert_element_type3A, %add3A_169 : vector<16xi32>
      %min3A_171 = arith.constant 999999 : i32
      %min3A_172 = vector.broadcast %min3A_171 : i32 to vector<16xi32>
      %min3A_173 = arith.minsi %add3A_170, %min3A_172 : vector<16xi32>
      %swap3A_174 = arith.constant 0 : i32
      %swap3A_175 = arith.index_cast %swap3A_174 : i32 to index
      %swap3A_176 = arith.index_cast %mul3A_149 : i32 to index
      %swap3A_177 = tpu.vector_load %arg7[%swap3A_175, %swap3A_176] {strides = array<i32>} : memref<2x512xi32, #tpu.memory_space<vmem>>, vector<1x16xi32>,
      %swap3A_178 = vector.shape_cast %swap3A_177 : vector<1x16xi32> to vector<16xi32>
      %swap3A_179 = vector.shape_cast %min3A_173 : vector<16xi32> to vector<1x16xi32>
      tpu.vector_store %arg7[%swap3A_175, %swap3A_176], %swap3A_179 {strides = array<i32>} : memref<2x512xi32, #tpu.memory_space<vmem>>, vector<1x16xi32>,
      %swap3A_180 = arith.constant 0 : i32
      %swap3A_181 = arith.index_cast %swap3A_180 : i32 to index
      %swap3A_182 = arith.index_cast %mul3A_149 : i32 to index
      %swap3A_183 = tpu.vector_load %arg8[%swap3A_181, %swap3A_182] {strides = array<i32>} : memref<2x512xf32, #tpu.memory_space<vmem>>, vector<1x16xf32>,
      %swap3A_184 = vector.shape_cast %swap3A_183 : vector<1x16xf32> to vector<16xf32>
      %swap3A_185 = vector.shape_cast %sub3A_162 : vector<16xf32> to vector<1x16xf32>
      tpu.vector_store %arg8[%swap3A_181, %swap3A_182], %swap3A_185 {strides = array<i32>} : memref<2x512xf32, #tpu.memory_space<vmem>>, vector<1x16xf32>,
    }
    %scan3A_9 = arith.constant 32 : i32
    %dma_start3A = arith.constant 0 : i32
    %dma_start3A_10 = arith.constant 0 : i32
    %dma_start3A_11 = arith.constant 0 : i32
    %dma_start3A_12 = arith.constant 0 : i32
    %dma_start3A_13 = tpu.memref_slice %arg9[%dma_start3A_10, %dma_start3A_11, %dma_start3A_12] : memref<2x512x32xf32, #tpu.memory_space<vmem>> -> memref<1x128x32xf32, #tpu.memory_space<vmem>>
    %dma_start3A_14 = tpu.memref_squeeze %dma_start3A_13 : memref<1x128x32xf32, #tpu.memory_space<vmem>> -> memref<128x32xf32, #tpu.memory_space<vmem>>
    %dma_start3A_15 = arith.constant 0 : i32
    %dma_start3A_16 = tpu.memref_slice %arg6[%dma_start3A, %dma_start3A_15] : memref<2x512xi32, #tpu.memory_space<vmem>> -> memref<1x128xi32, #tpu.memory_space<vmem>>
    %dma_start3A_17 = tpu.memref_squeeze %dma_start3A_16 : memref<1x128xi32, #tpu.memory_space<vmem>> -> memref<128xi32, #tpu.memory_space<vmem>>
    %dma_start3A_18 = arith.constant 0 : i32
    %dma_start3A_19 = arith.constant 0 : i32
    %dma_start3A_20 = tpu.memref_slice %arg3[%dma_start3A_18, %dma_start3A_19] : memref<1000000x32xf32, #tpu.memory_space<hbm>> -> memref<1000000x32xf32, #tpu.memory_space<hbm>>
    tpu.enqueue_indirect_dma source(%dma_start3A_20 : memref<1000000x32xf32, #tpu.memory_space<hbm>>) target(%dma_start3A_14 : memref<128x32xf32, #tpu.memory_space<vmem>>) offsets(%dma_start3A_17 : memref<128xi32, #tpu.memory_space<vmem>>) semaphore(%arg12 : memref<!tpu.dma_semaphore, #tpu.memory_space<semaphore_mem>>)
    %dma_start3A_21 = arith.constant 0 : i32
    %dma_start3A_22 = arith.constant 0 : i32
    %dma_start3A_23 = arith.constant 0 : i32
    %dma_start3A_24 = arith.constant 0 : i32
    %dma_start3A_25 = tpu.memref_slice %arg10[%dma_start3A_22, %dma_start3A_23, %dma_start3A_24] : memref<2x512x32xf32, #tpu.memory_space<vmem>> -> memref<1x128x32xf32, #tpu.memory_space<vmem>>
    %dma_start3A_26 = tpu.memref_squeeze %dma_start3A_25 : memref<1x128x32xf32, #tpu.memory_space<vmem>> -> memref<128x32xf32, #tpu.memory_space<vmem>>
    %dma_start3A_27 = arith.constant 0 : i32
    %dma_start3A_28 = tpu.memref_slice %arg7[%dma_start3A_21, %dma_start3A_27] : memref<2x512xi32, #tpu.memory_space<vmem>> -> memref<1x128xi32, #tpu.memory_space<vmem>>
    %dma_start3A_29 = tpu.memref_squeeze %dma_start3A_28 : memref<1x128xi32, #tpu.memory_space<vmem>> -> memref<128xi32, #tpu.memory_space<vmem>>
    %dma_start3A_30 = arith.constant 0 : i32
    %dma_start3A_31 = arith.constant 0 : i32
    %dma_start3A_32 = tpu.memref_slice %arg3[%dma_start3A_30, %dma_start3A_31] : memref<1000000x32xf32, #tpu.memory_space<hbm>> -> memref<1000000x32xf32, #tpu.memory_space<hbm>>
    tpu.enqueue_indirect_dma source(%dma_start3A_32 : memref<1000000x32xf32, #tpu.memory_space<hbm>>) target(%dma_start3A_26 : memref<128x32xf32, #tpu.memory_space<vmem>>) offsets(%dma_start3A_29 : memref<128xi32, #tpu.memory_space<vmem>>) semaphore(%arg12 : memref<!tpu.dma_semaphore, #tpu.memory_space<semaphore_mem>>)
    %dma_start3A_33 = arith.constant 0 : i32
    %dma_start3A_34 = arith.constant 0 : i32
    %dma_start3A_35 = arith.constant 128 : i32
    %dma_start3A_36 = arith.constant 0 : i32
    %dma_start3A_37 = tpu.memref_slice %arg9[%dma_start3A_34, %dma_start3A_35, %dma_start3A_36] : memref<2x512x32xf32, #tpu.memory_space<vmem>> -> memref<1x128x32xf32, #tpu.memory_space<vmem>>
    %dma_start3A_38 = tpu.memref_squeeze %dma_start3A_37 : memref<1x128x32xf32, #tpu.memory_space<vmem>> -> memref<128x32xf32, #tpu.memory_space<vmem>>
    %dma_start3A_39 = arith.constant 128 : i32
    %dma_start3A_40 = tpu.memref_slice %arg6[%dma_start3A_33, %dma_start3A_39] : memref<2x512xi32, #tpu.memory_space<vmem>> -> memref<1x128xi32, #tpu.memory_space<vmem>>
    %dma_start3A_41 = tpu.memref_squeeze %dma_start3A_40 : memref<1x128xi32, #tpu.memory_space<vmem>> -> memref<128xi32, #tpu.memory_space<vmem>>
    %dma_start3A_42 = arith.constant 0 : i32
    %dma_start3A_43 = arith.constant 0 : i32
    %dma_start3A_44 = tpu.memref_slice %arg3[%dma_start3A_42, %dma_start3A_43] : memref<1000000x32xf32, #tpu.memory_space<hbm>> -> memref<1000000x32xf32, #tpu.memory_space<hbm>>
    tpu.enqueue_indirect_dma source(%dma_start3A_44 : memref<1000000x32xf32, #tpu.memory_space<hbm>>) target(%dma_start3A_38 : memref<128x32xf32, #tpu.memory_space<vmem>>) offsets(%dma_start3A_41 : memref<128xi32, #tpu.memory_space<vmem>>) semaphore(%arg12 : memref<!tpu.dma_semaphore, #tpu.memory_space<semaphore_mem>>)
    %dma_start3A_45 = arith.constant 0 : i32
    %dma_start3A_46 = arith.constant 0 : i32
    %dma_start3A_47 = arith.constant 128 : i32
    %dma_start3A_48 = arith.constant 0 : i32
    %dma_start3A_49 = tpu.memref_slice %arg10[%dma_start3A_46, %dma_start3A_47, %dma_start3A_48] : memref<2x512x32xf32, #tpu.memory_space<vmem>> -> memref<1x128x32xf32, #tpu.memory_space<vmem>>
    %dma_start3A_50 = tpu.memref_squeeze %dma_start3A_49 : memref<1x128x32xf32, #tpu.memory_space<vmem>> -> memref<128x32xf32, #tpu.memory_space<vmem>>
    %dma_start3A_51 = arith.constant 128 : i32
    %dma_start3A_52 = tpu.memref_slice %arg7[%dma_start3A_45, %dma_start3A_51] : memref<2x512xi32, #tpu.memory_space<vmem>> -> memref<1x128xi32, #tpu.memory_space<vmem>>
    %dma_start3A_53 = tpu.memref_squeeze %dma_start3A_52 : memref<1x128xi32, #tpu.memory_space<vmem>> -> memref<128xi32, #tpu.memory_space<vmem>>
    %dma_start3A_54 = arith.constant 0 : i32
    %dma_start3A_55 = arith.constant 0 : i32
    %dma_start3A_56 = tpu.memref_slice %arg3[%dma_start3A_54, %dma_start3A_55] : memref<1000000x32xf32, #tpu.memory_space<hbm>> -> memref<1000000x32xf32, #tpu.memory_space<hbm>>
    tpu.enqueue_indirect_dma source(%dma_start3A_56 : memref<1000000x32xf32, #tpu.memory_space<hbm>>) target(%dma_start3A_50 : memref<128x32xf32, #tpu.memory_space<vmem>>) offsets(%dma_start3A_53 : memref<128xi32, #tpu.memory_space<vmem>>) semaphore(%arg12 : memref<!tpu.dma_semaphore, #tpu.memory_space<semaphore_mem>>)
    %dma_start3A_57 = arith.constant 0 : i32
    %dma_start3A_58 = arith.constant 0 : i32
    %dma_start3A_59 = arith.constant 256 : i32
    %dma_start3A_60 = arith.constant 0 : i32
    %dma_start3A_61 = tpu.memref_slice %arg9[%dma_start3A_58, %dma_start3A_59, %dma_start3A_60] : memref<2x512x32xf32, #tpu.memory_space<vmem>> -> memref<1x128x32xf32, #tpu.memory_space<vmem>>
    %dma_start3A_62 = tpu.memref_squeeze %dma_start3A_61 : memref<1x128x32xf32, #tpu.memory_space<vmem>> -> memref<128x32xf32, #tpu.memory_space<vmem>>
    %dma_start3A_63 = arith.constant 256 : i32
    %dma_start3A_64 = tpu.memref_slice %arg6[%dma_start3A_57, %dma_start3A_63] : memref<2x512xi32, #tpu.memory_space<vmem>> -> memref<1x128xi32, #tpu.memory_space<vmem>>
    %dma_start3A_65 = tpu.memref_squeeze %dma_start3A_64 : memref<1x128xi32, #tpu.memory_space<vmem>> -> memref<128xi32, #tpu.memory_space<vmem>>
    %dma_start3A_66 = arith.constant 0 : i32
    %dma_start3A_67 = arith.constant 0 : i32
    %dma_start3A_68 = tpu.memref_slice %arg3[%dma_start3A_66, %dma_start3A_67] : memref<1000000x32xf32, #tpu.memory_space<hbm>> -> memref<1000000x32xf32, #tpu.memory_space<hbm>>
    tpu.enqueue_indirect_dma source(%dma_start3A_68 : memref<1000000x32xf32, #tpu.memory_space<hbm>>) target(%dma_start3A_62 : memref<128x32xf32, #tpu.memory_space<vmem>>) offsets(%dma_start3A_65 : memref<128xi32, #tpu.memory_space<vmem>>) semaphore(%arg12 : memref<!tpu.dma_semaphore, #tpu.memory_space<semaphore_mem>>)
    %dma_start3A_69 = arith.constant 0 : i32
    %dma_start3A_70 = arith.constant 0 : i32
    %dma_start3A_71 = arith.constant 256 : i32
    %dma_start3A_72 = arith.constant 0 : i32
    %dma_start3A_73 = tpu.memref_slice %arg10[%dma_start3A_70, %dma_start3A_71, %dma_start3A_72] : memref<2x512x32xf32, #tpu.memory_space<vmem>> -> memref<1x128x32xf32, #tpu.memory_space<vmem>>
    %dma_start3A_74 = tpu.memref_squeeze %dma_start3A_73 : memref<1x128x32xf32, #tpu.memory_space<vmem>> -> memref<128x32xf32, #tpu.memory_space<vmem>>
    %dma_start3A_75 = arith.constant 256 : i32
    %dma_start3A_76 = tpu.memref_slice %arg7[%dma_start3A_69, %dma_start3A_75] : memref<2x512xi32, #tpu.memory_space<vmem>> -> memref<1x128xi32, #tpu.memory_space<vmem>>
    %dma_start3A_77 = tpu.memref_squeeze %dma_start3A_76 : memref<1x128xi32, #tpu.memory_space<vmem>> -> memref<128xi32, #tpu.memory_space<vmem>>
    %dma_start3A_78 = arith.constant 0 : i32
    %dma_start3A_79 = arith.constant 0 : i32
    %dma_start3A_80 = tpu.memref_slice %arg3[%dma_start3A_78, %dma_start3A_79] : memref<1000000x32xf32, #tpu.memory_space<hbm>> -> memref<1000000x32xf32, #tpu.memory_space<hbm>>
    tpu.enqueue_indirect_dma source(%dma_start3A_80 : memref<1000000x32xf32, #tpu.memory_space<hbm>>) target(%dma_start3A_74 : memref<128x32xf32, #tpu.memory_space<vmem>>) offsets(%dma_start3A_77 : memref<128xi32, #tpu.memory_space<vmem>>) semaphore(%arg12 : memref<!tpu.dma_semaphore, #tpu.memory_space<semaphore_mem>>)
    %dma_start3A_81 = arith.constant 0 : i32
    %dma_start3A_82 = arith.constant 0 : i32
    %dma_start3A_83 = arith.constant 384 : i32
    %dma_start3A_84 = arith.constant 0 : i32
    %dma_start3A_85 = tpu.memref_slice %arg9[%dma_start3A_82, %dma_start3A_83, %dma_start3A_84] : memref<2x512x32xf32, #tpu.memory_space<vmem>> -> memref<1x128x32xf32, #tpu.memory_space<vmem>>
    %dma_start3A_86 = tpu.memref_squeeze %dma_start3A_85 : memref<1x128x32xf32, #tpu.memory_space<vmem>> -> memref<128x32xf32, #tpu.memory_space<vmem>>
    %dma_start3A_87 = arith.constant 384 : i32
    %dma_start3A_88 = tpu.memref_slice %arg6[%dma_start3A_81, %dma_start3A_87] : memref<2x512xi32, #tpu.memory_space<vmem>> -> memref<1x128xi32, #tpu.memory_space<vmem>>
    %dma_start3A_89 = tpu.memref_squeeze %dma_start3A_88 : memref<1x128xi32, #tpu.memory_space<vmem>> -> memref<128xi32, #tpu.memory_space<vmem>>
    %dma_start3A_90 = arith.constant 0 : i32
    %dma_start3A_91 = arith.constant 0 : i32
    %dma_start3A_92 = tpu.memref_slice %arg3[%dma_start3A_90, %dma_start3A_91] : memref<1000000x32xf32, #tpu.memory_space<hbm>> -> memref<1000000x32xf32, #tpu.memory_space<hbm>>
    tpu.enqueue_indirect_dma source(%dma_start3A_92 : memref<1000000x32xf32, #tpu.memory_space<hbm>>) target(%dma_start3A_86 : memref<128x32xf32, #tpu.memory_space<vmem>>) offsets(%dma_start3A_89 : memref<128xi32, #tpu.memory_space<vmem>>) semaphore(%arg12 : memref<!tpu.dma_semaphore, #tpu.memory_space<semaphore_mem>>)
    %dma_start3A_93 = arith.constant 0 : i32
    %dma_start3A_94 = arith.constant 0 : i32
    %dma_start3A_95 = arith.constant 384 : i32
    %dma_start3A_96 = arith.constant 0 : i32
    %dma_start3A_97 = tpu.memref_slice %arg10[%dma_start3A_94, %dma_start3A_95, %dma_start3A_96] : memref<2x512x32xf32, #tpu.memory_space<vmem>> -> memref<1x128x32xf32, #tpu.memory_space<vmem>>
    %dma_start3A_98 = tpu.memref_squeeze %dma_start3A_97 : memref<1x128x32xf32, #tpu.memory_space<vmem>> -> memref<128x32xf32, #tpu.memory_space<vmem>>
    %dma_start3A_99 = arith.constant 384 : i32
    %dma_start3A_100 = tpu.memref_slice %arg7[%dma_start3A_93, %dma_start3A_99] : memref<2x512xi32, #tpu.memory_space<vmem>> -> memref<1x128xi32, #tpu.memory_space<vmem>>
    %dma_start3A_101 = tpu.memref_squeeze %dma_start3A_100 : memref<1x128xi32, #tpu.memory_space<vmem>> -> memref<128xi32, #tpu.memory_space<vmem>>
    %dma_start3A_102 = arith.constant 0 : i32
    %dma_start3A_103 = arith.constant 0 : i32
    %dma_start3A_104 = tpu.memref_slice %arg3[%dma_start3A_102, %dma_start3A_103] : memref<1000000x32xf32, #tpu.memory_space<hbm>> -> memref<1000000x32xf32, #tpu.memory_space<hbm>>
    tpu.enqueue_indirect_dma source(%dma_start3A_104 : memref<1000000x32xf32, #tpu.memory_space<hbm>>) target(%dma_start3A_98 : memref<128x32xf32, #tpu.memory_space<vmem>>) offsets(%dma_start3A_101 : memref<128xi32, #tpu.memory_space<vmem>>) semaphore(%arg12 : memref<!tpu.dma_semaphore, #tpu.memory_space<semaphore_mem>>)
    %scan3A_105 = arith.constant 0 : i32
    %scan3A_106 = arith.constant 0 : i32
    %scan3A_107 = arith.constant 200 : i32
    %scan3A_108 = arith.addi %scan3A_106, %scan3A_107 : i32
    %scan3A_109 = arith.constant 1 : i32
    scf.for %scan3A_147 = %scan3A_106 to %scan3A_108 step %scan3A_109  : i32 {
      %rem3A = arith.constant 2 : i32
      %rem3A_148 = arith.remsi %scan3A_147, %rem3A : i32
      %add3A_149 = arith.addi %mul3A_2, %scan3A_147 : i32
      %eq3A = arith.constant 0 : i32
      %eq3A_150 = arith.cmpi eq, %rem3A_148, %eq3A : i32
      %convert_element_type3A = arith.extui %eq3A_150 : i1 to i32
      %cond3A = arith.constant 0 : i32
      %cond3A_151 = arith.cmpi ne, %convert_element_type3A, %cond3A : i32
      scf.if %cond3A_151 {
        %add3A_157 = arith.constant 1 : i32
        %add3A_158 = arith.addi %add3A_149, %add3A_157 : i32
        %mul3A_159 = arith.constant 512 : i32
        %mul3A_160 = arith.muli %add3A_158, %mul3A_159 : i32
        %add3A_161 = arith.constant 1 : i32
        %add3A_162 = arith.addi %scan3A_147, %add3A_161 : i32
        %lt3A = arith.constant 200 : i32
        %lt3A_163 = arith.cmpi slt, %add3A_162, %lt3A : i32
        %convert_element_type3A_164 = arith.extui %lt3A_163 : i1 to i32
        %cond3A_165 = arith.constant 1 : i32
        %cond3A_166 = arith.constant 0 : i32
        %cond3A_167 = arith.cmpi ne, %convert_element_type3A_164, %cond3A_166 : i32
        scf.if %cond3A_167 {
          %dma_start3A_297 = arith.constant 0 : i32
          %dma_start3A_298 = tpu.memref_slice %arg5[%cond3A_165, %dma_start3A_297] : memref<2x512xf32, #tpu.memory_space<vmem>> -> memref<1x512xf32, #tpu.memory_space<vmem>>
          %dma_start3A_299 = tpu.memref_squeeze %dma_start3A_298 : memref<1x512xf32, #tpu.memory_space<vmem>> -> memref<512xf32, #tpu.memory_space<vmem>>
          %dma_start3A_300 = tpu.memref_slice %arg2[%mul3A_160] : memref<3276800xf32, #tpu.memory_space<hbm>> -> memref<512xf32, #tpu.memory_space<hbm>>
          %dma_start3A_301 = arith.constant 0 : i32
          %dma_start3A_302 = tpu.memref_slice %arg5[%cond3A_165, %dma_start3A_301] : memref<2x512xf32, #tpu.memory_space<vmem>> -> memref<1x512xf32, #tpu.memory_space<vmem>>
          %dma_start3A_303 = tpu.memref_squeeze %dma_start3A_302 : memref<1x512xf32, #tpu.memory_space<vmem>> -> memref<512xf32, #tpu.memory_space<vmem>>
          %dma_start3A_304 = tpu.memref_slice %arg2[%mul3A_160] : memref<3276800xf32, #tpu.memory_space<hbm>> -> memref<512xf32, #tpu.memory_space<hbm>>
          tpu.enqueue_dma source(%dma_start3A_304 : memref<512xf32, #tpu.memory_space<hbm>>) target(%dma_start3A_303 : memref<512xf32, #tpu.memory_space<vmem>>) target_semaphore(%arg11 : memref<!tpu.dma_semaphore, #tpu.memory_space<semaphore_mem>>)
        } else {
        }
        %dma_wait3A_168 = arith.constant 0 : i32
        %dma_wait3A_169 = arith.constant 0 : i32
        %dma_wait3A_170 = arith.constant 0 : i32
        %dma_wait3A_171 = arith.constant 0 : i32
        %dma_wait3A_172 = tpu.memref_slice %arg9[%dma_wait3A_169, %dma_wait3A_170, %dma_wait3A_171] : memref<2x512x32xf32, #tpu.memory_space<vmem>> -> memref<1x128x32xf32, #tpu.memory_space<vmem>>
        %dma_wait3A_173 = tpu.memref_squeeze %dma_wait3A_172 : memref<1x128x32xf32, #tpu.memory_space<vmem>> -> memref<128x32xf32, #tpu.memory_space<vmem>>
        %dma_wait3A_174 = arith.constant 0 : i32
        %dma_wait3A_175 = tpu.memref_slice %arg6[%dma_wait3A_168, %dma_wait3A_174] : memref<2x512xi32, #tpu.memory_space<vmem>> -> memref<1x128xi32, #tpu.memory_space<vmem>>
        %dma_wait3A_176 = tpu.memref_squeeze %dma_wait3A_175 : memref<1x128xi32, #tpu.memory_space<vmem>> -> memref<128xi32, #tpu.memory_space<vmem>>
        %dma_wait3A_177 = arith.constant 0 : i32
        %dma_wait3A_178 = arith.constant 0 : i32
        %dma_wait3A_179 = tpu.memref_slice %arg3[%dma_wait3A_177, %dma_wait3A_178] : memref<1000000x32xf32, #tpu.memory_space<hbm>> -> memref<1000000x32xf32, #tpu.memory_space<hbm>>
        tpu.wait_indirect_dma semaphore(%arg12 : memref<!tpu.dma_semaphore, #tpu.memory_space<semaphore_mem>>) src(%dma_wait3A_179 : memref<1000000x32xf32, #tpu.memory_space<hbm>>) dst(%dma_wait3A_173 : memref<128x32xf32, #tpu.memory_space<vmem>>)
        %dma_wait3A_180 = arith.constant 0 : i32
        %dma_wait3A_181 = arith.constant 0 : i32
        %dma_wait3A_182 = arith.constant 0 : i32
        %dma_wait3A_183 = arith.constant 0 : i32
        %dma_wait3A_184 = tpu.memref_slice %arg10[%dma_wait3A_181, %dma_wait3A_182, %dma_wait3A_183] : memref<2x512x32xf32, #tpu.memory_space<vmem>> -> memref<1x128x32xf32, #tpu.memory_space<vmem>>
        %dma_wait3A_185 = tpu.memref_squeeze %dma_wait3A_184 : memref<1x128x32xf32, #tpu.memory_space<vmem>> -> memref<128x32xf32, #tpu.memory_space<vmem>>
        %dma_wait3A_186 = arith.constant 0 : i32
        %dma_wait3A_187 = tpu.memref_slice %arg7[%dma_wait3A_180, %dma_wait3A_186] : memref<2x512xi32, #tpu.memory_space<vmem>> -> memref<1x128xi32, #tpu.memory_space<vmem>>
        %dma_wait3A_188 = tpu.memref_squeeze %dma_wait3A_187 : memref<1x128xi32, #tpu.memory_space<vmem>> -> memref<128xi32, #tpu.memory_space<vmem>>
        %dma_wait3A_189 = arith.constant 0 : i32
        %dma_wait3A_190 = arith.constant 0 : i32
        %dma_wait3A_191 = tpu.memref_slice %arg3[%dma_wait3A_189, %dma_wait3A_190] : memref<1000000x32xf32, #tpu.memory_space<hbm>> -> memref<1000000x32xf32, #tpu.memory_space<hbm>>
        tpu.wait_indirect_dma semaphore(%arg12 : memref<!tpu.dma_semaphore, #tpu.memory_space<semaphore_mem>>) src(%dma_wait3A_191 : memref<1000000x32xf32, #tpu.memory_space<hbm>>) dst(%dma_wait3A_185 : memref<128x32xf32, #tpu.memory_space<vmem>>)
        %dma_wait3A_192 = arith.constant 0 : i32
        %dma_wait3A_193 = arith.constant 0 : i32
        %dma_wait3A_194 = arith.constant 128 : i32
        %dma_wait3A_195 = arith.constant 0 : i32
        %dma_wait3A_196 = tpu.memref_slice %arg9[%dma_wait3A_193, %dma_wait3A_194, %dma_wait3A_195] : memref<2x512x32xf32, #tpu.memory_space<vmem>> -> memref<1x128x32xf32, #tpu.memory_space<vmem>>
        %dma_wait3A_197 = tpu.memref_squeeze %dma_wait3A_196 : memref<1x128x32xf32, #tpu.memory_space<vmem>> -> memref<128x32xf32, #tpu.memory_space<vmem>>
        %dma_wait3A_198 = arith.constant 128 : i32
        %dma_wait3A_199 = tpu.memref_slice %arg6[%dma_wait3A_192, %dma_wait3A_198] : memref<2x512xi32, #tpu.memory_space<vmem>> -> memref<1x128xi32, #tpu.memory_space<vmem>>
        %dma_wait3A_200 = tpu.memref_squeeze %dma_wait3A_199 : memref<1x128xi32, #tpu.memory_space<vmem>> -> memref<128xi32, #tpu.memory_space<vmem>>
        %dma_wait3A_201 = arith.constant 0 : i32
        %dma_wait3A_202 = arith.constant 0 : i32
        %dma_wait3A_203 = tpu.memref_slice %arg3[%dma_wait3A_201, %dma_wait3A_202] : memref<1000000x32xf32, #tpu.memory_space<hbm>> -> memref<1000000x32xf32, #tpu.memory_space<hbm>>
        tpu.wait_indirect_dma semaphore(%arg12 : memref<!tpu.dma_semaphore, #tpu.memory_space<semaphore_mem>>) src(%dma_wait3A_203 : memref<1000000x32xf32, #tpu.memory_space<hbm>>) dst(%dma_wait3A_197 : memref<128x32xf32, #tpu.memory_space<vmem>>)
        %dma_wait3A_204 = arith.constant 0 : i32
        %dma_wait3A_205 = arith.constant 0 : i32
        %dma_wait3A_206 = arith.constant 128 : i32
        %dma_wait3A_207 = arith.constant 0 : i32
        %dma_wait3A_208 = tpu.memref_slice %arg10[%dma_wait3A_205, %dma_wait3A_206, %dma_wait3A_207] : memref<2x512x32xf32, #tpu.memory_space<vmem>> -> memref<1x128x32xf32, #tpu.memory_space<vmem>>
        %dma_wait3A_209 = tpu.memref_squeeze %dma_wait3A_208 : memref<1x128x32xf32, #tpu.memory_space<vmem>> -> memref<128x32xf32, #tpu.memory_space<vmem>>
        %dma_wait3A_210 = arith.constant 128 : i32
        %dma_wait3A_211 = tpu.memref_slice %arg7[%dma_wait3A_204, %dma_wait3A_210] : memref<2x512xi32, #tpu.memory_space<vmem>> -> memref<1x128xi32, #tpu.memory_space<vmem>>
        %dma_wait3A_212 = tpu.memref_squeeze %dma_wait3A_211 : memref<1x128xi32, #tpu.memory_space<vmem>> -> memref<128xi32, #tpu.memory_space<vmem>>
        %dma_wait3A_213 = arith.constant 0 : i32
        %dma_wait3A_214 = arith.constant 0 : i32
        %dma_wait3A_215 = tpu.memref_slice %arg3[%dma_wait3A_213, %dma_wait3A_214] : memref<1000000x32xf32, #tpu.memory_space<hbm>> -> memref<1000000x32xf32, #tpu.memory_space<hbm>>
        tpu.wait_indirect_dma semaphore(%arg12 : memref<!tpu.dma_semaphore, #tpu.memory_space<semaphore_mem>>) src(%dma_wait3A_215 : memref<1000000x32xf32, #tpu.memory_space<hbm>>) dst(%dma_wait3A_209 : memref<128x32xf32, #tpu.memory_space<vmem>>)
        %dma_wait3A_216 = arith.constant 0 : i32
        %dma_wait3A_217 = arith.constant 0 : i32
        %dma_wait3A_218 = arith.constant 256 : i32
        %dma_wait3A_219 = arith.constant 0 : i32
        %dma_wait3A_220 = tpu.memref_slice %arg9[%dma_wait3A_217, %dma_wait3A_218, %dma_wait3A_219] : memref<2x512x32xf32, #tpu.memory_space<vmem>> -> memref<1x128x32xf32, #tpu.memory_space<vmem>>
        %dma_wait3A_221 = tpu.memref_squeeze %dma_wait3A_220 : memref<1x128x32xf32, #tpu.memory_space<vmem>> -> memref<128x32xf32, #tpu.memory_space<vmem>>
        %dma_wait3A_222 = arith.constant 256 : i32
        %dma_wait3A_223 = tpu.memref_slice %arg6[%dma_wait3A_216, %dma_wait3A_222] : memref<2x512xi32, #tpu.memory_space<vmem>> -> memref<1x128xi32, #tpu.memory_space<vmem>>
        %dma_wait3A_224 = tpu.memref_squeeze %dma_wait3A_223 : memref<1x128xi32, #tpu.memory_space<vmem>> -> memref<128xi32, #tpu.memory_space<vmem>>
        %dma_wait3A_225 = arith.constant 0 : i32
        %dma_wait3A_226 = arith.constant 0 : i32
        %dma_wait3A_227 = tpu.memref_slice %arg3[%dma_wait3A_225, %dma_wait3A_226] : memref<1000000x32xf32, #tpu.memory_space<hbm>> -> memref<1000000x32xf32, #tpu.memory_space<hbm>>
        tpu.wait_indirect_dma semaphore(%arg12 : memref<!tpu.dma_semaphore, #tpu.memory_space<semaphore_mem>>) src(%dma_wait3A_227 : memref<1000000x32xf32, #tpu.memory_space<hbm>>) dst(%dma_wait3A_221 : memref<128x32xf32, #tpu.memory_space<vmem>>)
        %dma_wait3A_228 = arith.constant 0 : i32
        %dma_wait3A_229 = arith.constant 0 : i32
        %dma_wait3A_230 = arith.constant 256 : i32
        %dma_wait3A_231 = arith.constant 0 : i32
        %dma_wait3A_232 = tpu.memref_slice %arg10[%dma_wait3A_229, %dma_wait3A_230, %dma_wait3A_231] : memref<2x512x32xf32, #tpu.memory_space<vmem>> -> memref<1x128x32xf32, #tpu.memory_space<vmem>>
        %dma_wait3A_233 = tpu.memref_squeeze %dma_wait3A_232 : memref<1x128x32xf32, #tpu.memory_space<vmem>> -> memref<128x32xf32, #tpu.memory_space<vmem>>
        %dma_wait3A_234 = arith.constant 256 : i32
        %dma_wait3A_235 = tpu.memref_slice %arg7[%dma_wait3A_228, %dma_wait3A_234] : memref<2x512xi32, #tpu.memory_space<vmem>> -> memref<1x128xi32, #tpu.memory_space<vmem>>
        %dma_wait3A_236 = tpu.memref_squeeze %dma_wait3A_235 : memref<1x128xi32, #tpu.memory_space<vmem>> -> memref<128xi32, #tpu.memory_space<vmem>>
        %dma_wait3A_237 = arith.constant 0 : i32
        %dma_wait3A_238 = arith.constant 0 : i32
        %dma_wait3A_239 = tpu.memref_slice %arg3[%dma_wait3A_237, %dma_wait3A_238] : memref<1000000x32xf32, #tpu.memory_space<hbm>> -> memref<1000000x32xf32, #tpu.memory_space<hbm>>
        tpu.wait_indirect_dma semaphore(%arg12 : memref<!tpu.dma_semaphore, #tpu.memory_space<semaphore_mem>>) src(%dma_wait3A_239 : memref<1000000x32xf32, #tpu.memory_space<hbm>>) dst(%dma_wait3A_233 : memref<128x32xf32, #tpu.memory_space<vmem>>)
        %dma_wait3A_240 = arith.constant 0 : i32
        %dma_wait3A_241 = arith.constant 0 : i32
        %dma_wait3A_242 = arith.constant 384 : i32
        %dma_wait3A_243 = arith.constant 0 : i32
        %dma_wait3A_244 = tpu.memref_slice %arg9[%dma_wait3A_241, %dma_wait3A_242, %dma_wait3A_243] : memref<2x512x32xf32, #tpu.memory_space<vmem>> -> memref<1x128x32xf32, #tpu.memory_space<vmem>>
        %dma_wait3A_245 = tpu.memref_squeeze %dma_wait3A_244 : memref<1x128x32xf32, #tpu.memory_space<vmem>> -> memref<128x32xf32, #tpu.memory_space<vmem>>
        %dma_wait3A_246 = arith.constant 384 : i32
        %dma_wait3A_247 = tpu.memref_slice %arg6[%dma_wait3A_240, %dma_wait3A_246] : memref<2x512xi32, #tpu.memory_space<vmem>> -> memref<1x128xi32, #tpu.memory_space<vmem>>
        %dma_wait3A_248 = tpu.memref_squeeze %dma_wait3A_247 : memref<1x128xi32, #tpu.memory_space<vmem>> -> memref<128xi32, #tpu.memory_space<vmem>>
        %dma_wait3A_249 = arith.constant 0 : i32
        %dma_wait3A_250 = arith.constant 0 : i32
        %dma_wait3A_251 = tpu.memref_slice %arg3[%dma_wait3A_249, %dma_wait3A_250] : memref<1000000x32xf32, #tpu.memory_space<hbm>> -> memref<1000000x32xf32, #tpu.memory_space<hbm>>
        tpu.wait_indirect_dma semaphore(%arg12 : memref<!tpu.dma_semaphore, #tpu.memory_space<semaphore_mem>>) src(%dma_wait3A_251 : memref<1000000x32xf32, #tpu.memory_space<hbm>>) dst(%dma_wait3A_245 : memref<128x32xf32, #tpu.memory_space<vmem>>)
        %dma_wait3A_252 = arith.constant 0 : i32
        %dma_wait3A_253 = arith.constant 0 : i32
        %dma_wait3A_254 = arith.constant 384 : i32
        %dma_wait3A_255 = arith.constant 0 : i32
        %dma_wait3A_256 = tpu.memref_slice %arg10[%dma_wait3A_253, %dma_wait3A_254, %dma_wait3A_255] : memref<2x512x32xf32, #tpu.memory_space<vmem>> -> memref<1x128x32xf32, #tpu.memory_space<vmem>>
        %dma_wait3A_257 = tpu.memref_squeeze %dma_wait3A_256 : memref<1x128x32xf32, #tpu.memory_space<vmem>> -> memref<128x32xf32, #tpu.memory_space<vmem>>
        %dma_wait3A_258 = arith.constant 384 : i32
        %dma_wait3A_259 = tpu.memref_slice %arg7[%dma_wait3A_252, %dma_wait3A_258] : memref<2x512xi32, #tpu.memory_space<vmem>> -> memref<1x128xi32, #tpu.memory_space<vmem>>
        %dma_wait3A_260 = tpu.memref_squeeze %dma_wait3A_259 : memref<1x128xi32, #tpu.memory_space<vmem>> -> memref<128xi32, #tpu.memory_space<vmem>>
        %dma_wait3A_261 = arith.constant 0 : i32
        %dma_wait3A_262 = arith.constant 0 : i32
        %dma_wait3A_263 = tpu.memref_slice %arg3[%dma_wait3A_261, %dma_wait3A_262] : memref<1000000x32xf32, #tpu.memory_space<hbm>> -> memref<1000000x32xf32, #tpu.memory_space<hbm>>
        tpu.wait_indirect_dma semaphore(%arg12 : memref<!tpu.dma_semaphore, #tpu.memory_space<semaphore_mem>>) src(%dma_wait3A_263 : memref<1000000x32xf32, #tpu.memory_space<hbm>>) dst(%dma_wait3A_257 : memref<128x32xf32, #tpu.memory_space<vmem>>)
        %add3A_264 = arith.constant 1 : i32
        %add3A_265 = arith.addi %scan3A_147, %add3A_264 : i32
        %lt3A_266 = arith.constant 200 : i32
        %lt3A_267 = arith.cmpi slt, %add3A_265, %lt3A_266 : i32
        %convert_element_type3A_268 = arith.extui %lt3A_267 : i1 to i32
        %cond3A_269 = arith.constant 1 : i32
        %cond3A_270 = arith.constant 0 : i32
        %cond3A_271 = arith.cmpi ne, %convert_element_type3A_268, %cond3A_270 : i32
        scf.if %cond3A_271 {
          %dma_wait3A_297 = arith.constant 0 : i32
          %dma_wait3A_298 = tpu.memref_slice %arg5[%cond3A_269, %dma_wait3A_297] : memref<2x512xf32, #tpu.memory_space<vmem>> -> memref<1x512xf32, #tpu.memory_space<vmem>>
          %dma_wait3A_299 = tpu.memref_squeeze %dma_wait3A_298 : memref<1x512xf32, #tpu.memory_space<vmem>> -> memref<512xf32, #tpu.memory_space<vmem>>
          %dma_wait3A_300 = tpu.memref_slice %arg2[%mul3A_160] : memref<3276800xf32, #tpu.memory_space<hbm>> -> memref<512xf32, #tpu.memory_space<hbm>>
          %dma_wait3A_301 = arith.constant 0 : i32
          %dma_wait3A_302 = tpu.memref_slice %arg5[%cond3A_269, %dma_wait3A_301] : memref<2x512xf32, #tpu.memory_space<vmem>> -> memref<1x512xf32, #tpu.memory_space<vmem>>
          %dma_wait3A_303 = tpu.memref_squeeze %dma_wait3A_302 : memref<1x512xf32, #tpu.memory_space<vmem>> -> memref<512xf32, #tpu.memory_space<vmem>>
          %dma_wait3A_304 = tpu.memref_slice %arg2[%mul3A_160] : memref<3276800xf32, #tpu.memory_space<hbm>> -> memref<512xf32, #tpu.memory_space<hbm>>
          tpu.wait_dma2 semaphore(%arg11 : memref<!tpu.dma_semaphore, #tpu.memory_space<semaphore_mem>>) src(%dma_wait3A_304 : memref<512xf32, #tpu.memory_space<hbm>>) dst(%dma_wait3A_303 : memref<512xf32, #tpu.memory_space<vmem>>)
          %scan3A_305 = arith.constant 0 : i32
          %scan3A_306 = arith.constant 0 : i32
          %scan3A_307 = arith.constant 32 : i32
          %scan3A_308 = arith.addi %scan3A_306, %scan3A_307 : i32
          %scan3A_309 = arith.constant 1 : i32
          scf.for %scan3A_407 = %scan3A_306 to %scan3A_308 step %scan3A_309  : i32 {
            %mul3A_408 = arith.constant 16 : i32
            %mul3A_409 = arith.muli %scan3A_407, %mul3A_408 : i32
            %get3A = arith.constant 1 : i32
            %get3A_410 = arith.index_cast %get3A : i32 to index
            %get3A_411 = arith.index_cast %mul3A_409 : i32 to index
            %get3A_412 = tpu.vector_load %arg5[%get3A_410, %get3A_411] {strides = array<i32>} : memref<2x512xf32, #tpu.memory_space<vmem>>, vector<1x16xf32>,
            %get3A_413 = vector.shape_cast %get3A_412 : vector<1x16xf32> to vector<16xf32>
            %max3A = arith.constant 0.000000e+00 : f32
            %max3A_414 = vector.broadcast %max3A : f32 to vector<16xf32>
            %max3A_415 = arith.maximumf %get3A_413, %max3A_414 : vector<16xf32>
            %min3A = arith.constant 1.000000e+00 : f32
            %min3A_416 = vector.broadcast %min3A : f32 to vector<16xf32>
            %min3A_417 = arith.minimumf %max3A_415, %min3A_416 : vector<16xf32>
            %mul3A_418 = arith.constant 9.999990e+05 : f32
            %mul3A_419 = vector.broadcast %mul3A_418 : f32 to vector<16xf32>
            %mul3A_420 = arith.mulf %min3A_417, %mul3A_419 : vector<16xf32>
            %convert_element_type3A_421 = arith.fptosi %mul3A_420 : vector<16xf32> to vector<16xi32>
            %convert_element_type3A_422 = arith.sitofp %convert_element_type3A_421 : vector<16xi32> to vector<16xf32>
            %sub3A_423 = arith.subf %mul3A_420, %convert_element_type3A_422 : vector<16xf32>
            %swap3A = arith.constant 1 : i32
            %swap3A_424 = arith.index_cast %swap3A : i32 to index
            %swap3A_425 = arith.index_cast %mul3A_409 : i32 to index
            %swap3A_426 = tpu.vector_load %arg6[%swap3A_424, %swap3A_425] {strides = array<i32>} : memref<2x512xi32, #tpu.memory_space<vmem>>, vector<1x16xi32>,
            %swap3A_427 = vector.shape_cast %swap3A_426 : vector<1x16xi32> to vector<16xi32>
            %swap3A_428 = vector.shape_cast %convert_element_type3A_421 : vector<16xi32> to vector<1x16xi32>
            tpu.vector_store %arg6[%swap3A_424, %swap3A_425], %swap3A_428 {strides = array<i32>} : memref<2x512xi32, #tpu.memory_space<vmem>>, vector<1x16xi32>,
            %add3A_429 = arith.constant 1 : i32
            %add3A_430 = vector.broadcast %add3A_429 : i32 to vector<16xi32>
            %add3A_431 = arith.addi %convert_element_type3A_421, %add3A_430 : vector<16xi32>
            %min3A_432 = arith.constant 999999 : i32
            %min3A_433 = vector.broadcast %min3A_432 : i32 to vector<16xi32>
            %min3A_434 = arith.minsi %add3A_431, %min3A_433 : vector<16xi32>
            %swap3A_435 = arith.constant 1 : i32
            %swap3A_436 = arith.index_cast %swap3A_435 : i32 to index
            %swap3A_437 = arith.index_cast %mul3A_409 : i32 to index
            %swap3A_438 = tpu.vector_load %arg7[%swap3A_436, %swap3A_437] {strides = array<i32>} : memref<2x512xi32, #tpu.memory_space<vmem>>, vector<1x16xi32>,
            %swap3A_439 = vector.shape_cast %swap3A_438 : vector<1x16xi32> to vector<16xi32>
            %swap3A_440 = vector.shape_cast %min3A_434 : vector<16xi32> to vector<1x16xi32>
            tpu.vector_store %arg7[%swap3A_436, %swap3A_437], %swap3A_440 {strides = array<i32>} : memref<2x512xi32, #tpu.memory_space<vmem>>, vector<1x16xi32>,
            %swap3A_441 = arith.constant 1 : i32
            %swap3A_442 = arith.index_cast %swap3A_441 : i32 to index
            %swap3A_443 = arith.index_cast %mul3A_409 : i32 to index
            %swap3A_444 = tpu.vector_load %arg8[%swap3A_442, %swap3A_443] {strides = array<i32>} : memref<2x512xf32, #tpu.memory_space<vmem>>, vector<1x16xf32>,
            %swap3A_445 = vector.shape_cast %swap3A_444 : vector<1x16xf32> to vector<16xf32>
            %swap3A_446 = vector.shape_cast %sub3A_423 : vector<16xf32> to vector<1x16xf32>
            tpu.vector_store %arg8[%swap3A_442, %swap3A_443], %swap3A_446 {strides = array<i32>} : memref<2x512xf32, #tpu.memory_space<vmem>>, vector<1x16xf32>,
          }
          %scan3A_310 = arith.constant 32 : i32
          %dma_start3A_311 = arith.constant 1 : i32
          %dma_start3A_312 = arith.constant 1 : i32
          %dma_start3A_313 = arith.constant 0 : i32
          %dma_start3A_314 = arith.constant 0 : i32
          %dma_start3A_315 = tpu.memref_slice %arg9[%dma_start3A_312, %dma_start3A_313, %dma_start3A_314] : memref<2x512x32xf32, #tpu.memory_space<vmem>> -> memref<1x128x32xf32, #tpu.memory_space<vmem>>
          %dma_start3A_316 = tpu.memref_squeeze %dma_start3A_315 : memref<1x128x32xf32, #tpu.memory_space<vmem>> -> memref<128x32xf32, #tpu.memory_space<vmem>>
          %dma_start3A_317 = arith.constant 0 : i32
          %dma_start3A_318 = tpu.memref_slice %arg6[%dma_start3A_311, %dma_start3A_317] : memref<2x512xi32, #tpu.memory_space<vmem>> -> memref<1x128xi32, #tpu.memory_space<vmem>>
          %dma_start3A_319 = tpu.memref_squeeze %dma_start3A_318 : memref<1x128xi32, #tpu.memory_space<vmem>> -> memref<128xi32, #tpu.memory_space<vmem>>
          %dma_start3A_320 = arith.constant 0 : i32
          %dma_start3A_321 = arith.constant 0 : i32
          %dma_start3A_322 = tpu.memref_slice %arg3[%dma_start3A_320, %dma_start3A_321] : memref<1000000x32xf32, #tpu.memory_space<hbm>> -> memref<1000000x32xf32, #tpu.memory_space<hbm>>
          tpu.enqueue_indirect_dma source(%dma_start3A_322 : memref<1000000x32xf32, #tpu.memory_space<hbm>>) target(%dma_start3A_316 : memref<128x32xf32, #tpu.memory_space<vmem>>) offsets(%dma_start3A_319 : memref<128xi32, #tpu.memory_space<vmem>>) semaphore(%arg12 : memref<!tpu.dma_semaphore, #tpu.memory_space<semaphore_mem>>)
          %dma_start3A_323 = arith.constant 1 : i32
          %dma_start3A_324 = arith.constant 1 : i32
          %dma_start3A_325 = arith.constant 0 : i32
          %dma_start3A_326 = arith.constant 0 : i32
          %dma_start3A_327 = tpu.memref_slice %arg10[%dma_start3A_324, %dma_start3A_325, %dma_start3A_326] : memref<2x512x32xf32, #tpu.memory_space<vmem>> -> memref<1x128x32xf32, #tpu.memory_space<vmem>>
          %dma_start3A_328 = tpu.memref_squeeze %dma_start3A_327 : memref<1x128x32xf32, #tpu.memory_space<vmem>> -> memref<128x32xf32, #tpu.memory_space<vmem>>
          %dma_start3A_329 = arith.constant 0 : i32
          %dma_start3A_330 = tpu.memref_slice %arg7[%dma_start3A_323, %dma_start3A_329] : memref<2x512xi32, #tpu.memory_space<vmem>> -> memref<1x128xi32, #tpu.memory_space<vmem>>
          %dma_start3A_331 = tpu.memref_squeeze %dma_start3A_330 : memref<1x128xi32, #tpu.memory_space<vmem>> -> memref<128xi32, #tpu.memory_space<vmem>>
          %dma_start3A_332 = arith.constant 0 : i32
          %dma_start3A_333 = arith.constant 0 : i32
          %dma_start3A_334 = tpu.memref_slice %arg3[%dma_start3A_332, %dma_start3A_333] : memref<1000000x32xf32, #tpu.memory_space<hbm>> -> memref<1000000x32xf32, #tpu.memory_space<hbm>>
          tpu.enqueue_indirect_dma source(%dma_start3A_334 : memref<1000000x32xf32, #tpu.memory_space<hbm>>) target(%dma_start3A_328 : memref<128x32xf32, #tpu.memory_space<vmem>>) offsets(%dma_start3A_331 : memref<128xi32, #tpu.memory_space<vmem>>) semaphore(%arg12 : memref<!tpu.dma_semaphore, #tpu.memory_space<semaphore_mem>>)
          %dma_start3A_335 = arith.constant 1 : i32
          %dma_start3A_336 = arith.constant 1 : i32
          %dma_start3A_337 = arith.constant 128 : i32
          %dma_start3A_338 = arith.constant 0 : i32
          %dma_start3A_339 = tpu.memref_slice %arg9[%dma_start3A_336, %dma_start3A_337, %dma_start3A_338] : memref<2x512x32xf32, #tpu.memory_space<vmem>> -> memref<1x128x32xf32, #tpu.memory_space<vmem>>
          %dma_start3A_340 = tpu.memref_squeeze %dma_start3A_339 : memref<1x128x32xf32, #tpu.memory_space<vmem>> -> memref<128x32xf32, #tpu.memory_space<vmem>>
          %dma_start3A_341 = arith.constant 128 : i32
          %dma_start3A_342 = tpu.memref_slice %arg6[%dma_start3A_335, %dma_start3A_341] : memref<2x512xi32, #tpu.memory_space<vmem>> -> memref<1x128xi32, #tpu.memory_space<vmem>>
          %dma_start3A_343 = tpu.memref_squeeze %dma_start3A_342 : memref<1x128xi32, #tpu.memory_space<vmem>> -> memref<128xi32, #tpu.memory_space<vmem>>
          %dma_start3A_344 = arith.constant 0 : i32
          %dma_start3A_345 = arith.constant 0 : i32
          %dma_start3A_346 = tpu.memref_slice %arg3[%dma_start3A_344, %dma_start3A_345] : memref<1000000x32xf32, #tpu.memory_space<hbm>> -> memref<1000000x32xf32, #tpu.memory_space<hbm>>
          tpu.enqueue_indirect_dma source(%dma_start3A_346 : memref<1000000x32xf32, #tpu.memory_space<hbm>>) target(%dma_start3A_340 : memref<128x32xf32, #tpu.memory_space<vmem>>) offsets(%dma_start3A_343 : memref<128xi32, #tpu.memory_space<vmem>>) semaphore(%arg12 : memref<!tpu.dma_semaphore, #tpu.memory_space<semaphore_mem>>)
          %dma_start3A_347 = arith.constant 1 : i32
          %dma_start3A_348 = arith.constant 1 : i32
          %dma_start3A_349 = arith.constant 128 : i32
          %dma_start3A_350 = arith.constant 0 : i32
          %dma_start3A_351 = tpu.memref_slice %arg10[%dma_start3A_348, %dma_start3A_349, %dma_start3A_350] : memref<2x512x32xf32, #tpu.memory_space<vmem>> -> memref<1x128x32xf32, #tpu.memory_space<vmem>>
          %dma_start3A_352 = tpu.memref_squeeze %dma_start3A_351 : memref<1x128x32xf32, #tpu.memory_space<vmem>> -> memref<128x32xf32, #tpu.memory_space<vmem>>
          %dma_start3A_353 = arith.constant 128 : i32
          %dma_start3A_354 = tpu.memref_slice %arg7[%dma_start3A_347, %dma_start3A_353] : memref<2x512xi32, #tpu.memory_space<vmem>> -> memref<1x128xi32, #tpu.memory_space<vmem>>
          %dma_start3A_355 = tpu.memref_squeeze %dma_start3A_354 : memref<1x128xi32, #tpu.memory_space<vmem>> -> memref<128xi32, #tpu.memory_space<vmem>>
          %dma_start3A_356 = arith.constant 0 : i32
          %dma_start3A_357 = arith.constant 0 : i32
          %dma_start3A_358 = tpu.memref_slice %arg3[%dma_start3A_356, %dma_start3A_357] : memref<1000000x32xf32, #tpu.memory_space<hbm>> -> memref<1000000x32xf32, #tpu.memory_space<hbm>>
          tpu.enqueue_indirect_dma source(%dma_start3A_358 : memref<1000000x32xf32, #tpu.memory_space<hbm>>) target(%dma_start3A_352 : memref<128x32xf32, #tpu.memory_space<vmem>>) offsets(%dma_start3A_355 : memref<128xi32, #tpu.memory_space<vmem>>) semaphore(%arg12 : memref<!tpu.dma_semaphore, #tpu.memory_space<semaphore_mem>>)
          %dma_start3A_359 = arith.constant 1 : i32
          %dma_start3A_360 = arith.constant 1 : i32
          %dma_start3A_361 = arith.constant 256 : i32
          %dma_start3A_362 = arith.constant 0 : i32
          %dma_start3A_363 = tpu.memref_slice %arg9[%dma_start3A_360, %dma_start3A_361, %dma_start3A_362] : memref<2x512x32xf32, #tpu.memory_space<vmem>> -> memref<1x128x32xf32, #tpu.memory_space<vmem>>
          %dma_start3A_364 = tpu.memref_squeeze %dma_start3A_363 : memref<1x128x32xf32, #tpu.memory_space<vmem>> -> memref<128x32xf32, #tpu.memory_space<vmem>>
          %dma_start3A_365 = arith.constant 256 : i32
          %dma_start3A_366 = tpu.memref_slice %arg6[%dma_start3A_359, %dma_start3A_365] : memref<2x512xi32, #tpu.memory_space<vmem>> -> memref<1x128xi32, #tpu.memory_space<vmem>>
          %dma_start3A_367 = tpu.memref_squeeze %dma_start3A_366 : memref<1x128xi32, #tpu.memory_space<vmem>> -> memref<128xi32, #tpu.memory_space<vmem>>
          %dma_start3A_368 = arith.constant 0 : i32
          %dma_start3A_369 = arith.constant 0 : i32
          %dma_start3A_370 = tpu.memref_slice %arg3[%dma_start3A_368, %dma_start3A_369] : memref<1000000x32xf32, #tpu.memory_space<hbm>> -> memref<1000000x32xf32, #tpu.memory_space<hbm>>
          tpu.enqueue_indirect_dma source(%dma_start3A_370 : memref<1000000x32xf32, #tpu.memory_space<hbm>>) target(%dma_start3A_364 : memref<128x32xf32, #tpu.memory_space<vmem>>) offsets(%dma_start3A_367 : memref<128xi32, #tpu.memory_space<vmem>>) semaphore(%arg12 : memref<!tpu.dma_semaphore, #tpu.memory_space<semaphore_mem>>)
          %dma_start3A_371 = arith.constant 1 : i32
          %dma_start3A_372 = arith.constant 1 : i32
          %dma_start3A_373 = arith.constant 256 : i32
          %dma_start3A_374 = arith.constant 0 : i32
          %dma_start3A_375 = tpu.memref_slice %arg10[%dma_start3A_372, %dma_start3A_373, %dma_start3A_374] : memref<2x512x32xf32, #tpu.memory_space<vmem>> -> memref<1x128x32xf32, #tpu.memory_space<vmem>>
          %dma_start3A_376 = tpu.memref_squeeze %dma_start3A_375 : memref<1x128x32xf32, #tpu.memory_space<vmem>> -> memref<128x32xf32, #tpu.memory_space<vmem>>
          %dma_start3A_377 = arith.constant 256 : i32
          %dma_start3A_378 = tpu.memref_slice %arg7[%dma_start3A_371, %dma_start3A_377] : memref<2x512xi32, #tpu.memory_space<vmem>> -> memref<1x128xi32, #tpu.memory_space<vmem>>
          %dma_start3A_379 = tpu.memref_squeeze %dma_start3A_378 : memref<1x128xi32, #tpu.memory_space<vmem>> -> memref<128xi32, #tpu.memory_space<vmem>>
          %dma_start3A_380 = arith.constant 0 : i32
          %dma_start3A_381 = arith.constant 0 : i32
          %dma_start3A_382 = tpu.memref_slice %arg3[%dma_start3A_380, %dma_start3A_381] : memref<1000000x32xf32, #tpu.memory_space<hbm>> -> memref<1000000x32xf32, #tpu.memory_space<hbm>>
          tpu.enqueue_indirect_dma source(%dma_start3A_382 : memref<1000000x32xf32, #tpu.memory_space<hbm>>) target(%dma_start3A_376 : memref<128x32xf32, #tpu.memory_space<vmem>>) offsets(%dma_start3A_379 : memref<128xi32, #tpu.memory_space<vmem>>) semaphore(%arg12 : memref<!tpu.dma_semaphore, #tpu.memory_space<semaphore_mem>>)
          %dma_start3A_383 = arith.constant 1 : i32
          %dma_start3A_384 = arith.constant 1 : i32
          %dma_start3A_385 = arith.constant 384 : i32
          %dma_start3A_386 = arith.constant 0 : i32
          %dma_start3A_387 = tpu.memref_slice %arg9[%dma_start3A_384, %dma_start3A_385, %dma_start3A_386] : memref<2x512x32xf32, #tpu.memory_space<vmem>> -> memref<1x128x32xf32, #tpu.memory_space<vmem>>
          %dma_start3A_388 = tpu.memref_squeeze %dma_start3A_387 : memref<1x128x32xf32, #tpu.memory_space<vmem>> -> memref<128x32xf32, #tpu.memory_space<vmem>>
          %dma_start3A_389 = arith.constant 384 : i32
          %dma_start3A_390 = tpu.memref_slice %arg6[%dma_start3A_383, %dma_start3A_389] : memref<2x512xi32, #tpu.memory_space<vmem>> -> memref<1x128xi32, #tpu.memory_space<vmem>>
          %dma_start3A_391 = tpu.memref_squeeze %dma_start3A_390 : memref<1x128xi32, #tpu.memory_space<vmem>> -> memref<128xi32, #tpu.memory_space<vmem>>
          %dma_start3A_392 = arith.constant 0 : i32
          %dma_start3A_393 = arith.constant 0 : i32
          %dma_start3A_394 = tpu.memref_slice %arg3[%dma_start3A_392, %dma_start3A_393] : memref<1000000x32xf32, #tpu.memory_space<hbm>> -> memref<1000000x32xf32, #tpu.memory_space<hbm>>
          tpu.enqueue_indirect_dma source(%dma_start3A_394 : memref<1000000x32xf32, #tpu.memory_space<hbm>>) target(%dma_start3A_388 : memref<128x32xf32, #tpu.memory_space<vmem>>) offsets(%dma_start3A_391 : memref<128xi32, #tpu.memory_space<vmem>>) semaphore(%arg12 : memref<!tpu.dma_semaphore, #tpu.memory_space<semaphore_mem>>)
          %dma_start3A_395 = arith.constant 1 : i32
          %dma_start3A_396 = arith.constant 1 : i32
          %dma_start3A_397 = arith.constant 384 : i32
          %dma_start3A_398 = arith.constant 0 : i32
          %dma_start3A_399 = tpu.memref_slice %arg10[%dma_start3A_396, %dma_start3A_397, %dma_start3A_398] : memref<2x512x32xf32, #tpu.memory_space<vmem>> -> memref<1x128x32xf32, #tpu.memory_space<vmem>>
          %dma_start3A_400 = tpu.memref_squeeze %dma_start3A_399 : memref<1x128x32xf32, #tpu.memory_space<vmem>> -> memref<128x32xf32, #tpu.memory_space<vmem>>
          %dma_start3A_401 = arith.constant 384 : i32
          %dma_start3A_402 = tpu.memref_slice %arg7[%dma_start3A_395, %dma_start3A_401] : memref<2x512xi32, #tpu.memory_space<vmem>> -> memref<1x128xi32, #tpu.memory_space<vmem>>
          %dma_start3A_403 = tpu.memref_squeeze %dma_start3A_402 : memref<1x128xi32, #tpu.memory_space<vmem>> -> memref<128xi32, #tpu.memory_space<vmem>>
          %dma_start3A_404 = arith.constant 0 : i32
          %dma_start3A_405 = arith.constant 0 : i32
          %dma_start3A_406 = tpu.memref_slice %arg3[%dma_start3A_404, %dma_start3A_405] : memref<1000000x32xf32, #tpu.memory_space<hbm>> -> memref<1000000x32xf32, #tpu.memory_space<hbm>>
          tpu.enqueue_indirect_dma source(%dma_start3A_406 : memref<1000000x32xf32, #tpu.memory_space<hbm>>) target(%dma_start3A_400 : memref<128x32xf32, #tpu.memory_space<vmem>>) offsets(%dma_start3A_403 : memref<128xi32, #tpu.memory_space<vmem>>) semaphore(%arg12 : memref<!tpu.dma_semaphore, #tpu.memory_space<semaphore_mem>>)
        } else {
        }
        %ge3A = arith.constant 2 : i32
        %ge3A_272 = arith.cmpi sge, %scan3A_147, %ge3A : i32
        %convert_element_type3A_273 = arith.extui %ge3A_272 : i1 to i32
        %cond3A_274 = arith.constant 0 : i32
        %cond3A_275 = arith.cmpi ne, %convert_element_type3A_273, %cond3A_274 : i32
        scf.if %cond3A_275 {
          %sub3A_297 = arith.constant 2 : i32
          %sub3A_298 = arith.subi %add3A_149, %sub3A_297 : i32
          %mul3A_299 = arith.constant 512 : i32
          %mul3A_300 = arith.muli %sub3A_298, %mul3A_299 : i32
          %dma_wait3A_301 = arith.constant 0 : i32
          %dma_wait3A_302 = arith.constant 0 : i32
          %dma_wait3A_303 = arith.constant 0 : i32
          %dma_wait3A_304 = tpu.memref_slice %arg9[%dma_wait3A_301, %dma_wait3A_302, %dma_wait3A_303] : memref<2x512x32xf32, #tpu.memory_space<vmem>> -> memref<1x512x32xf32, #tpu.memory_space<vmem>>
          %dma_wait3A_305 = tpu.memref_squeeze %dma_wait3A_304 : memref<1x512x32xf32, #tpu.memory_space<vmem>> -> memref<512x32xf32, #tpu.memory_space<vmem>>
          %dma_wait3A_306 = arith.constant 0 : i32
          %dma_wait3A_307 = tpu.memref_slice %arg4[%mul3A_300, %dma_wait3A_306] : memref<3276800x32xf32, #tpu.memory_space<hbm>> -> memref<512x32xf32, #tpu.memory_space<hbm>>
          %dma_wait3A_308 = arith.constant 0 : i32
          %dma_wait3A_309 = tpu.memref_slice %arg4[%mul3A_300, %dma_wait3A_308] : memref<3276800x32xf32, #tpu.memory_space<hbm>> -> memref<512x32xf32, #tpu.memory_space<hbm>>
          %dma_wait3A_310 = arith.constant 0 : i32
          %dma_wait3A_311 = arith.constant 0 : i32
          %dma_wait3A_312 = tpu.memref_slice %arg9[%dma_wait3A_301, %dma_wait3A_310, %dma_wait3A_311] : memref<2x512x32xf32, #tpu.memory_space<vmem>> -> memref<1x512x32xf32, #tpu.memory_space<vmem>>
          %dma_wait3A_313 = tpu.memref_squeeze %dma_wait3A_312 : memref<1x512x32xf32, #tpu.memory_space<vmem>> -> memref<512x32xf32, #tpu.memory_space<vmem>>
          tpu.wait_dma2 semaphore(%arg13 : memref<!tpu.dma_semaphore, #tpu.memory_space<semaphore_mem>>) src(%dma_wait3A_313 : memref<512x32xf32, #tpu.memory_space<vmem>>) dst(%dma_wait3A_309 : memref<512x32xf32, #tpu.memory_space<hbm>>)
        } else {
        }
        %scan3A_276 = arith.constant 0 : i32
        %scan3A_277 = arith.constant 0 : i32
        %scan3A_278 = arith.constant 32 : i32
        %scan3A_279 = arith.addi %scan3A_277, %scan3A_278 : i32
        %scan3A_280 = arith.constant 1 : i32
        scf.for %scan3A_297 = %scan3A_277 to %scan3A_279 step %scan3A_280  : i32 {
          %mul3A_298 = arith.constant 16 : i32
          %mul3A_299 = arith.muli %scan3A_297, %mul3A_298 : i32
          %get3A = arith.constant 0 : i32
          %get3A_300 = arith.index_cast %get3A : i32 to index
          %get3A_301 = arith.index_cast %mul3A_299 : i32 to index
          %get3A_302 = tpu.vector_load %arg8[%get3A_300, %get3A_301] {strides = array<i32>} : memref<2x512xf32, #tpu.memory_space<vmem>>, vector<1x16xf32>,
          %get3A_303 = vector.shape_cast %get3A_302 : vector<1x16xf32> to vector<16xf32>
          %mul3A_304 = arith.constant 16 : i32
          %mul3A_305 = arith.muli %scan3A_297, %mul3A_304 : i32
          %add3A_306 = arith.constant 0 : i32
          %add3A_307 = arith.addi %mul3A_305, %add3A_306 : i32
          %slice3A = vector.extract_strided_slice %get3A_303 {offsets = [0], sizes = [1], strides = [1]} : vector<16xf32> to vector<1xf32>
          %broadcast_in_dim3A = vector.shape_cast %slice3A : vector<1xf32> to vector<1xf32>
          %broadcast_in_dim3A_308 = vector.broadcast %broadcast_in_dim3A : vector<1xf32> to vector<16xf32>
          %get3A_309 = arith.constant 0 : i32
          %get3A_310 = arith.index_cast %get3A_309 : i32 to index
          %get3A_311 = arith.index_cast %add3A_307 : i32 to index
          %get3A_312 = arith.constant 0 : index
          %get3A_313 = tpu.vector_load %arg9[%get3A_310, %get3A_311, %get3A_312] {strides = array<i32>} : memref<2x512x32xf32, #tpu.memory_space<vmem>>, vector<1x1x16xf32>,
          %get3A_314 = vector.shape_cast %get3A_313 : vector<1x1x16xf32> to vector<16xf32>
          %get3A_315 = arith.constant 0 : i32
          %get3A_316 = arith.index_cast %get3A_315 : i32 to index
          %get3A_317 = arith.index_cast %add3A_307 : i32 to index
          %get3A_318 = arith.constant 0 : index
          %get3A_319 = tpu.vector_load %arg10[%get3A_316, %get3A_317, %get3A_318] {strides = array<i32>} : memref<2x512x32xf32, #tpu.memory_space<vmem>>, vector<1x1x16xf32>,
          %get3A_320 = vector.shape_cast %get3A_319 : vector<1x1x16xf32> to vector<16xf32>
          %get3A_321 = arith.constant 0 : i32
          %get3A_322 = arith.index_cast %get3A_321 : i32 to index
          %get3A_323 = arith.index_cast %add3A_307 : i32 to index
          %get3A_324 = arith.constant 16 : index
          %get3A_325 = tpu.vector_load %arg9[%get3A_322, %get3A_323, %get3A_324] {strides = array<i32>} : memref<2x512x32xf32, #tpu.memory_space<vmem>>, vector<1x1x16xf32>,
          %get3A_326 = vector.shape_cast %get3A_325 : vector<1x1x16xf32> to vector<16xf32>
          %get3A_327 = arith.constant 0 : i32
          %get3A_328 = arith.index_cast %get3A_327 : i32 to index
          %get3A_329 = arith.index_cast %add3A_307 : i32 to index
          %get3A_330 = arith.constant 16 : index
          %get3A_331 = tpu.vector_load %arg10[%get3A_328, %get3A_329, %get3A_330] {strides = array<i32>} : memref<2x512x32xf32, #tpu.memory_space<vmem>>, vector<1x1x16xf32>,
          %get3A_332 = vector.shape_cast %get3A_331 : vector<1x1x16xf32> to vector<16xf32>
          %sub3A_333 = arith.subf %get3A_320, %get3A_314 : vector<16xf32>
          %mul3A_334 = arith.mulf %broadcast_in_dim3A_308, %sub3A_333 : vector<16xf32>
          %add3A_335 = arith.addf %get3A_314, %mul3A_334 : vector<16xf32>
          %swap3A = arith.constant 0 : i32
          %swap3A_336 = arith.index_cast %swap3A : i32 to index
          %swap3A_337 = arith.index_cast %add3A_307 : i32 to index
          %swap3A_338 = arith.constant 0 : index
          %swap3A_339 = tpu.vector_load %arg9[%swap3A_336, %swap3A_337, %swap3A_338] {strides = array<i32>} : memref<2x512x32xf32, #tpu.memory_space<vmem>>, vector<1x1x16xf32>,
          %swap3A_340 = vector.shape_cast %swap3A_339 : vector<1x1x16xf32> to vector<16xf32>
          %swap3A_341 = vector.shape_cast %add3A_335 : vector<16xf32> to vector<1x1x16xf32>
          tpu.vector_store %arg9[%swap3A_336, %swap3A_337, %swap3A_338], %swap3A_341 {strides = array<i32>} : memref<2x512x32xf32, #tpu.memory_space<vmem>>, vector<1x1x16xf32>,
          %sub3A_342 = arith.subf %get3A_332, %get3A_326 : vector<16xf32>
          %mul3A_343 = arith.mulf %broadcast_in_dim3A_308, %sub3A_342 : vector<16xf32>
          %add3A_344 = arith.addf %get3A_326, %mul3A_343 : vector<16xf32>
          %swap3A_345 = arith.constant 0 : i32
          %swap3A_346 = arith.index_cast %swap3A_345 : i32 to index
          %swap3A_347 = arith.index_cast %add3A_307 : i32 to index
          %swap3A_348 = arith.constant 16 : index
          %swap3A_349 = tpu.vector_load %arg9[%swap3A_346, %swap3A_347, %swap3A_348] {strides = array<i32>} : memref<2x512x32xf32, #tpu.memory_space<vmem>>, vector<1x1x16xf32>,
          %swap3A_350 = vector.shape_cast %swap3A_349 : vector<1x1x16xf32> to vector<16xf32>
          %swap3A_351 = vector.shape_cast %add3A_344 : vector<16xf32> to vector<1x1x16xf32>
          tpu.vector_store %arg9[%swap3A_346, %swap3A_347, %swap3A_348], %swap3A_351 {strides = array<i32>} : memref<2x512x32xf32, #tpu.memory_space<vmem>>, vector<1x1x16xf32>,
          %add3A_352 = arith.constant 1 : i32
          %add3A_353 = arith.addi %mul3A_305, %add3A_352 : i32
          %slice3A_354 = vector.extract_strided_slice %get3A_303 {offsets = [1], sizes = [1], strides = [1]} : vector<16xf32> to vector<1xf32>
          %broadcast_in_dim3A_355 = vector.shape_cast %slice3A_354 : vector<1xf32> to vector<1xf32>
          %broadcast_in_dim3A_356 = vector.broadcast %broadcast_in_dim3A_355 : vector<1xf32> to vector<16xf32>
          %get3A_357 = arith.constant 0 : i32
          %get3A_358 = arith.index_cast %get3A_357 : i32 to index
          %get3A_359 = arith.index_cast %add3A_353 : i32 to index
          %get3A_360 = arith.constant 0 : index
          %get3A_361 = tpu.vector_load %arg9[%get3A_358, %get3A_359, %get3A_360] {strides = array<i32>} : memref<2x512x32xf32, #tpu.memory_space<vmem>>, vector<1x1x16xf32>,
          %get3A_362 = vector.shape_cast %get3A_361 : vector<1x1x16xf32> to vector<16xf32>
          %get3A_363 = arith.constant 0 : i32
          %get3A_364 = arith.index_cast %get3A_363 : i32 to index
          %get3A_365 = arith.index_cast %add3A_353 : i32 to index
          %get3A_366 = arith.constant 0 : index
          %get3A_367 = tpu.vector_load %arg10[%get3A_364, %get3A_365, %get3A_366] {strides = array<i32>} : memref<2x512x32xf32, #tpu.memory_space<vmem>>, vector<1x1x16xf32>,
          %get3A_368 = vector.shape_cast %get3A_367 : vector<1x1x16xf32> to vector<16xf32>
          %get3A_369 = arith.constant 0 : i32
          %get3A_370 = arith.index_cast %get3A_369 : i32 to index
          %get3A_371 = arith.index_cast %add3A_353 : i32 to index
          %get3A_372 = arith.constant 16 : index
          %get3A_373 = tpu.vector_load %arg9[%get3A_370, %get3A_371, %get3A_372] {strides = array<i32>} : memref<2x512x32xf32, #tpu.memory_space<vmem>>, vector<1x1x16xf32>,
          %get3A_374 = vector.shape_cast %get3A_373 : vector<1x1x16xf32> to vector<16xf32>
          %get3A_375 = arith.constant 0 : i32
          %get3A_376 = arith.index_cast %get3A_375 : i32 to index
          %get3A_377 = arith.index_cast %add3A_353 : i32 to index
          %get3A_378 = arith.constant 16 : index
          %get3A_379 = tpu.vector_load %arg10[%get3A_376, %get3A_377, %get3A_378] {strides = array<i32>} : memref<2x512x32xf32, #tpu.memory_space<vmem>>, vector<1x1x16xf32>,
          %get3A_380 = vector.shape_cast %get3A_379 : vector<1x1x16xf32> to vector<16xf32>
          %sub3A_381 = arith.subf %get3A_368, %get3A_362 : vector<16xf32>
          %mul3A_382 = arith.mulf %broadcast_in_dim3A_356, %sub3A_381 : vector<16xf32>
          %add3A_383 = arith.addf %get3A_362, %mul3A_382 : vector<16xf32>
          %swap3A_384 = arith.constant 0 : i32
          %swap3A_385 = arith.index_cast %swap3A_384 : i32 to index
          %swap3A_386 = arith.index_cast %add3A_353 : i32 to index
          %swap3A_387 = arith.constant 0 : index
          %swap3A_388 = tpu.vector_load %arg9[%swap3A_385, %swap3A_386, %swap3A_387] {strides = array<i32>} : memref<2x512x32xf32, #tpu.memory_space<vmem>>, vector<1x1x16xf32>,
          %swap3A_389 = vector.shape_cast %swap3A_388 : vector<1x1x16xf32> to vector<16xf32>
          %swap3A_390 = vector.shape_cast %add3A_383 : vector<16xf32> to vector<1x1x16xf32>
          tpu.vector_store %arg9[%swap3A_385, %swap3A_386, %swap3A_387], %swap3A_390 {strides = array<i32>} : memref<2x512x32xf32, #tpu.memory_space<vmem>>, vector<1x1x16xf32>,
          %sub3A_391 = arith.subf %get3A_380, %get3A_374 : vector<16xf32>
          %mul3A_392 = arith.mulf %broadcast_in_dim3A_356, %sub3A_391 : vector<16xf32>
          %add3A_393 = arith.addf %get3A_374, %mul3A_392 : vector<16xf32>
          %swap3A_394 = arith.constant 0 : i32
          %swap3A_395 = arith.index_cast %swap3A_394 : i32 to index
          %swap3A_396 = arith.index_cast %add3A_353 : i32 to index
          %swap3A_397 = arith.constant 16 : index
          %swap3A_398 = tpu.vector_load %arg9[%swap3A_395, %swap3A_396, %swap3A_397] {strides = array<i32>} : memref<2x512x32xf32, #tpu.memory_space<vmem>>, vector<1x1x16xf32>,
          %swap3A_399 = vector.shape_cast %swap3A_398 : vector<1x1x16xf32> to vector<16xf32>
          %swap3A_400 = vector.shape_cast %add3A_393 : vector<16xf32> to vector<1x1x16xf32>
          tpu.vector_store %arg9[%swap3A_395, %swap3A_396, %swap3A_397], %swap3A_400 {strides = array<i32>} : memref<2x512x32xf32, #tpu.memory_space<vmem>>, vector<1x1x16xf32>,
          %add3A_401 = arith.constant 2 : i32
          %add3A_402 = arith.addi %mul3A_305, %add3A_401 : i32
          %slice3A_403 = vector.extract_strided_slice %get3A_303 {offsets = [2], sizes = [1], strides = [1]} : vector<16xf32> to vector<1xf32>
          %broadcast_in_dim3A_404 = vector.shape_cast %slice3A_403 : vector<1xf32> to vector<1xf32>
          %broadcast_in_dim3A_405 = vector.broadcast %broadcast_in_dim3A_404 : vector<1xf32> to vector<16xf32>
          %get3A_406 = arith.constant 0 : i32
          %get3A_407 = arith.index_cast %get3A_406 : i32 to index
          %get3A_408 = arith.index_cast %add3A_402 : i32 to index
          %get3A_409 = arith.constant 0 : index
          %get3A_410 = tpu.vector_load %arg9[%get3A_407, %get3A_408, %get3A_409] {strides = array<i32>} : memref<2x512x32xf32, #tpu.memory_space<vmem>>, vector<1x1x16xf32>,
          %get3A_411 = vector.shape_cast %get3A_410 : vector<1x1x16xf32> to vector<16xf32>
          %get3A_412 = arith.constant 0 : i32
          %get3A_413 = arith.index_cast %get3A_412 : i32 to index
          %get3A_414 = arith.index_cast %add3A_402 : i32 to index
          %get3A_415 = arith.constant 0 : index
          %get3A_416 = tpu.vector_load %arg10[%get3A_413, %get3A_414, %get3A_415] {strides = array<i32>} : memref<2x512x32xf32, #tpu.memory_space<vmem>>, vector<1x1x16xf32>,
          %get3A_417 = vector.shape_cast %get3A_416 : vector<1x1x16xf32> to vector<16xf32>
          %get3A_418 = arith.constant 0 : i32
          %get3A_419 = arith.index_cast %get3A_418 : i32 to index
          %get3A_420 = arith.index_cast %add3A_402 : i32 to index
          %get3A_421 = arith.constant 16 : index
          %get3A_422 = tpu.vector_load %arg9[%get3A_419, %get3A_420, %get3A_421] {strides = array<i32>} : memref<2x512x32xf32, #tpu.memory_space<vmem>>, vector<1x1x16xf32>,
          %get3A_423 = vector.shape_cast %get3A_422 : vector<1x1x16xf32> to vector<16xf32>
          %get3A_424 = arith.constant 0 : i32
          %get3A_425 = arith.index_cast %get3A_424 : i32 to index
          %get3A_426 = arith.index_cast %add3A_402 : i32 to index
          %get3A_427 = arith.constant 16 : index
          %get3A_428 = tpu.vector_load %arg10[%get3A_425, %get3A_426, %get3A_427] {strides = array<i32>} : memref<2x512x32xf32, #tpu.memory_space<vmem>>, vector<1x1x16xf32>,
          %get3A_429 = vector.shape_cast %get3A_428 : vector<1x1x16xf32> to vector<16xf32>
          %sub3A_430 = arith.subf %get3A_417, %get3A_411 : vector<16xf32>
          %mul3A_431 = arith.mulf %broadcast_in_dim3A_405, %sub3A_430 : vector<16xf32>
          %add3A_432 = arith.addf %get3A_411, %mul3A_431 : vector<16xf32>
          %swap3A_433 = arith.constant 0 : i32
          %swap3A_434 = arith.index_cast %swap3A_433 : i32 to index
          %swap3A_435 = arith.index_cast %add3A_402 : i32 to index
          %swap3A_436 = arith.constant 0 : index
          %swap3A_437 = tpu.vector_load %arg9[%swap3A_434, %swap3A_435, %swap3A_436] {strides = array<i32>} : memref<2x512x32xf32, #tpu.memory_space<vmem>>, vector<1x1x16xf32>,
          %swap3A_438 = vector.shape_cast %swap3A_437 : vector<1x1x16xf32> to vector<16xf32>
          %swap3A_439 = vector.shape_cast %add3A_432 : vector<16xf32> to vector<1x1x16xf32>
          tpu.vector_store %arg9[%swap3A_434, %swap3A_435, %swap3A_436], %swap3A_439 {strides = array<i32>} : memref<2x512x32xf32, #tpu.memory_space<vmem>>, vector<1x1x16xf32>,
          %sub3A_440 = arith.subf %get3A_429, %get3A_423 : vector<16xf32>
          %mul3A_441 = arith.mulf %broadcast_in_dim3A_405, %sub3A_440 : vector<16xf32>
          %add3A_442 = arith.addf %get3A_423, %mul3A_441 : vector<16xf32>
          %swap3A_443 = arith.constant 0 : i32
          %swap3A_444 = arith.index_cast %swap3A_443 : i32 to index
          %swap3A_445 = arith.index_cast %add3A_402 : i32 to index
          %swap3A_446 = arith.constant 16 : index
          %swap3A_447 = tpu.vector_load %arg9[%swap3A_444, %swap3A_445, %swap3A_446] {strides = array<i32>} : memref<2x512x32xf32, #tpu.memory_space<vmem>>, vector<1x1x16xf32>,
          %swap3A_448 = vector.shape_cast %swap3A_447 : vector<1x1x16xf32> to vector<16xf32>
          %swap3A_449 = vector.shape_cast %add3A_442 : vector<16xf32> to vector<1x1x16xf32>
          tpu.vector_store %arg9[%swap3A_444, %swap3A_445, %swap3A_446], %swap3A_449 {strides = array<i32>} : memref<2x512x32xf32, #tpu.memory_space<vmem>>, vector<1x1x16xf32>,
          %add3A_450 = arith.constant 3 : i32
          %add3A_451 = arith.addi %mul3A_305, %add3A_450 : i32
          %slice3A_452 = vector.extract_strided_slice %get3A_303 {offsets = [3], sizes = [1], strides = [1]} : vector<16xf32> to vector<1xf32>
          %broadcast_in_dim3A_453 = vector.shape_cast %slice3A_452 : vector<1xf32> to vector<1xf32>
          %broadcast_in_dim3A_454 = vector.broadcast %broadcast_in_dim3A_453 : vector<1xf32> to vector<16xf32>
          %get3A_455 = arith.constant 0 : i32
          %get3A_456 = arith.index_cast %get3A_455 : i32 to index
          %get3A_457 = arith.index_cast %add3A_451 : i32 to index
          %get3A_458 = arith.constant 0 : index
          %get3A_459 = tpu.vector_load %arg9[%get3A_456, %get3A_457, %get3A_458] {strides = array<i32>} : memref<2x512x32xf32, #tpu.memory_space<vmem>>, vector<1x1x16xf32>,
          %get3A_460 = vector.shape_cast %get3A_459 : vector<1x1x16xf32> to vector<16xf32>
          %get3A_461 = arith.constant 0 : i32
          %get3A_462 = arith.index_cast %get3A_461 : i32 to index
          %get3A_463 = arith.index_cast %add3A_451 : i32 to index
          %get3A_464 = arith.constant 0 : index
          %get3A_465 = tpu.vector_load %arg10[%get3A_462, %get3A_463, %get3A_464] {strides = array<i32>} : memref<2x512x32xf32, #tpu.memory_space<vmem>>, vector<1x1x16xf32>,
          %get3A_466 = vector.shape_cast %get3A_465 : vector<1x1x16xf32> to vector<16xf32>
          %get3A_467 = arith.constant 0 : i32
          %get3A_468 = arith.index_cast %get3A_467 : i32 to index
          %get3A_469 = arith.index_cast %add3A_451 : i32 to index
          %get3A_470 = arith.constant 16 : index
          %get3A_471 = tpu.vector_load %arg9[%get3A_468, %get3A_469, %get3A_470] {strides = array<i32>} : memref<2x512x32xf32, #tpu.memory_space<vmem>>, vector<1x1x16xf32>,
          %get3A_472 = vector.shape_cast %get3A_471 : vector<1x1x16xf32> to vector<16xf32>
          %get3A_473 = arith.constant 0 : i32
          %get3A_474 = arith.index_cast %get3A_473 : i32 to index
          %get3A_475 = arith.index_cast %add3A_451 : i32 to index
          %get3A_476 = arith.constant 16 : index
          %get3A_477 = tpu.vector_load %arg10[%get3A_474, %get3A_475, %get3A_476] {strides = array<i32>} : memref<2x512x32xf32, #tpu.memory_space<vmem>>, vector<1x1x16xf32>,
          %get3A_478 = vector.shape_cast %get3A_477 : vector<1x1x16xf32> to vector<16xf32>
          %sub3A_479 = arith.subf %get3A_466, %get3A_460 : vector<16xf32>
          %mul3A_480 = arith.mulf %broadcast_in_dim3A_454, %sub3A_479 : vector<16xf32>
          %add3A_481 = arith.addf %get3A_460, %mul3A_480 : vector<16xf32>
          %swap3A_482 = arith.constant 0 : i32
          %swap3A_483 = arith.index_cast %swap3A_482 : i32 to index
          %swap3A_484 = arith.index_cast %add3A_451 : i32 to index
          %swap3A_485 = arith.constant 0 : index
          %swap3A_486 = tpu.vector_load %arg9[%swap3A_483, %swap3A_484, %swap3A_485] {strides = array<i32>} : memref<2x512x32xf32, #tpu.memory_space<vmem>>, vector<1x1x16xf32>,
          %swap3A_487 = vector.shape_cast %swap3A_486 : vector<1x1x16xf32> to vector<16xf32>
          %swap3A_488 = vector.shape_cast %add3A_481 : vector<16xf32> to vector<1x1x16xf32>
          tpu.vector_store %arg9[%swap3A_483, %swap3A_484, %swap3A_485], %swap3A_488 {strides = array<i32>} : memref<2x512x32xf32, #tpu.memory_space<vmem>>, vector<1x1x16xf32>,
          %sub3A_489 = arith.subf %get3A_478, %get3A_472 : vector<16xf32>
          %mul3A_490 = arith.mulf %broadcast_in_dim3A_454, %sub3A_489 : vector<16xf32>
          %add3A_491 = arith.addf %get3A_472, %mul3A_490 : vector<16xf32>
          %swap3A_492 = arith.constant 0 : i32
          %swap3A_493 = arith.index_cast %swap3A_492 : i32 to index
          %swap3A_494 = arith.index_cast %add3A_451 : i32 to index
          %swap3A_495 = arith.constant 16 : index
          %swap3A_496 = tpu.vector_load %arg9[%swap3A_493, %swap3A_494, %swap3A_495] {strides = array<i32>} : memref<2x512x32xf32, #tpu.memory_space<vmem>>, vector<1x1x16xf32>,
          %swap3A_497 = vector.shape_cast %swap3A_496 : vector<1x1x16xf32> to vector<16xf32>
          %swap3A_498 = vector.shape_cast %add3A_491 : vector<16xf32> to vector<1x1x16xf32>
          tpu.vector_store %arg9[%swap3A_493, %swap3A_494, %swap3A_495], %swap3A_498 {strides = array<i32>} : memref<2x512x32xf32, #tpu.memory_space<vmem>>, vector<1x1x16xf32>,
          %add3A_499 = arith.constant 4 : i32
          %add3A_500 = arith.addi %mul3A_305, %add3A_499 : i32
          %slice3A_501 = vector.extract_strided_slice %get3A_303 {offsets = [4], sizes = [1], strides = [1]} : vector<16xf32> to vector<1xf32>
          %broadcast_in_dim3A_502 = vector.shape_cast %slice3A_501 : vector<1xf32> to vector<1xf32>
          %broadcast_in_dim3A_503 = vector.broadcast %broadcast_in_dim3A_502 : vector<1xf32> to vector<16xf32>
          %get3A_504 = arith.constant 0 : i32
          %get3A_505 = arith.index_cast %get3A_504 : i32 to index
          %get3A_506 = arith.index_cast %add3A_500 : i32 to index
          %get3A_507 = arith.constant 0 : index
          %get3A_508 = tpu.vector_load %arg9[%get3A_505, %get3A_506, %get3A_507] {strides = array<i32>} : memref<2x512x32xf32, #tpu.memory_space<vmem>>, vector<1x1x16xf32>,
          %get3A_509 = vector.shape_cast %get3A_508 : vector<1x1x16xf32> to vector<16xf32>
          %get3A_510 = arith.constant 0 : i32
          %get3A_511 = arith.index_cast %get3A_510 : i32 to index
          %get3A_512 = arith.index_cast %add3A_500 : i32 to index
          %get3A_513 = arith.constant 0 : index
          %get3A_514 = tpu.vector_load %arg10[%get3A_511, %get3A_512, %get3A_513] {strides = array<i32>} : memref<2x512x32xf32, #tpu.memory_space<vmem>>, vector<1x1x16xf32>,
          %get3A_515 = vector.shape_cast %get3A_514 : vector<1x1x16xf32> to vector<16xf32>
          %get3A_516 = arith.constant 0 : i32
          %get3A_517 = arith.index_cast %get3A_516 : i32 to index
          %get3A_518 = arith.index_cast %add3A_500 : i32 to index
          %get3A_519 = arith.constant 16 : index
          %get3A_520 = tpu.vector_load %arg9[%get3A_517, %get3A_518, %get3A_519] {strides = array<i32>} : memref<2x512x32xf32, #tpu.memory_space<vmem>>, vector<1x1x16xf32>,
          %get3A_521 = vector.shape_cast %get3A_520 : vector<1x1x16xf32> to vector<16xf32>
          %get3A_522 = arith.constant 0 : i32
          %get3A_523 = arith.index_cast %get3A_522 : i32 to index
          %get3A_524 = arith.index_cast %add3A_500 : i32 to index
          %get3A_525 = arith.constant 16 : index
          %get3A_526 = tpu.vector_load %arg10[%get3A_523, %get3A_524, %get3A_525] {strides = array<i32>} : memref<2x512x32xf32, #tpu.memory_space<vmem>>, vector<1x1x16xf32>,
          %get3A_527 = vector.shape_cast %get3A_526 : vector<1x1x16xf32> to vector<16xf32>
          %sub3A_528 = arith.subf %get3A_515, %get3A_509 : vector<16xf32>
          %mul3A_529 = arith.mulf %broadcast_in_dim3A_503, %sub3A_528 : vector<16xf32>
          %add3A_530 = arith.addf %get3A_509, %mul3A_529 : vector<16xf32>
          %swap3A_531 = arith.constant 0 : i32
          %swap3A_532 = arith.index_cast %swap3A_531 : i32 to index
          %swap3A_533 = arith.index_cast %add3A_500 : i32 to index
          %swap3A_534 = arith.constant 0 : index
          %swap3A_535 = tpu.vector_load %arg9[%swap3A_532, %swap3A_533, %swap3A_534] {strides = array<i32>} : memref<2x512x32xf32, #tpu.memory_space<vmem>>, vector<1x1x16xf32>,
          %swap3A_536 = vector.shape_cast %swap3A_535 : vector<1x1x16xf32> to vector<16xf32>
          %swap3A_537 = vector.shape_cast %add3A_530 : vector<16xf32> to vector<1x1x16xf32>
          tpu.vector_store %arg9[%swap3A_532, %swap3A_533, %swap3A_534], %swap3A_537 {strides = array<i32>} : memref<2x512x32xf32, #tpu.memory_space<vmem>>, vector<1x1x16xf32>,
          %sub3A_538 = arith.subf %get3A_527, %get3A_521 : vector<16xf32>
          %mul3A_539 = arith.mulf %broadcast_in_dim3A_503, %sub3A_538 : vector<16xf32>
          %add3A_540 = arith.addf %get3A_521, %mul3A_539 : vector<16xf32>
          %swap3A_541 = arith.constant 0 : i32
          %swap3A_542 = arith.index_cast %swap3A_541 : i32 to index
          %swap3A_543 = arith.index_cast %add3A_500 : i32 to index
          %swap3A_544 = arith.constant 16 : index
          %swap3A_545 = tpu.vector_load %arg9[%swap3A_542, %swap3A_543, %swap3A_544] {strides = array<i32>} : memref<2x512x32xf32, #tpu.memory_space<vmem>>, vector<1x1x16xf32>,
          %swap3A_546 = vector.shape_cast %swap3A_545 : vector<1x1x16xf32> to vector<16xf32>
          %swap3A_547 = vector.shape_cast %add3A_540 : vector<16xf32> to vector<1x1x16xf32>
          tpu.vector_store %arg9[%swap3A_542, %swap3A_543, %swap3A_544], %swap3A_547 {strides = array<i32>} : memref<2x512x32xf32, #tpu.memory_space<vmem>>, vector<1x1x16xf32>,
          %add3A_548 = arith.constant 5 : i32
          %add3A_549 = arith.addi %mul3A_305, %add3A_548 : i32
          %slice3A_550 = vector.extract_strided_slice %get3A_303 {offsets = [5], sizes = [1], strides = [1]} : vector<16xf32> to vector<1xf32>
          %broadcast_in_dim3A_551 = vector.shape_cast %slice3A_550 : vector<1xf32> to vector<1xf32>
          %broadcast_in_dim3A_552 = vector.broadcast %broadcast_in_dim3A_551 : vector<1xf32> to vector<16xf32>
          %get3A_553 = arith.constant 0 : i32
          %get3A_554 = arith.index_cast %get3A_553 : i32 to index
          %get3A_555 = arith.index_cast %add3A_549 : i32 to index
          %get3A_556 = arith.constant 0 : index
          %get3A_557 = tpu.vector_load %arg9[%get3A_554, %get3A_555, %get3A_556] {strides = array<i32>} : memref<2x512x32xf32, #tpu.memory_space<vmem>>, vector<1x1x16xf32>,
          %get3A_558 = vector.shape_cast %get3A_557 : vector<1x1x16xf32> to vector<16xf32>
          %get3A_559 = arith.constant 0 : i32
          %get3A_560 = arith.index_cast %get3A_559 : i32 to index
          %get3A_561 = arith.index_cast %add3A_549 : i32 to index
          %get3A_562 = arith.constant 0 : index
          %get3A_563 = tpu.vector_load %arg10[%get3A_560, %get3A_561, %get3A_562] {strides = array<i32>} : memref<2x512x32xf32, #tpu.memory_space<vmem>>, vector<1x1x16xf32>,
          %get3A_564 = vector.shape_cast %get3A_563 : vector<1x1x16xf32> to vector<16xf32>
          %get3A_565 = arith.constant 0 : i32
          %get3A_566 = arith.index_cast %get3A_565 : i32 to index
          %get3A_567 = arith.index_cast %add3A_549 : i32 to index
          %get3A_568 = arith.constant 16 : index
          %get3A_569 = tpu.vector_load %arg9[%get3A_566, %get3A_567, %get3A_568] {strides = array<i32>} : memref<2x512x32xf32, #tpu.memory_space<vmem>>, vector<1x1x16xf32>,
          %get3A_570 = vector.shape_cast %get3A_569 : vector<1x1x16xf32> to vector<16xf32>
          %get3A_571 = arith.constant 0 : i32
          %get3A_572 = arith.index_cast %get3A_571 : i32 to index
          %get3A_573 = arith.index_cast %add3A_549 : i32 to index
          %get3A_574 = arith.constant 16 : index
          %get3A_575 = tpu.vector_load %arg10[%get3A_572, %get3A_573, %get3A_574] {strides = array<i32>} : memref<2x512x32xf32, #tpu.memory_space<vmem>>, vector<1x1x16xf32>,
          %get3A_576 = vector.shape_cast %get3A_575 : vector<1x1x16xf32> to vector<16xf32>
          %sub3A_577 = arith.subf %get3A_564, %get3A_558 : vector<16xf32>
          %mul3A_578 = arith.mulf %broadcast_in_dim3A_552, %sub3A_577 : vector<16xf32>
          %add3A_579 = arith.addf %get3A_558, %mul3A_578 : vector<16xf32>
          %swap3A_580 = arith.constant 0 : i32
          %swap3A_581 = arith.index_cast %swap3A_580 : i32 to index
          %swap3A_582 = arith.index_cast %add3A_549 : i32 to index
          %swap3A_583 = arith.constant 0 : index
          %swap3A_584 = tpu.vector_load %arg9[%swap3A_581, %swap3A_582, %swap3A_583] {strides = array<i32>} : memref<2x512x32xf32, #tpu.memory_space<vmem>>, vector<1x1x16xf32>,
          %swap3A_585 = vector.shape_cast %swap3A_584 : vector<1x1x16xf32> to vector<16xf32>
          %swap3A_586 = vector.shape_cast %add3A_579 : vector<16xf32> to vector<1x1x16xf32>
          tpu.vector_store %arg9[%swap3A_581, %swap3A_582, %swap3A_583], %swap3A_586 {strides = array<i32>} : memref<2x512x32xf32, #tpu.memory_space<vmem>>, vector<1x1x16xf32>,
          %sub3A_587 = arith.subf %get3A_576, %get3A_570 : vector<16xf32>
          %mul3A_588 = arith.mulf %broadcast_in_dim3A_552, %sub3A_587 : vector<16xf32>
          %add3A_589 = arith.addf %get3A_570, %mul3A_588 : vector<16xf32>
          %swap3A_590 = arith.constant 0 : i32
          %swap3A_591 = arith.index_cast %swap3A_590 : i32 to index
          %swap3A_592 = arith.index_cast %add3A_549 : i32 to index
          %swap3A_593 = arith.constant 16 : index
          %swap3A_594 = tpu.vector_load %arg9[%swap3A_591, %swap3A_592, %swap3A_593] {strides = array<i32>} : memref<2x512x32xf32, #tpu.memory_space<vmem>>, vector<1x1x16xf32>,
          %swap3A_595 = vector.shape_cast %swap3A_594 : vector<1x1x16xf32> to vector<16xf32>
          %swap3A_596 = vector.shape_cast %add3A_589 : vector<16xf32> to vector<1x1x16xf32>
          tpu.vector_store %arg9[%swap3A_591, %swap3A_592, %swap3A_593], %swap3A_596 {strides = array<i32>} : memref<2x512x32xf32, #tpu.memory_space<vmem>>, vector<1x1x16xf32>,
          %add3A_597 = arith.constant 6 : i32
          %add3A_598 = arith.addi %mul3A_305, %add3A_597 : i32
          %slice3A_599 = vector.extract_strided_slice %get3A_303 {offsets = [6], sizes = [1], strides = [1]} : vector<16xf32> to vector<1xf32>
          %broadcast_in_dim3A_600 = vector.shape_cast %slice3A_599 : vector<1xf32> to vector<1xf32>
          %broadcast_in_dim3A_601 = vector.broadcast %broadcast_in_dim3A_600 : vector<1xf32> to vector<16xf32>
          %get3A_602 = arith.constant 0 : i32
          %get3A_603 = arith.index_cast %get3A_602 : i32 to index
          %get3A_604 = arith.index_cast %add3A_598 : i32 to index
          %get3A_605 = arith.constant 0 : index
          %get3A_606 = tpu.vector_load %arg9[%get3A_603, %get3A_604, %get3A_605] {strides = array<i32>} : memref<2x512x32xf32, #tpu.memory_space<vmem>>, vector<1x1x16xf32>,
          %get3A_607 = vector.shape_cast %get3A_606 : vector<1x1x16xf32> to vector<16xf32>
          %get3A_608 = arith.constant 0 : i32
          %get3A_609 = arith.index_cast %get3A_608 : i32 to index
          %get3A_610 = arith.index_cast %add3A_598 : i32 to index
          %get3A_611 = arith.constant 0 : index
          %get3A_612 = tpu.vector_load %arg10[%get3A_609, %get3A_610, %get3A_611] {strides = array<i32>} : memref<2x512x32xf32, #tpu.memory_space<vmem>>, vector<1x1x16xf32>,
          %get3A_613 = vector.shape_cast %get3A_612 : vector<1x1x16xf32> to vector<16xf32>
          %get3A_614 = arith.constant 0 : i32
          %get3A_615 = arith.index_cast %get3A_614 : i32 to index
          %get3A_616 = arith.index_cast %add3A_598 : i32 to index
          %get3A_617 = arith.constant 16 : index
          %get3A_618 = tpu.vector_load %arg9[%get3A_615, %get3A_616, %get3A_617] {strides = array<i32>} : memref<2x512x32xf32, #tpu.memory_space<vmem>>, vector<1x1x16xf32>,
          %get3A_619 = vector.shape_cast %get3A_618 : vector<1x1x16xf32> to vector<16xf32>
          %get3A_620 = arith.constant 0 : i32
          %get3A_621 = arith.index_cast %get3A_620 : i32 to index
          %get3A_622 = arith.index_cast %add3A_598 : i32 to index
          %get3A_623 = arith.constant 16 : index
          %get3A_624 = tpu.vector_load %arg10[%get3A_621, %get3A_622, %get3A_623] {strides = array<i32>} : memref<2x512x32xf32, #tpu.memory_space<vmem>>, vector<1x1x16xf32>,
          %get3A_625 = vector.shape_cast %get3A_624 : vector<1x1x16xf32> to vector<16xf32>
          %sub3A_626 = arith.subf %get3A_613, %get3A_607 : vector<16xf32>
          %mul3A_627 = arith.mulf %broadcast_in_dim3A_601, %sub3A_626 : vector<16xf32>
          %add3A_628 = arith.addf %get3A_607, %mul3A_627 : vector<16xf32>
          %swap3A_629 = arith.constant 0 : i32
          %swap3A_630 = arith.index_cast %swap3A_629 : i32 to index
          %swap3A_631 = arith.index_cast %add3A_598 : i32 to index
          %swap3A_632 = arith.constant 0 : index
          %swap3A_633 = tpu.vector_load %arg9[%swap3A_630, %swap3A_631, %swap3A_632] {strides = array<i32>} : memref<2x512x32xf32, #tpu.memory_space<vmem>>, vector<1x1x16xf32>,
          %swap3A_634 = vector.shape_cast %swap3A_633 : vector<1x1x16xf32> to vector<16xf32>
          %swap3A_635 = vector.shape_cast %add3A_628 : vector<16xf32> to vector<1x1x16xf32>
          tpu.vector_store %arg9[%swap3A_630, %swap3A_631, %swap3A_632], %swap3A_635 {strides = array<i32>} : memref<2x512x32xf32, #tpu.memory_space<vmem>>, vector<1x1x16xf32>,
          %sub3A_636 = arith.subf %get3A_625, %get3A_619 : vector<16xf32>
          %mul3A_637 = arith.mulf %broadcast_in_dim3A_601, %sub3A_636 : vector<16xf32>
          %add3A_638 = arith.addf %get3A_619, %mul3A_637 : vector<16xf32>
          %swap3A_639 = arith.constant 0 : i32
          %swap3A_640 = arith.index_cast %swap3A_639 : i32 to index
          %swap3A_641 = arith.index_cast %add3A_598 : i32 to index
          %swap3A_642 = arith.constant 16 : index
          %swap3A_643 = tpu.vector_load %arg9[%swap3A_640, %swap3A_641, %swap3A_642] {strides = array<i32>} : memref<2x512x32xf32, #tpu.memory_space<vmem>>, vector<1x1x16xf32>,
          %swap3A_644 = vector.shape_cast %swap3A_643 : vector<1x1x16xf32> to vector<16xf32>
          %swap3A_645 = vector.shape_cast %add3A_638 : vector<16xf32> to vector<1x1x16xf32>
          tpu.vector_store %arg9[%swap3A_640, %swap3A_641, %swap3A_642], %swap3A_645 {strides = array<i32>} : memref<2x512x32xf32, #tpu.memory_space<vmem>>, vector<1x1x16xf32>,
          %add3A_646 = arith.constant 7 : i32
          %add3A_647 = arith.addi %mul3A_305, %add3A_646 : i32
          %slice3A_648 = vector.extract_strided_slice %get3A_303 {offsets = [7], sizes = [1], strides = [1]} : vector<16xf32> to vector<1xf32>
          %broadcast_in_dim3A_649 = vector.shape_cast %slice3A_648 : vector<1xf32> to vector<1xf32>
          %broadcast_in_dim3A_650 = vector.broadcast %broadcast_in_dim3A_649 : vector<1xf32> to vector<16xf32>
          %get3A_651 = arith.constant 0 : i32
          %get3A_652 = arith.index_cast %get3A_651 : i32 to index
          %get3A_653 = arith.index_cast %add3A_647 : i32 to index
          %get3A_654 = arith.constant 0 : index
          %get3A_655 = tpu.vector_load %arg9[%get3A_652, %get3A_653, %get3A_654] {strides = array<i32>} : memref<2x512x32xf32, #tpu.memory_space<vmem>>, vector<1x1x16xf32>,
          %get3A_656 = vector.shape_cast %get3A_655 : vector<1x1x16xf32> to vector<16xf32>
          %get3A_657 = arith.constant 0 : i32
          %get3A_658 = arith.index_cast %get3A_657 : i32 to index
          %get3A_659 = arith.index_cast %add3A_647 : i32 to index
          %get3A_660 = arith.constant 0 : index
          %get3A_661 = tpu.vector_load %arg10[%get3A_658, %get3A_659, %get3A_660] {strides = array<i32>} : memref<2x512x32xf32, #tpu.memory_space<vmem>>, vector<1x1x16xf32>,
          %get3A_662 = vector.shape_cast %get3A_661 : vector<1x1x16xf32> to vector<16xf32>
          %get3A_663 = arith.constant 0 : i32
          %get3A_664 = arith.index_cast %get3A_663 : i32 to index
          %get3A_665 = arith.index_cast %add3A_647 : i32 to index
          %get3A_666 = arith.constant 16 : index
          %get3A_667 = tpu.vector_load %arg9[%get3A_664, %get3A_665, %get3A_666] {strides = array<i32>} : memref<2x512x32xf32, #tpu.memory_space<vmem>>, vector<1x1x16xf32>,
          %get3A_668 = vector.shape_cast %get3A_667 : vector<1x1x16xf32> to vector<16xf32>
          %get3A_669 = arith.constant 0 : i32
          %get3A_670 = arith.index_cast %get3A_669 : i32 to index
          %get3A_671 = arith.index_cast %add3A_647 : i32 to index
          %get3A_672 = arith.constant 16 : index
          %get3A_673 = tpu.vector_load %arg10[%get3A_670, %get3A_671, %get3A_672] {strides = array<i32>} : memref<2x512x32xf32, #tpu.memory_space<vmem>>, vector<1x1x16xf32>,
          %get3A_674 = vector.shape_cast %get3A_673 : vector<1x1x16xf32> to vector<16xf32>
          %sub3A_675 = arith.subf %get3A_662, %get3A_656 : vector<16xf32>
          %mul3A_676 = arith.mulf %broadcast_in_dim3A_650, %sub3A_675 : vector<16xf32>
          %add3A_677 = arith.addf %get3A_656, %mul3A_676 : vector<16xf32>
          %swap3A_678 = arith.constant 0 : i32
          %swap3A_679 = arith.index_cast %swap3A_678 : i32 to index
          %swap3A_680 = arith.index_cast %add3A_647 : i32 to index
          %swap3A_681 = arith.constant 0 : index
          %swap3A_682 = tpu.vector_load %arg9[%swap3A_679, %swap3A_680, %swap3A_681] {strides = array<i32>} : memref<2x512x32xf32, #tpu.memory_space<vmem>>, vector<1x1x16xf32>,
          %swap3A_683 = vector.shape_cast %swap3A_682 : vector<1x1x16xf32> to vector<16xf32>
          %swap3A_684 = vector.shape_cast %add3A_677 : vector<16xf32> to vector<1x1x16xf32>
          tpu.vector_store %arg9[%swap3A_679, %swap3A_680, %swap3A_681], %swap3A_684 {strides = array<i32>} : memref<2x512x32xf32, #tpu.memory_space<vmem>>, vector<1x1x16xf32>,
          %sub3A_685 = arith.subf %get3A_674, %get3A_668 : vector<16xf32>
          %mul3A_686 = arith.mulf %broadcast_in_dim3A_650, %sub3A_685 : vector<16xf32>
          %add3A_687 = arith.addf %get3A_668, %mul3A_686 : vector<16xf32>
          %swap3A_688 = arith.constant 0 : i32
          %swap3A_689 = arith.index_cast %swap3A_688 : i32 to index
          %swap3A_690 = arith.index_cast %add3A_647 : i32 to index
          %swap3A_691 = arith.constant 16 : index
          %swap3A_692 = tpu.vector_load %arg9[%swap3A_689, %swap3A_690, %swap3A_691] {strides = array<i32>} : memref<2x512x32xf32, #tpu.memory_space<vmem>>, vector<1x1x16xf32>,
          %swap3A_693 = vector.shape_cast %swap3A_692 : vector<1x1x16xf32> to vector<16xf32>
          %swap3A_694 = vector.shape_cast %add3A_687 : vector<16xf32> to vector<1x1x16xf32>
          tpu.vector_store %arg9[%swap3A_689, %swap3A_690, %swap3A_691], %swap3A_694 {strides = array<i32>} : memref<2x512x32xf32, #tpu.memory_space<vmem>>, vector<1x1x16xf32>,
          %add3A_695 = arith.constant 8 : i32
          %add3A_696 = arith.addi %mul3A_305, %add3A_695 : i32
          %slice3A_697 = vector.extract_strided_slice %get3A_303 {offsets = [8], sizes = [1], strides = [1]} : vector<16xf32> to vector<1xf32>
          %broadcast_in_dim3A_698 = vector.shape_cast %slice3A_697 : vector<1xf32> to vector<1xf32>
          %broadcast_in_dim3A_699 = vector.broadcast %broadcast_in_dim3A_698 : vector<1xf32> to vector<16xf32>
          %get3A_700 = arith.constant 0 : i32
          %get3A_701 = arith.index_cast %get3A_700 : i32 to index
          %get3A_702 = arith.index_cast %add3A_696 : i32 to index
          %get3A_703 = arith.constant 0 : index
          %get3A_704 = tpu.vector_load %arg9[%get3A_701, %get3A_702, %get3A_703] {strides = array<i32>} : memref<2x512x32xf32, #tpu.memory_space<vmem>>, vector<1x1x16xf32>,
          %get3A_705 = vector.shape_cast %get3A_704 : vector<1x1x16xf32> to vector<16xf32>
          %get3A_706 = arith.constant 0 : i32
          %get3A_707 = arith.index_cast %get3A_706 : i32 to index
          %get3A_708 = arith.index_cast %add3A_696 : i32 to index
          %get3A_709 = arith.constant 0 : index
          %get3A_710 = tpu.vector_load %arg10[%get3A_707, %get3A_708, %get3A_709] {strides = array<i32>} : memref<2x512x32xf32, #tpu.memory_space<vmem>>, vector<1x1x16xf32>,
          %get3A_711 = vector.shape_cast %get3A_710 : vector<1x1x16xf32> to vector<16xf32>
          %get3A_712 = arith.constant 0 : i32
          %get3A_713 = arith.index_cast %get3A_712 : i32 to index
          %get3A_714 = arith.index_cast %add3A_696 : i32 to index
          %get3A_715 = arith.constant 16 : index
          %get3A_716 = tpu.vector_load %arg9[%get3A_713, %get3A_714, %get3A_715] {strides = array<i32>} : memref<2x512x32xf32, #tpu.memory_space<vmem>>, vector<1x1x16xf32>,
          %get3A_717 = vector.shape_cast %get3A_716 : vector<1x1x16xf32> to vector<16xf32>
          %get3A_718 = arith.constant 0 : i32
          %get3A_719 = arith.index_cast %get3A_718 : i32 to index
          %get3A_720 = arith.index_cast %add3A_696 : i32 to index
          %get3A_721 = arith.constant 16 : index
          %get3A_722 = tpu.vector_load %arg10[%get3A_719, %get3A_720, %get3A_721] {strides = array<i32>} : memref<2x512x32xf32, #tpu.memory_space<vmem>>, vector<1x1x16xf32>,
          %get3A_723 = vector.shape_cast %get3A_722 : vector<1x1x16xf32> to vector<16xf32>
          %sub3A_724 = arith.subf %get3A_711, %get3A_705 : vector<16xf32>
          %mul3A_725 = arith.mulf %broadcast_in_dim3A_699, %sub3A_724 : vector<16xf32>
          %add3A_726 = arith.addf %get3A_705, %mul3A_725 : vector<16xf32>
          %swap3A_727 = arith.constant 0 : i32
          %swap3A_728 = arith.index_cast %swap3A_727 : i32 to index
          %swap3A_729 = arith.index_cast %add3A_696 : i32 to index
          %swap3A_730 = arith.constant 0 : index
          %swap3A_731 = tpu.vector_load %arg9[%swap3A_728, %swap3A_729, %swap3A_730] {strides = array<i32>} : memref<2x512x32xf32, #tpu.memory_space<vmem>>, vector<1x1x16xf32>,
          %swap3A_732 = vector.shape_cast %swap3A_731 : vector<1x1x16xf32> to vector<16xf32>
          %swap3A_733 = vector.shape_cast %add3A_726 : vector<16xf32> to vector<1x1x16xf32>
          tpu.vector_store %arg9[%swap3A_728, %swap3A_729, %swap3A_730], %swap3A_733 {strides = array<i32>} : memref<2x512x32xf32, #tpu.memory_space<vmem>>, vector<1x1x16xf32>,
          %sub3A_734 = arith.subf %get3A_723, %get3A_717 : vector<16xf32>
          %mul3A_735 = arith.mulf %broadcast_in_dim3A_699, %sub3A_734 : vector<16xf32>
          %add3A_736 = arith.addf %get3A_717, %mul3A_735 : vector<16xf32>
          %swap3A_737 = arith.constant 0 : i32
          %swap3A_738 = arith.index_cast %swap3A_737 : i32 to index
          %swap3A_739 = arith.index_cast %add3A_696 : i32 to index
          %swap3A_740 = arith.constant 16 : index
          %swap3A_741 = tpu.vector_load %arg9[%swap3A_738, %swap3A_739, %swap3A_740] {strides = array<i32>} : memref<2x512x32xf32, #tpu.memory_space<vmem>>, vector<1x1x16xf32>,
          %swap3A_742 = vector.shape_cast %swap3A_741 : vector<1x1x16xf32> to vector<16xf32>
          %swap3A_743 = vector.shape_cast %add3A_736 : vector<16xf32> to vector<1x1x16xf32>
          tpu.vector_store %arg9[%swap3A_738, %swap3A_739, %swap3A_740], %swap3A_743 {strides = array<i32>} : memref<2x512x32xf32, #tpu.memory_space<vmem>>, vector<1x1x16xf32>,
          %add3A_744 = arith.constant 9 : i32
          %add3A_745 = arith.addi %mul3A_305, %add3A_744 : i32
          %slice3A_746 = vector.extract_strided_slice %get3A_303 {offsets = [9], sizes = [1], strides = [1]} : vector<16xf32> to vector<1xf32>
          %broadcast_in_dim3A_747 = vector.shape_cast %slice3A_746 : vector<1xf32> to vector<1xf32>
          %broadcast_in_dim3A_748 = vector.broadcast %broadcast_in_dim3A_747 : vector<1xf32> to vector<16xf32>
          %get3A_749 = arith.constant 0 : i32
          %get3A_750 = arith.index_cast %get3A_749 : i32 to index
          %get3A_751 = arith.index_cast %add3A_745 : i32 to index
          %get3A_752 = arith.constant 0 : index
          %get3A_753 = tpu.vector_load %arg9[%get3A_750, %get3A_751, %get3A_752] {strides = array<i32>} : memref<2x512x32xf32, #tpu.memory_space<vmem>>, vector<1x1x16xf32>,
          %get3A_754 = vector.shape_cast %get3A_753 : vector<1x1x16xf32> to vector<16xf32>
          %get3A_755 = arith.constant 0 : i32
          %get3A_756 = arith.index_cast %get3A_755 : i32 to index
          %get3A_757 = arith.index_cast %add3A_745 : i32 to index
          %get3A_758 = arith.constant 0 : index
          %get3A_759 = tpu.vector_load %arg10[%get3A_756, %get3A_757, %get3A_758] {strides = array<i32>} : memref<2x512x32xf32, #tpu.memory_space<vmem>>, vector<1x1x16xf32>,
          %get3A_760 = vector.shape_cast %get3A_759 : vector<1x1x16xf32> to vector<16xf32>
          %get3A_761 = arith.constant 0 : i32
          %get3A_762 = arith.index_cast %get3A_761 : i32 to index
          %get3A_763 = arith.index_cast %add3A_745 : i32 to index
          %get3A_764 = arith.constant 16 : index
          %get3A_765 = tpu.vector_load %arg9[%get3A_762, %get3A_763, %get3A_764] {strides = array<i32>} : memref<2x512x32xf32, #tpu.memory_space<vmem>>, vector<1x1x16xf32>,
          %get3A_766 = vector.shape_cast %get3A_765 : vector<1x1x16xf32> to vector<16xf32>
          %get3A_767 = arith.constant 0 : i32
          %get3A_768 = arith.index_cast %get3A_767 : i32 to index
          %get3A_769 = arith.index_cast %add3A_745 : i32 to index
          %get3A_770 = arith.constant 16 : index
          %get3A_771 = tpu.vector_load %arg10[%get3A_768, %get3A_769, %get3A_770] {strides = array<i32>} : memref<2x512x32xf32, #tpu.memory_space<vmem>>, vector<1x1x16xf32>,
          %get3A_772 = vector.shape_cast %get3A_771 : vector<1x1x16xf32> to vector<16xf32>
          %sub3A_773 = arith.subf %get3A_760, %get3A_754 : vector<16xf32>
          %mul3A_774 = arith.mulf %broadcast_in_dim3A_748, %sub3A_773 : vector<16xf32>
          %add3A_775 = arith.addf %get3A_754, %mul3A_774 : vector<16xf32>
          %swap3A_776 = arith.constant 0 : i32
          %swap3A_777 = arith.index_cast %swap3A_776 : i32 to index
          %swap3A_778 = arith.index_cast %add3A_745 : i32 to index
          %swap3A_779 = arith.constant 0 : index
          %swap3A_780 = tpu.vector_load %arg9[%swap3A_777, %swap3A_778, %swap3A_779] {strides = array<i32>} : memref<2x512x32xf32, #tpu.memory_space<vmem>>, vector<1x1x16xf32>,
          %swap3A_781 = vector.shape_cast %swap3A_780 : vector<1x1x16xf32> to vector<16xf32>
          %swap3A_782 = vector.shape_cast %add3A_775 : vector<16xf32> to vector<1x1x16xf32>
          tpu.vector_store %arg9[%swap3A_777, %swap3A_778, %swap3A_779], %swap3A_782 {strides = array<i32>} : memref<2x512x32xf32, #tpu.memory_space<vmem>>, vector<1x1x16xf32>,
          %sub3A_783 = arith.subf %get3A_772, %get3A_766 : vector<16xf32>
          %mul3A_784 = arith.mulf %broadcast_in_dim3A_748, %sub3A_783 : vector<16xf32>
          %add3A_785 = arith.addf %get3A_766, %mul3A_784 : vector<16xf32>
          %swap3A_786 = arith.constant 0 : i32
          %swap3A_787 = arith.index_cast %swap3A_786 : i32 to index
          %swap3A_788 = arith.index_cast %add3A_745 : i32 to index
          %swap3A_789 = arith.constant 16 : index
          %swap3A_790 = tpu.vector_load %arg9[%swap3A_787, %swap3A_788, %swap3A_789] {strides = array<i32>} : memref<2x512x32xf32, #tpu.memory_space<vmem>>, vector<1x1x16xf32>,
          %swap3A_791 = vector.shape_cast %swap3A_790 : vector<1x1x16xf32> to vector<16xf32>
          %swap3A_792 = vector.shape_cast %add3A_785 : vector<16xf32> to vector<1x1x16xf32>
          tpu.vector_store %arg9[%swap3A_787, %swap3A_788, %swap3A_789], %swap3A_792 {strides = array<i32>} : memref<2x512x32xf32, #tpu.memory_space<vmem>>, vector<1x1x16xf32>,
          %add3A_793 = arith.constant 10 : i32
          %add3A_794 = arith.addi %mul3A_305, %add3A_793 : i32
          %slice3A_795 = vector.extract_strided_slice %get3A_303 {offsets = [10], sizes = [1], strides = [1]} : vector<16xf32> to vector<1xf32>
          %broadcast_in_dim3A_796 = vector.shape_cast %slice3A_795 : vector<1xf32> to vector<1xf32>
          %broadcast_in_dim3A_797 = vector.broadcast %broadcast_in_dim3A_796 : vector<1xf32> to vector<16xf32>
          %get3A_798 = arith.constant 0 : i32
          %get3A_799 = arith.index_cast %get3A_798 : i32 to index
          %get3A_800 = arith.index_cast %add3A_794 : i32 to index
          %get3A_801 = arith.constant 0 : index
          %get3A_802 = tpu.vector_load %arg9[%get3A_799, %get3A_800, %get3A_801] {strides = array<i32>} : memref<2x512x32xf32, #tpu.memory_space<vmem>>, vector<1x1x16xf32>,
          %get3A_803 = vector.shape_cast %get3A_802 : vector<1x1x16xf32> to vector<16xf32>
          %get3A_804 = arith.constant 0 : i32
          %get3A_805 = arith.index_cast %get3A_804 : i32 to index
          %get3A_806 = arith.index_cast %add3A_794 : i32 to index
          %get3A_807 = arith.constant 0 : index
          %get3A_808 = tpu.vector_load %arg10[%get3A_805, %get3A_806, %get3A_807] {strides = array<i32>} : memref<2x512x32xf32, #tpu.memory_space<vmem>>, vector<1x1x16xf32>,
          %get3A_809 = vector.shape_cast %get3A_808 : vector<1x1x16xf32> to vector<16xf32>
          %get3A_810 = arith.constant 0 : i32
          %get3A_811 = arith.index_cast %get3A_810 : i32 to index
          %get3A_812 = arith.index_cast %add3A_794 : i32 to index
          %get3A_813 = arith.constant 16 : index
          %get3A_814 = tpu.vector_load %arg9[%get3A_811, %get3A_812, %get3A_813] {strides = array<i32>} : memref<2x512x32xf32, #tpu.memory_space<vmem>>, vector<1x1x16xf32>,
          %get3A_815 = vector.shape_cast %get3A_814 : vector<1x1x16xf32> to vector<16xf32>
          %get3A_816 = arith.constant 0 : i32
          %get3A_817 = arith.index_cast %get3A_816 : i32 to index
          %get3A_818 = arith.index_cast %add3A_794 : i32 to index
          %get3A_819 = arith.constant 16 : index
          %get3A_820 = tpu.vector_load %arg10[%get3A_817, %get3A_818, %get3A_819] {strides = array<i32>} : memref<2x512x32xf32, #tpu.memory_space<vmem>>, vector<1x1x16xf32>,
          %get3A_821 = vector.shape_cast %get3A_820 : vector<1x1x16xf32> to vector<16xf32>
          %sub3A_822 = arith.subf %get3A_809, %get3A_803 : vector<16xf32>
          %mul3A_823 = arith.mulf %broadcast_in_dim3A_797, %sub3A_822 : vector<16xf32>
          %add3A_824 = arith.addf %get3A_803, %mul3A_823 : vector<16xf32>
          %swap3A_825 = arith.constant 0 : i32
          %swap3A_826 = arith.index_cast %swap3A_825 : i32 to index
          %swap3A_827 = arith.index_cast %add3A_794 : i32 to index
          %swap3A_828 = arith.constant 0 : index
          %swap3A_829 = tpu.vector_load %arg9[%swap3A_826, %swap3A_827, %swap3A_828] {strides = array<i32>} : memref<2x512x32xf32, #tpu.memory_space<vmem>>, vector<1x1x16xf32>,
          %swap3A_830 = vector.shape_cast %swap3A_829 : vector<1x1x16xf32> to vector<16xf32>
          %swap3A_831 = vector.shape_cast %add3A_824 : vector<16xf32> to vector<1x1x16xf32>
          tpu.vector_store %arg9[%swap3A_826, %swap3A_827, %swap3A_828], %swap3A_831 {strides = array<i32>} : memref<2x512x32xf32, #tpu.memory_space<vmem>>, vector<1x1x16xf32>,
          %sub3A_832 = arith.subf %get3A_821, %get3A_815 : vector<16xf32>
          %mul3A_833 = arith.mulf %broadcast_in_dim3A_797, %sub3A_832 : vector<16xf32>
          %add3A_834 = arith.addf %get3A_815, %mul3A_833 : vector<16xf32>
          %swap3A_835 = arith.constant 0 : i32
          %swap3A_836 = arith.index_cast %swap3A_835 : i32 to index
          %swap3A_837 = arith.index_cast %add3A_794 : i32 to index
          %swap3A_838 = arith.constant 16 : index
          %swap3A_839 = tpu.vector_load %arg9[%swap3A_836, %swap3A_837, %swap3A_838] {strides = array<i32>} : memref<2x512x32xf32, #tpu.memory_space<vmem>>, vector<1x1x16xf32>,
          %swap3A_840 = vector.shape_cast %swap3A_839 : vector<1x1x16xf32> to vector<16xf32>
          %swap3A_841 = vector.shape_cast %add3A_834 : vector<16xf32> to vector<1x1x16xf32>
          tpu.vector_store %arg9[%swap3A_836, %swap3A_837, %swap3A_838], %swap3A_841 {strides = array<i32>} : memref<2x512x32xf32, #tpu.memory_space<vmem>>, vector<1x1x16xf32>,
          %add3A_842 = arith.constant 11 : i32
          %add3A_843 = arith.addi %mul3A_305, %add3A_842 : i32
          %slice3A_844 = vector.extract_strided_slice %get3A_303 {offsets = [11], sizes = [1], strides = [1]} : vector<16xf32> to vector<1xf32>
          %broadcast_in_dim3A_845 = vector.shape_cast %slice3A_844 : vector<1xf32> to vector<1xf32>
          %broadcast_in_dim3A_846 = vector.broadcast %broadcast_in_dim3A_845 : vector<1xf32> to vector<16xf32>
          %get3A_847 = arith.constant 0 : i32
          %get3A_848 = arith.index_cast %get3A_847 : i32 to index
          %get3A_849 = arith.index_cast %add3A_843 : i32 to index
          %get3A_850 = arith.constant 0 : index
          %get3A_851 = tpu.vector_load %arg9[%get3A_848, %get3A_849, %get3A_850] {strides = array<i32>} : memref<2x512x32xf32, #tpu.memory_space<vmem>>, vector<1x1x16xf32>,
          %get3A_852 = vector.shape_cast %get3A_851 : vector<1x1x16xf32> to vector<16xf32>
          %get3A_853 = arith.constant 0 : i32
          %get3A_854 = arith.index_cast %get3A_853 : i32 to index
          %get3A_855 = arith.index_cast %add3A_843 : i32 to index
          %get3A_856 = arith.constant 0 : index
          %get3A_857 = tpu.vector_load %arg10[%get3A_854, %get3A_855, %get3A_856] {strides = array<i32>} : memref<2x512x32xf32, #tpu.memory_space<vmem>>, vector<1x1x16xf32>,
          %get3A_858 = vector.shape_cast %get3A_857 : vector<1x1x16xf32> to vector<16xf32>
          %get3A_859 = arith.constant 0 : i32
          %get3A_860 = arith.index_cast %get3A_859 : i32 to index
          %get3A_861 = arith.index_cast %add3A_843 : i32 to index
          %get3A_862 = arith.constant 16 : index
          %get3A_863 = tpu.vector_load %arg9[%get3A_860, %get3A_861, %get3A_862] {strides = array<i32>} : memref<2x512x32xf32, #tpu.memory_space<vmem>>, vector<1x1x16xf32>,
          %get3A_864 = vector.shape_cast %get3A_863 : vector<1x1x16xf32> to vector<16xf32>
          %get3A_865 = arith.constant 0 : i32
          %get3A_866 = arith.index_cast %get3A_865 : i32 to index
          %get3A_867 = arith.index_cast %add3A_843 : i32 to index
          %get3A_868 = arith.constant 16 : index
          %get3A_869 = tpu.vector_load %arg10[%get3A_866, %get3A_867, %get3A_868] {strides = array<i32>} : memref<2x512x32xf32, #tpu.memory_space<vmem>>, vector<1x1x16xf32>,
          %get3A_870 = vector.shape_cast %get3A_869 : vector<1x1x16xf32> to vector<16xf32>
          %sub3A_871 = arith.subf %get3A_858, %get3A_852 : vector<16xf32>
          %mul3A_872 = arith.mulf %broadcast_in_dim3A_846, %sub3A_871 : vector<16xf32>
          %add3A_873 = arith.addf %get3A_852, %mul3A_872 : vector<16xf32>
          %swap3A_874 = arith.constant 0 : i32
          %swap3A_875 = arith.index_cast %swap3A_874 : i32 to index
          %swap3A_876 = arith.index_cast %add3A_843 : i32 to index
          %swap3A_877 = arith.constant 0 : index
          %swap3A_878 = tpu.vector_load %arg9[%swap3A_875, %swap3A_876, %swap3A_877] {strides = array<i32>} : memref<2x512x32xf32, #tpu.memory_space<vmem>>, vector<1x1x16xf32>,
          %swap3A_879 = vector.shape_cast %swap3A_878 : vector<1x1x16xf32> to vector<16xf32>
          %swap3A_880 = vector.shape_cast %add3A_873 : vector<16xf32> to vector<1x1x16xf32>
          tpu.vector_store %arg9[%swap3A_875, %swap3A_876, %swap3A_877], %swap3A_880 {strides = array<i32>} : memref<2x512x32xf32, #tpu.memory_space<vmem>>, vector<1x1x16xf32>,
          %sub3A_881 = arith.subf %get3A_870, %get3A_864 : vector<16xf32>
          %mul3A_882 = arith.mulf %broadcast_in_dim3A_846, %sub3A_881 : vector<16xf32>
          %add3A_883 = arith.addf %get3A_864, %mul3A_882 : vector<16xf32>
          %swap3A_884 = arith.constant 0 : i32
          %swap3A_885 = arith.index_cast %swap3A_884 : i32 to index
          %swap3A_886 = arith.index_cast %add3A_843 : i32 to index
          %swap3A_887 = arith.constant 16 : index
          %swap3A_888 = tpu.vector_load %arg9[%swap3A_885, %swap3A_886, %swap3A_887] {strides = array<i32>} : memref<2x512x32xf32, #tpu.memory_space<vmem>>, vector<1x1x16xf32>,
          %swap3A_889 = vector.shape_cast %swap3A_888 : vector<1x1x16xf32> to vector<16xf32>
          %swap3A_890 = vector.shape_cast %add3A_883 : vector<16xf32> to vector<1x1x16xf32>
          tpu.vector_store %arg9[%swap3A_885, %swap3A_886, %swap3A_887], %swap3A_890 {strides = array<i32>} : memref<2x512x32xf32, #tpu.memory_space<vmem>>, vector<1x1x16xf32>,
          %add3A_891 = arith.constant 12 : i32
          %add3A_892 = arith.addi %mul3A_305, %add3A_891 : i32
          %slice3A_893 = vector.extract_strided_slice %get3A_303 {offsets = [12], sizes = [1], strides = [1]} : vector<16xf32> to vector<1xf32>
          %broadcast_in_dim3A_894 = vector.shape_cast %slice3A_893 : vector<1xf32> to vector<1xf32>
          %broadcast_in_dim3A_895 = vector.broadcast %broadcast_in_dim3A_894 : vector<1xf32> to vector<16xf32>
          %get3A_896 = arith.constant 0 : i32
          %get3A_897 = arith.index_cast %get3A_896 : i32 to index
          %get3A_898 = arith.index_cast %add3A_892 : i32 to index
          %get3A_899 = arith.constant 0 : index
          %get3A_900 = tpu.vector_load %arg9[%get3A_897, %get3A_898, %get3A_899] {strides = array<i32>} : memref<2x512x32xf32, #tpu.memory_space<vmem>>, vector<1x1x16xf32>,
          %get3A_901 = vector.shape_cast %get3A_900 : vector<1x1x16xf32> to vector<16xf32>
          %get3A_902 = arith.constant 0 : i32
          %get3A_903 = arith.index_cast %get3A_902 : i32 to index
          %get3A_904 = arith.index_cast %add3A_892 : i32 to index
          %get3A_905 = arith.constant 0 : index
          %get3A_906 = tpu.vector_load %arg10[%get3A_903, %get3A_904, %get3A_905] {strides = array<i32>} : memref<2x512x32xf32, #tpu.memory_space<vmem>>, vector<1x1x16xf32>,
          %get3A_907 = vector.shape_cast %get3A_906 : vector<1x1x16xf32> to vector<16xf32>
          %get3A_908 = arith.constant 0 : i32
          %get3A_909 = arith.index_cast %get3A_908 : i32 to index
          %get3A_910 = arith.index_cast %add3A_892 : i32 to index
          %get3A_911 = arith.constant 16 : index
          %get3A_912 = tpu.vector_load %arg9[%get3A_909, %get3A_910, %get3A_911] {strides = array<i32>} : memref<2x512x32xf32, #tpu.memory_space<vmem>>, vector<1x1x16xf32>,
          %get3A_913 = vector.shape_cast %get3A_912 : vector<1x1x16xf32> to vector<16xf32>
          %get3A_914 = arith.constant 0 : i32
          %get3A_915 = arith.index_cast %get3A_914 : i32 to index
          %get3A_916 = arith.index_cast %add3A_892 : i32 to index
          %get3A_917 = arith.constant 16 : index
          %get3A_918 = tpu.vector_load %arg10[%get3A_915, %get3A_916, %get3A_917] {strides = array<i32>} : memref<2x512x32xf32, #tpu.memory_space<vmem>>, vector<1x1x16xf32>,
          %get3A_919 = vector.shape_cast %get3A_918 : vector<1x1x16xf32> to vector<16xf32>
          %sub3A_920 = arith.subf %get3A_907, %get3A_901 : vector<16xf32>
          %mul3A_921 = arith.mulf %broadcast_in_dim3A_895, %sub3A_920 : vector<16xf32>
          %add3A_922 = arith.addf %get3A_901, %mul3A_921 : vector<16xf32>
          %swap3A_923 = arith.constant 0 : i32
          %swap3A_924 = arith.index_cast %swap3A_923 : i32 to index
          %swap3A_925 = arith.index_cast %add3A_892 : i32 to index
          %swap3A_926 = arith.constant 0 : index
          %swap3A_927 = tpu.vector_load %arg9[%swap3A_924, %swap3A_925, %swap3A_926] {strides = array<i32>} : memref<2x512x32xf32, #tpu.memory_space<vmem>>, vector<1x1x16xf32>,
          %swap3A_928 = vector.shape_cast %swap3A_927 : vector<1x1x16xf32> to vector<16xf32>
          %swap3A_929 = vector.shape_cast %add3A_922 : vector<16xf32> to vector<1x1x16xf32>
          tpu.vector_store %arg9[%swap3A_924, %swap3A_925, %swap3A_926], %swap3A_929 {strides = array<i32>} : memref<2x512x32xf32, #tpu.memory_space<vmem>>, vector<1x1x16xf32>,
          %sub3A_930 = arith.subf %get3A_919, %get3A_913 : vector<16xf32>
          %mul3A_931 = arith.mulf %broadcast_in_dim3A_895, %sub3A_930 : vector<16xf32>
          %add3A_932 = arith.addf %get3A_913, %mul3A_931 : vector<16xf32>
          %swap3A_933 = arith.constant 0 : i32
          %swap3A_934 = arith.index_cast %swap3A_933 : i32 to index
          %swap3A_935 = arith.index_cast %add3A_892 : i32 to index
          %swap3A_936 = arith.constant 16 : index
          %swap3A_937 = tpu.vector_load %arg9[%swap3A_934, %swap3A_935, %swap3A_936] {strides = array<i32>} : memref<2x512x32xf32, #tpu.memory_space<vmem>>, vector<1x1x16xf32>,
          %swap3A_938 = vector.shape_cast %swap3A_937 : vector<1x1x16xf32> to vector<16xf32>
          %swap3A_939 = vector.shape_cast %add3A_932 : vector<16xf32> to vector<1x1x16xf32>
          tpu.vector_store %arg9[%swap3A_934, %swap3A_935, %swap3A_936], %swap3A_939 {strides = array<i32>} : memref<2x512x32xf32, #tpu.memory_space<vmem>>, vector<1x1x16xf32>,
          %add3A_940 = arith.constant 13 : i32
          %add3A_941 = arith.addi %mul3A_305, %add3A_940 : i32
          %slice3A_942 = vector.extract_strided_slice %get3A_303 {offsets = [13], sizes = [1], strides = [1]} : vector<16xf32> to vector<1xf32>
          %broadcast_in_dim3A_943 = vector.shape_cast %slice3A_942 : vector<1xf32> to vector<1xf32>
          %broadcast_in_dim3A_944 = vector.broadcast %broadcast_in_dim3A_943 : vector<1xf32> to vector<16xf32>
          %get3A_945 = arith.constant 0 : i32
          %get3A_946 = arith.index_cast %get3A_945 : i32 to index
          %get3A_947 = arith.index_cast %add3A_941 : i32 to index
          %get3A_948 = arith.constant 0 : index
          %get3A_949 = tpu.vector_load %arg9[%get3A_946, %get3A_947, %get3A_948] {strides = array<i32>} : memref<2x512x32xf32, #tpu.memory_space<vmem>>, vector<1x1x16xf32>,
          %get3A_950 = vector.shape_cast %get3A_949 : vector<1x1x16xf32> to vector<16xf32>
          %get3A_951 = arith.constant 0 : i32
          %get3A_952 = arith.index_cast %get3A_951 : i32 to index
          %get3A_953 = arith.index_cast %add3A_941 : i32 to index
          %get3A_954 = arith.constant 0 : index
          %get3A_955 = tpu.vector_load %arg10[%get3A_952, %get3A_953, %get3A_954] {strides = array<i32>} : memref<2x512x32xf32, #tpu.memory_space<vmem>>, vector<1x1x16xf32>,
          %get3A_956 = vector.shape_cast %get3A_955 : vector<1x1x16xf32> to vector<16xf32>
          %get3A_957 = arith.constant 0 : i32
          %get3A_958 = arith.index_cast %get3A_957 : i32 to index
          %get3A_959 = arith.index_cast %add3A_941 : i32 to index
          %get3A_960 = arith.constant 16 : index
          %get3A_961 = tpu.vector_load %arg9[%get3A_958, %get3A_959, %get3A_960] {strides = array<i32>} : memref<2x512x32xf32, #tpu.memory_space<vmem>>, vector<1x1x16xf32>,
          %get3A_962 = vector.shape_cast %get3A_961 : vector<1x1x16xf32> to vector<16xf32>
          %get3A_963 = arith.constant 0 : i32
          %get3A_964 = arith.index_cast %get3A_963 : i32 to index
          %get3A_965 = arith.index_cast %add3A_941 : i32 to index
          %get3A_966 = arith.constant 16 : index
          %get3A_967 = tpu.vector_load %arg10[%get3A_964, %get3A_965, %get3A_966] {strides = array<i32>} : memref<2x512x32xf32, #tpu.memory_space<vmem>>, vector<1x1x16xf32>,
          %get3A_968 = vector.shape_cast %get3A_967 : vector<1x1x16xf32> to vector<16xf32>
          %sub3A_969 = arith.subf %get3A_956, %get3A_950 : vector<16xf32>
          %mul3A_970 = arith.mulf %broadcast_in_dim3A_944, %sub3A_969 : vector<16xf32>
          %add3A_971 = arith.addf %get3A_950, %mul3A_970 : vector<16xf32>
          %swap3A_972 = arith.constant 0 : i32
          %swap3A_973 = arith.index_cast %swap3A_972 : i32 to index
          %swap3A_974 = arith.index_cast %add3A_941 : i32 to index
          %swap3A_975 = arith.constant 0 : index
          %swap3A_976 = tpu.vector_load %arg9[%swap3A_973, %swap3A_974, %swap3A_975] {strides = array<i32>} : memref<2x512x32xf32, #tpu.memory_space<vmem>>, vector<1x1x16xf32>,
          %swap3A_977 = vector.shape_cast %swap3A_976 : vector<1x1x16xf32> to vector<16xf32>
          %swap3A_978 = vector.shape_cast %add3A_971 : vector<16xf32> to vector<1x1x16xf32>
          tpu.vector_store %arg9[%swap3A_973, %swap3A_974, %swap3A_975], %swap3A_978 {strides = array<i32>} : memref<2x512x32xf32, #tpu.memory_space<vmem>>, vector<1x1x16xf32>,
          %sub3A_979 = arith.subf %get3A_968, %get3A_962 : vector<16xf32>
          %mul3A_980 = arith.mulf %broadcast_in_dim3A_944, %sub3A_979 : vector<16xf32>
          %add3A_981 = arith.addf %get3A_962, %mul3A_980 : vector<16xf32>
          %swap3A_982 = arith.constant 0 : i32
          %swap3A_983 = arith.index_cast %swap3A_982 : i32 to index
          %swap3A_984 = arith.index_cast %add3A_941 : i32 to index
          %swap3A_985 = arith.constant 16 : index
          %swap3A_986 = tpu.vector_load %arg9[%swap3A_983, %swap3A_984, %swap3A_985] {strides = array<i32>} : memref<2x512x32xf32, #tpu.memory_space<vmem>>, vector<1x1x16xf32>,
          %swap3A_987 = vector.shape_cast %swap3A_986 : vector<1x1x16xf32> to vector<16xf32>
          %swap3A_988 = vector.shape_cast %add3A_981 : vector<16xf32> to vector<1x1x16xf32>
          tpu.vector_store %arg9[%swap3A_983, %swap3A_984, %swap3A_985], %swap3A_988 {strides = array<i32>} : memref<2x512x32xf32, #tpu.memory_space<vmem>>, vector<1x1x16xf32>,
          %add3A_989 = arith.constant 14 : i32
          %add3A_990 = arith.addi %mul3A_305, %add3A_989 : i32
          %slice3A_991 = vector.extract_strided_slice %get3A_303 {offsets = [14], sizes = [1], strides = [1]} : vector<16xf32> to vector<1xf32>
          %broadcast_in_dim3A_992 = vector.shape_cast %slice3A_991 : vector<1xf32> to vector<1xf32>
          %broadcast_in_dim3A_993 = vector.broadcast %broadcast_in_dim3A_992 : vector<1xf32> to vector<16xf32>
          %get3A_994 = arith.constant 0 : i32
          %get3A_995 = arith.index_cast %get3A_994 : i32 to index
          %get3A_996 = arith.index_cast %add3A_990 : i32 to index
          %get3A_997 = arith.constant 0 : index
          %get3A_998 = tpu.vector_load %arg9[%get3A_995, %get3A_996, %get3A_997] {strides = array<i32>} : memref<2x512x32xf32, #tpu.memory_space<vmem>>, vector<1x1x16xf32>,
          %get3A_999 = vector.shape_cast %get3A_998 : vector<1x1x16xf32> to vector<16xf32>
          %get3A_1000 = arith.constant 0 : i32
          %get3A_1001 = arith.index_cast %get3A_1000 : i32 to index
          %get3A_1002 = arith.index_cast %add3A_990 : i32 to index
          %get3A_1003 = arith.constant 0 : index
          %get3A_1004 = tpu.vector_load %arg10[%get3A_1001, %get3A_1002, %get3A_1003] {strides = array<i32>} : memref<2x512x32xf32, #tpu.memory_space<vmem>>, vector<1x1x16xf32>,
          %get3A_1005 = vector.shape_cast %get3A_1004 : vector<1x1x16xf32> to vector<16xf32>
          %get3A_1006 = arith.constant 0 : i32
          %get3A_1007 = arith.index_cast %get3A_1006 : i32 to index
          %get3A_1008 = arith.index_cast %add3A_990 : i32 to index
          %get3A_1009 = arith.constant 16 : index
          %get3A_1010 = tpu.vector_load %arg9[%get3A_1007, %get3A_1008, %get3A_1009] {strides = array<i32>} : memref<2x512x32xf32, #tpu.memory_space<vmem>>, vector<1x1x16xf32>,
          %get3A_1011 = vector.shape_cast %get3A_1010 : vector<1x1x16xf32> to vector<16xf32>
          %get3A_1012 = arith.constant 0 : i32
          %get3A_1013 = arith.index_cast %get3A_1012 : i32 to index
          %get3A_1014 = arith.index_cast %add3A_990 : i32 to index
          %get3A_1015 = arith.constant 16 : index
          %get3A_1016 = tpu.vector_load %arg10[%get3A_1013, %get3A_1014, %get3A_1015] {strides = array<i32>} : memref<2x512x32xf32, #tpu.memory_space<vmem>>, vector<1x1x16xf32>,
          %get3A_1017 = vector.shape_cast %get3A_1016 : vector<1x1x16xf32> to vector<16xf32>
          %sub3A_1018 = arith.subf %get3A_1005, %get3A_999 : vector<16xf32>
          %mul3A_1019 = arith.mulf %broadcast_in_dim3A_993, %sub3A_1018 : vector<16xf32>
          %add3A_1020 = arith.addf %get3A_999, %mul3A_1019 : vector<16xf32>
          %swap3A_1021 = arith.constant 0 : i32
          %swap3A_1022 = arith.index_cast %swap3A_1021 : i32 to index
          %swap3A_1023 = arith.index_cast %add3A_990 : i32 to index
          %swap3A_1024 = arith.constant 0 : index
          %swap3A_1025 = tpu.vector_load %arg9[%swap3A_1022, %swap3A_1023, %swap3A_1024] {strides = array<i32>} : memref<2x512x32xf32, #tpu.memory_space<vmem>>, vector<1x1x16xf32>,
          %swap3A_1026 = vector.shape_cast %swap3A_1025 : vector<1x1x16xf32> to vector<16xf32>
          %swap3A_1027 = vector.shape_cast %add3A_1020 : vector<16xf32> to vector<1x1x16xf32>
          tpu.vector_store %arg9[%swap3A_1022, %swap3A_1023, %swap3A_1024], %swap3A_1027 {strides = array<i32>} : memref<2x512x32xf32, #tpu.memory_space<vmem>>, vector<1x1x16xf32>,
          %sub3A_1028 = arith.subf %get3A_1017, %get3A_1011 : vector<16xf32>
          %mul3A_1029 = arith.mulf %broadcast_in_dim3A_993, %sub3A_1028 : vector<16xf32>
          %add3A_1030 = arith.addf %get3A_1011, %mul3A_1029 : vector<16xf32>
          %swap3A_1031 = arith.constant 0 : i32
          %swap3A_1032 = arith.index_cast %swap3A_1031 : i32 to index
          %swap3A_1033 = arith.index_cast %add3A_990 : i32 to index
          %swap3A_1034 = arith.constant 16 : index
          %swap3A_1035 = tpu.vector_load %arg9[%swap3A_1032, %swap3A_1033, %swap3A_1034] {strides = array<i32>} : memref<2x512x32xf32, #tpu.memory_space<vmem>>, vector<1x1x16xf32>,
          %swap3A_1036 = vector.shape_cast %swap3A_1035 : vector<1x1x16xf32> to vector<16xf32>
          %swap3A_1037 = vector.shape_cast %add3A_1030 : vector<16xf32> to vector<1x1x16xf32>
          tpu.vector_store %arg9[%swap3A_1032, %swap3A_1033, %swap3A_1034], %swap3A_1037 {strides = array<i32>} : memref<2x512x32xf32, #tpu.memory_space<vmem>>, vector<1x1x16xf32>,
          %add3A_1038 = arith.constant 15 : i32
          %add3A_1039 = arith.addi %mul3A_305, %add3A_1038 : i32
          %slice3A_1040 = vector.extract_strided_slice %get3A_303 {offsets = [15], sizes = [1], strides = [1]} : vector<16xf32> to vector<1xf32>
          %broadcast_in_dim3A_1041 = vector.shape_cast %slice3A_1040 : vector<1xf32> to vector<1xf32>
          %broadcast_in_dim3A_1042 = vector.broadcast %broadcast_in_dim3A_1041 : vector<1xf32> to vector<16xf32>
          %get3A_1043 = arith.constant 0 : i32
          %get3A_1044 = arith.index_cast %get3A_1043 : i32 to index
          %get3A_1045 = arith.index_cast %add3A_1039 : i32 to index
          %get3A_1046 = arith.constant 0 : index
          %get3A_1047 = tpu.vector_load %arg9[%get3A_1044, %get3A_1045, %get3A_1046] {strides = array<i32>} : memref<2x512x32xf32, #tpu.memory_space<vmem>>, vector<1x1x16xf32>,
          %get3A_1048 = vector.shape_cast %get3A_1047 : vector<1x1x16xf32> to vector<16xf32>
          %get3A_1049 = arith.constant 0 : i32
          %get3A_1050 = arith.index_cast %get3A_1049 : i32 to index
          %get3A_1051 = arith.index_cast %add3A_1039 : i32 to index
          %get3A_1052 = arith.constant 0 : index
          %get3A_1053 = tpu.vector_load %arg10[%get3A_1050, %get3A_1051, %get3A_1052] {strides = array<i32>} : memref<2x512x32xf32, #tpu.memory_space<vmem>>, vector<1x1x16xf32>,
          %get3A_1054 = vector.shape_cast %get3A_1053 : vector<1x1x16xf32> to vector<16xf32>
          %get3A_1055 = arith.constant 0 : i32
          %get3A_1056 = arith.index_cast %get3A_1055 : i32 to index
          %get3A_1057 = arith.index_cast %add3A_1039 : i32 to index
          %get3A_1058 = arith.constant 16 : index
          %get3A_1059 = tpu.vector_load %arg9[%get3A_1056, %get3A_1057, %get3A_1058] {strides = array<i32>} : memref<2x512x32xf32, #tpu.memory_space<vmem>>, vector<1x1x16xf32>,
          %get3A_1060 = vector.shape_cast %get3A_1059 : vector<1x1x16xf32> to vector<16xf32>
          %get3A_1061 = arith.constant 0 : i32
          %get3A_1062 = arith.index_cast %get3A_1061 : i32 to index
          %get3A_1063 = arith.index_cast %add3A_1039 : i32 to index
          %get3A_1064 = arith.constant 16 : index
          %get3A_1065 = tpu.vector_load %arg10[%get3A_1062, %get3A_1063, %get3A_1064] {strides = array<i32>} : memref<2x512x32xf32, #tpu.memory_space<vmem>>, vector<1x1x16xf32>,
          %get3A_1066 = vector.shape_cast %get3A_1065 : vector<1x1x16xf32> to vector<16xf32>
          %sub3A_1067 = arith.subf %get3A_1054, %get3A_1048 : vector<16xf32>
          %mul3A_1068 = arith.mulf %broadcast_in_dim3A_1042, %sub3A_1067 : vector<16xf32>
          %add3A_1069 = arith.addf %get3A_1048, %mul3A_1068 : vector<16xf32>
          %swap3A_1070 = arith.constant 0 : i32
          %swap3A_1071 = arith.index_cast %swap3A_1070 : i32 to index
          %swap3A_1072 = arith.index_cast %add3A_1039 : i32 to index
          %swap3A_1073 = arith.constant 0 : index
          %swap3A_1074 = tpu.vector_load %arg9[%swap3A_1071, %swap3A_1072, %swap3A_1073] {strides = array<i32>} : memref<2x512x32xf32, #tpu.memory_space<vmem>>, vector<1x1x16xf32>,
          %swap3A_1075 = vector.shape_cast %swap3A_1074 : vector<1x1x16xf32> to vector<16xf32>
          %swap3A_1076 = vector.shape_cast %add3A_1069 : vector<16xf32> to vector<1x1x16xf32>
          tpu.vector_store %arg9[%swap3A_1071, %swap3A_1072, %swap3A_1073], %swap3A_1076 {strides = array<i32>} : memref<2x512x32xf32, #tpu.memory_space<vmem>>, vector<1x1x16xf32>,
          %sub3A_1077 = arith.subf %get3A_1066, %get3A_1060 : vector<16xf32>
          %mul3A_1078 = arith.mulf %broadcast_in_dim3A_1042, %sub3A_1077 : vector<16xf32>
          %add3A_1079 = arith.addf %get3A_1060, %mul3A_1078 : vector<16xf32>
          %swap3A_1080 = arith.constant 0 : i32
          %swap3A_1081 = arith.index_cast %swap3A_1080 : i32 to index
          %swap3A_1082 = arith.index_cast %add3A_1039 : i32 to index
          %swap3A_1083 = arith.constant 16 : index
          %swap3A_1084 = tpu.vector_load %arg9[%swap3A_1081, %swap3A_1082, %swap3A_1083] {strides = array<i32>} : memref<2x512x32xf32, #tpu.memory_space<vmem>>, vector<1x1x16xf32>,
          %swap3A_1085 = vector.shape_cast %swap3A_1084 : vector<1x1x16xf32> to vector<16xf32>
          %swap3A_1086 = vector.shape_cast %add3A_1079 : vector<16xf32> to vector<1x1x16xf32>
          tpu.vector_store %arg9[%swap3A_1081, %swap3A_1082, %swap3A_1083], %swap3A_1086 {strides = array<i32>} : memref<2x512x32xf32, #tpu.memory_space<vmem>>, vector<1x1x16xf32>,
        }
        %scan3A_281 = arith.constant 32 : i32
        %mul3A_282 = arith.constant 512 : i32
        %mul3A_283 = arith.muli %add3A_149, %mul3A_282 : i32
        %dma_start3A_284 = arith.constant 0 : i32
        %dma_start3A_285 = arith.constant 0 : i32
        %dma_start3A_286 = arith.constant 0 : i32
        %dma_start3A_287 = tpu.memref_slice %arg9[%dma_start3A_284, %dma_start3A_285, %dma_start3A_286] : memref<2x512x32xf32, #tpu.memory_space<vmem>> -> memref<1x512x32xf32, #tpu.memory_space<vmem>>
        %dma_start3A_288 = tpu.memref_squeeze %dma_start3A_287 : memref<1x512x32xf32, #tpu.memory_space<vmem>> -> memref<512x32xf32, #tpu.memory_space<vmem>>
        %dma_start3A_289 = arith.constant 0 : i32
        %dma_start3A_290 = tpu.memref_slice %arg4[%mul3A_283, %dma_start3A_289] : memref<3276800x32xf32, #tpu.memory_space<hbm>> -> memref<512x32xf32, #tpu.memory_space<hbm>>
        %dma_start3A_291 = arith.constant 0 : i32
        %dma_start3A_292 = tpu.memref_slice %arg4[%mul3A_283, %dma_start3A_291] : memref<3276800x32xf32, #tpu.memory_space<hbm>> -> memref<512x32xf32, #tpu.memory_space<hbm>>
        %dma_start3A_293 = arith.constant 0 : i32
        %dma_start3A_294 = arith.constant 0 : i32
        %dma_start3A_295 = tpu.memref_slice %arg9[%dma_start3A_284, %dma_start3A_293, %dma_start3A_294] : memref<2x512x32xf32, #tpu.memory_space<vmem>> -> memref<1x512x32xf32, #tpu.memory_space<vmem>>
        %dma_start3A_296 = tpu.memref_squeeze %dma_start3A_295 : memref<1x512x32xf32, #tpu.memory_space<vmem>> -> memref<512x32xf32, #tpu.memory_space<vmem>>
        tpu.enqueue_dma source(%dma_start3A_296 : memref<512x32xf32, #tpu.memory_space<vmem>>) target(%dma_start3A_292 : memref<512x32xf32, #tpu.memory_space<hbm>>) target_semaphore(%arg13 : memref<!tpu.dma_semaphore, #tpu.memory_space<semaphore_mem>>)
      } else {
      }
      %eq3A_152 = arith.constant 1 : i32
      %eq3A_153 = arith.cmpi eq, %rem3A_148, %eq3A_152 : i32
      %convert_element_type3A_154 = arith.extui %eq3A_153 : i1 to i32
      %cond3A_155 = arith.constant 0 : i32
      %cond3A_156 = arith.cmpi ne, %convert_element_type3A_154, %cond3A_155 : i32
      scf.if %cond3A_156 {
        %add3A_157 = arith.constant 1 : i32
        %add3A_158 = arith.addi %add3A_149, %add3A_157 : i32
        %mul3A_159 = arith.constant 512 : i32
        %mul3A_160 = arith.muli %add3A_158, %mul3A_159 : i32
        %add3A_161 = arith.constant 1 : i32
        %add3A_162 = arith.addi %scan3A_147, %add3A_161 : i32
        %lt3A = arith.constant 200 : i32
        %lt3A_163 = arith.cmpi slt, %add3A_162, %lt3A : i32
        %convert_element_type3A_164 = arith.extui %lt3A_163 : i1 to i32
        %cond3A_165 = arith.constant 0 : i32
        %cond3A_166 = arith.constant 0 : i32
        %cond3A_167 = arith.cmpi ne, %convert_element_type3A_164, %cond3A_166 : i32
        scf.if %cond3A_167 {
          %dma_start3A_297 = arith.constant 0 : i32
          %dma_start3A_298 = tpu.memref_slice %arg5[%cond3A_165, %dma_start3A_297] : memref<2x512xf32, #tpu.memory_space<vmem>> -> memref<1x512xf32, #tpu.memory_space<vmem>>
          %dma_start3A_299 = tpu.memref_squeeze %dma_start3A_298 : memref<1x512xf32, #tpu.memory_space<vmem>> -> memref<512xf32, #tpu.memory_space<vmem>>
          %dma_start3A_300 = tpu.memref_slice %arg2[%mul3A_160] : memref<3276800xf32, #tpu.memory_space<hbm>> -> memref<512xf32, #tpu.memory_space<hbm>>
          %dma_start3A_301 = arith.constant 0 : i32
          %dma_start3A_302 = tpu.memref_slice %arg5[%cond3A_165, %dma_start3A_301] : memref<2x512xf32, #tpu.memory_space<vmem>> -> memref<1x512xf32, #tpu.memory_space<vmem>>
          %dma_start3A_303 = tpu.memref_squeeze %dma_start3A_302 : memref<1x512xf32, #tpu.memory_space<vmem>> -> memref<512xf32, #tpu.memory_space<vmem>>
          %dma_start3A_304 = tpu.memref_slice %arg2[%mul3A_160] : memref<3276800xf32, #tpu.memory_space<hbm>> -> memref<512xf32, #tpu.memory_space<hbm>>
          tpu.enqueue_dma source(%dma_start3A_304 : memref<512xf32, #tpu.memory_space<hbm>>) target(%dma_start3A_303 : memref<512xf32, #tpu.memory_space<vmem>>) target_semaphore(%arg11 : memref<!tpu.dma_semaphore, #tpu.memory_space<semaphore_mem>>)
        } else {
        }
        %dma_wait3A_168 = arith.constant 1 : i32
        %dma_wait3A_169 = arith.constant 1 : i32
        %dma_wait3A_170 = arith.constant 0 : i32
        %dma_wait3A_171 = arith.constant 0 : i32
        %dma_wait3A_172 = tpu.memref_slice %arg9[%dma_wait3A_169, %dma_wait3A_170, %dma_wait3A_171] : memref<2x512x32xf32, #tpu.memory_space<vmem>> -> memref<1x128x32xf32, #tpu.memory_space<vmem>>
        %dma_wait3A_173 = tpu.memref_squeeze %dma_wait3A_172 : memref<1x128x32xf32, #tpu.memory_space<vmem>> -> memref<128x32xf32, #tpu.memory_space<vmem>>
        %dma_wait3A_174 = arith.constant 0 : i32
        %dma_wait3A_175 = tpu.memref_slice %arg6[%dma_wait3A_168, %dma_wait3A_174] : memref<2x512xi32, #tpu.memory_space<vmem>> -> memref<1x128xi32, #tpu.memory_space<vmem>>
        %dma_wait3A_176 = tpu.memref_squeeze %dma_wait3A_175 : memref<1x128xi32, #tpu.memory_space<vmem>> -> memref<128xi32, #tpu.memory_space<vmem>>
        %dma_wait3A_177 = arith.constant 0 : i32
        %dma_wait3A_178 = arith.constant 0 : i32
        %dma_wait3A_179 = tpu.memref_slice %arg3[%dma_wait3A_177, %dma_wait3A_178] : memref<1000000x32xf32, #tpu.memory_space<hbm>> -> memref<1000000x32xf32, #tpu.memory_space<hbm>>
        tpu.wait_indirect_dma semaphore(%arg12 : memref<!tpu.dma_semaphore, #tpu.memory_space<semaphore_mem>>) src(%dma_wait3A_179 : memref<1000000x32xf32, #tpu.memory_space<hbm>>) dst(%dma_wait3A_173 : memref<128x32xf32, #tpu.memory_space<vmem>>)
        %dma_wait3A_180 = arith.constant 1 : i32
        %dma_wait3A_181 = arith.constant 1 : i32
        %dma_wait3A_182 = arith.constant 0 : i32
        %dma_wait3A_183 = arith.constant 0 : i32
        %dma_wait3A_184 = tpu.memref_slice %arg10[%dma_wait3A_181, %dma_wait3A_182, %dma_wait3A_183] : memref<2x512x32xf32, #tpu.memory_space<vmem>> -> memref<1x128x32xf32, #tpu.memory_space<vmem>>
        %dma_wait3A_185 = tpu.memref_squeeze %dma_wait3A_184 : memref<1x128x32xf32, #tpu.memory_space<vmem>> -> memref<128x32xf32, #tpu.memory_space<vmem>>
        %dma_wait3A_186 = arith.constant 0 : i32
        %dma_wait3A_187 = tpu.memref_slice %arg7[%dma_wait3A_180, %dma_wait3A_186] : memref<2x512xi32, #tpu.memory_space<vmem>> -> memref<1x128xi32, #tpu.memory_space<vmem>>
        %dma_wait3A_188 = tpu.memref_squeeze %dma_wait3A_187 : memref<1x128xi32, #tpu.memory_space<vmem>> -> memref<128xi32, #tpu.memory_space<vmem>>
        %dma_wait3A_189 = arith.constant 0 : i32
        %dma_wait3A_190 = arith.constant 0 : i32
        %dma_wait3A_191 = tpu.memref_slice %arg3[%dma_wait3A_189, %dma_wait3A_190] : memref<1000000x32xf32, #tpu.memory_space<hbm>> -> memref<1000000x32xf32, #tpu.memory_space<hbm>>
        tpu.wait_indirect_dma semaphore(%arg12 : memref<!tpu.dma_semaphore, #tpu.memory_space<semaphore_mem>>) src(%dma_wait3A_191 : memref<1000000x32xf32, #tpu.memory_space<hbm>>) dst(%dma_wait3A_185 : memref<128x32xf32, #tpu.memory_space<vmem>>)
        %dma_wait3A_192 = arith.constant 1 : i32
        %dma_wait3A_193 = arith.constant 1 : i32
        %dma_wait3A_194 = arith.constant 128 : i32
        %dma_wait3A_195 = arith.constant 0 : i32
        %dma_wait3A_196 = tpu.memref_slice %arg9[%dma_wait3A_193, %dma_wait3A_194, %dma_wait3A_195] : memref<2x512x32xf32, #tpu.memory_space<vmem>> -> memref<1x128x32xf32, #tpu.memory_space<vmem>>
        %dma_wait3A_197 = tpu.memref_squeeze %dma_wait3A_196 : memref<1x128x32xf32, #tpu.memory_space<vmem>> -> memref<128x32xf32, #tpu.memory_space<vmem>>
        %dma_wait3A_198 = arith.constant 128 : i32
        %dma_wait3A_199 = tpu.memref_slice %arg6[%dma_wait3A_192, %dma_wait3A_198] : memref<2x512xi32, #tpu.memory_space<vmem>> -> memref<1x128xi32, #tpu.memory_space<vmem>>
        %dma_wait3A_200 = tpu.memref_squeeze %dma_wait3A_199 : memref<1x128xi32, #tpu.memory_space<vmem>> -> memref<128xi32, #tpu.memory_space<vmem>>
        %dma_wait3A_201 = arith.constant 0 : i32
        %dma_wait3A_202 = arith.constant 0 : i32
        %dma_wait3A_203 = tpu.memref_slice %arg3[%dma_wait3A_201, %dma_wait3A_202] : memref<1000000x32xf32, #tpu.memory_space<hbm>> -> memref<1000000x32xf32, #tpu.memory_space<hbm>>
        tpu.wait_indirect_dma semaphore(%arg12 : memref<!tpu.dma_semaphore, #tpu.memory_space<semaphore_mem>>) src(%dma_wait3A_203 : memref<1000000x32xf32, #tpu.memory_space<hbm>>) dst(%dma_wait3A_197 : memref<128x32xf32, #tpu.memory_space<vmem>>)
        %dma_wait3A_204 = arith.constant 1 : i32
        %dma_wait3A_205 = arith.constant 1 : i32
        %dma_wait3A_206 = arith.constant 128 : i32
        %dma_wait3A_207 = arith.constant 0 : i32
        %dma_wait3A_208 = tpu.memref_slice %arg10[%dma_wait3A_205, %dma_wait3A_206, %dma_wait3A_207] : memref<2x512x32xf32, #tpu.memory_space<vmem>> -> memref<1x128x32xf32, #tpu.memory_space<vmem>>
        %dma_wait3A_209 = tpu.memref_squeeze %dma_wait3A_208 : memref<1x128x32xf32, #tpu.memory_space<vmem>> -> memref<128x32xf32, #tpu.memory_space<vmem>>
        %dma_wait3A_210 = arith.constant 128 : i32
        %dma_wait3A_211 = tpu.memref_slice %arg7[%dma_wait3A_204, %dma_wait3A_210] : memref<2x512xi32, #tpu.memory_space<vmem>> -> memref<1x128xi32, #tpu.memory_space<vmem>>
        %dma_wait3A_212 = tpu.memref_squeeze %dma_wait3A_211 : memref<1x128xi32, #tpu.memory_space<vmem>> -> memref<128xi32, #tpu.memory_space<vmem>>
        %dma_wait3A_213 = arith.constant 0 : i32
        %dma_wait3A_214 = arith.constant 0 : i32
        %dma_wait3A_215 = tpu.memref_slice %arg3[%dma_wait3A_213, %dma_wait3A_214] : memref<1000000x32xf32, #tpu.memory_space<hbm>> -> memref<1000000x32xf32, #tpu.memory_space<hbm>>
        tpu.wait_indirect_dma semaphore(%arg12 : memref<!tpu.dma_semaphore, #tpu.memory_space<semaphore_mem>>) src(%dma_wait3A_215 : memref<1000000x32xf32, #tpu.memory_space<hbm>>) dst(%dma_wait3A_209 : memref<128x32xf32, #tpu.memory_space<vmem>>)
        %dma_wait3A_216 = arith.constant 1 : i32
        %dma_wait3A_217 = arith.constant 1 : i32
        %dma_wait3A_218 = arith.constant 256 : i32
        %dma_wait3A_219 = arith.constant 0 : i32
        %dma_wait3A_220 = tpu.memref_slice %arg9[%dma_wait3A_217, %dma_wait3A_218, %dma_wait3A_219] : memref<2x512x32xf32, #tpu.memory_space<vmem>> -> memref<1x128x32xf32, #tpu.memory_space<vmem>>
        %dma_wait3A_221 = tpu.memref_squeeze %dma_wait3A_220 : memref<1x128x32xf32, #tpu.memory_space<vmem>> -> memref<128x32xf32, #tpu.memory_space<vmem>>
        %dma_wait3A_222 = arith.constant 256 : i32
        %dma_wait3A_223 = tpu.memref_slice %arg6[%dma_wait3A_216, %dma_wait3A_222] : memref<2x512xi32, #tpu.memory_space<vmem>> -> memref<1x128xi32, #tpu.memory_space<vmem>>
        %dma_wait3A_224 = tpu.memref_squeeze %dma_wait3A_223 : memref<1x128xi32, #tpu.memory_space<vmem>> -> memref<128xi32, #tpu.memory_space<vmem>>
        %dma_wait3A_225 = arith.constant 0 : i32
        %dma_wait3A_226 = arith.constant 0 : i32
        %dma_wait3A_227 = tpu.memref_slice %arg3[%dma_wait3A_225, %dma_wait3A_226] : memref<1000000x32xf32, #tpu.memory_space<hbm>> -> memref<1000000x32xf32, #tpu.memory_space<hbm>>
        tpu.wait_indirect_dma semaphore(%arg12 : memref<!tpu.dma_semaphore, #tpu.memory_space<semaphore_mem>>) src(%dma_wait3A_227 : memref<1000000x32xf32, #tpu.memory_space<hbm>>) dst(%dma_wait3A_221 : memref<128x32xf32, #tpu.memory_space<vmem>>)
        %dma_wait3A_228 = arith.constant 1 : i32
        %dma_wait3A_229 = arith.constant 1 : i32
        %dma_wait3A_230 = arith.constant 256 : i32
        %dma_wait3A_231 = arith.constant 0 : i32
        %dma_wait3A_232 = tpu.memref_slice %arg10[%dma_wait3A_229, %dma_wait3A_230, %dma_wait3A_231] : memref<2x512x32xf32, #tpu.memory_space<vmem>> -> memref<1x128x32xf32, #tpu.memory_space<vmem>>
        %dma_wait3A_233 = tpu.memref_squeeze %dma_wait3A_232 : memref<1x128x32xf32, #tpu.memory_space<vmem>> -> memref<128x32xf32, #tpu.memory_space<vmem>>
        %dma_wait3A_234 = arith.constant 256 : i32
        %dma_wait3A_235 = tpu.memref_slice %arg7[%dma_wait3A_228, %dma_wait3A_234] : memref<2x512xi32, #tpu.memory_space<vmem>> -> memref<1x128xi32, #tpu.memory_space<vmem>>
        %dma_wait3A_236 = tpu.memref_squeeze %dma_wait3A_235 : memref<1x128xi32, #tpu.memory_space<vmem>> -> memref<128xi32, #tpu.memory_space<vmem>>
        %dma_wait3A_237 = arith.constant 0 : i32
        %dma_wait3A_238 = arith.constant 0 : i32
        %dma_wait3A_239 = tpu.memref_slice %arg3[%dma_wait3A_237, %dma_wait3A_238] : memref<1000000x32xf32, #tpu.memory_space<hbm>> -> memref<1000000x32xf32, #tpu.memory_space<hbm>>
        tpu.wait_indirect_dma semaphore(%arg12 : memref<!tpu.dma_semaphore, #tpu.memory_space<semaphore_mem>>) src(%dma_wait3A_239 : memref<1000000x32xf32, #tpu.memory_space<hbm>>) dst(%dma_wait3A_233 : memref<128x32xf32, #tpu.memory_space<vmem>>)
        %dma_wait3A_240 = arith.constant 1 : i32
        %dma_wait3A_241 = arith.constant 1 : i32
        %dma_wait3A_242 = arith.constant 384 : i32
        %dma_wait3A_243 = arith.constant 0 : i32
        %dma_wait3A_244 = tpu.memref_slice %arg9[%dma_wait3A_241, %dma_wait3A_242, %dma_wait3A_243] : memref<2x512x32xf32, #tpu.memory_space<vmem>> -> memref<1x128x32xf32, #tpu.memory_space<vmem>>
        %dma_wait3A_245 = tpu.memref_squeeze %dma_wait3A_244 : memref<1x128x32xf32, #tpu.memory_space<vmem>> -> memref<128x32xf32, #tpu.memory_space<vmem>>
        %dma_wait3A_246 = arith.constant 384 : i32
        %dma_wait3A_247 = tpu.memref_slice %arg6[%dma_wait3A_240, %dma_wait3A_246] : memref<2x512xi32, #tpu.memory_space<vmem>> -> memref<1x128xi32, #tpu.memory_space<vmem>>
        %dma_wait3A_248 = tpu.memref_squeeze %dma_wait3A_247 : memref<1x128xi32, #tpu.memory_space<vmem>> -> memref<128xi32, #tpu.memory_space<vmem>>
        %dma_wait3A_249 = arith.constant 0 : i32
        %dma_wait3A_250 = arith.constant 0 : i32
        %dma_wait3A_251 = tpu.memref_slice %arg3[%dma_wait3A_249, %dma_wait3A_250] : memref<1000000x32xf32, #tpu.memory_space<hbm>> -> memref<1000000x32xf32, #tpu.memory_space<hbm>>
        tpu.wait_indirect_dma semaphore(%arg12 : memref<!tpu.dma_semaphore, #tpu.memory_space<semaphore_mem>>) src(%dma_wait3A_251 : memref<1000000x32xf32, #tpu.memory_space<hbm>>) dst(%dma_wait3A_245 : memref<128x32xf32, #tpu.memory_space<vmem>>)
        %dma_wait3A_252 = arith.constant 1 : i32
        %dma_wait3A_253 = arith.constant 1 : i32
        %dma_wait3A_254 = arith.constant 384 : i32
        %dma_wait3A_255 = arith.constant 0 : i32
        %dma_wait3A_256 = tpu.memref_slice %arg10[%dma_wait3A_253, %dma_wait3A_254, %dma_wait3A_255] : memref<2x512x32xf32, #tpu.memory_space<vmem>> -> memref<1x128x32xf32, #tpu.memory_space<vmem>>
        %dma_wait3A_257 = tpu.memref_squeeze %dma_wait3A_256 : memref<1x128x32xf32, #tpu.memory_space<vmem>> -> memref<128x32xf32, #tpu.memory_space<vmem>>
        %dma_wait3A_258 = arith.constant 384 : i32
        %dma_wait3A_259 = tpu.memref_slice %arg7[%dma_wait3A_252, %dma_wait3A_258] : memref<2x512xi32, #tpu.memory_space<vmem>> -> memref<1x128xi32, #tpu.memory_space<vmem>>
        %dma_wait3A_260 = tpu.memref_squeeze %dma_wait3A_259 : memref<1x128xi32, #tpu.memory_space<vmem>> -> memref<128xi32, #tpu.memory_space<vmem>>
        %dma_wait3A_261 = arith.constant 0 : i32
        %dma_wait3A_262 = arith.constant 0 : i32
        %dma_wait3A_263 = tpu.memref_slice %arg3[%dma_wait3A_261, %dma_wait3A_262] : memref<1000000x32xf32, #tpu.memory_space<hbm>> -> memref<1000000x32xf32, #tpu.memory_space<hbm>>
        tpu.wait_indirect_dma semaphore(%arg12 : memref<!tpu.dma_semaphore, #tpu.memory_space<semaphore_mem>>) src(%dma_wait3A_263 : memref<1000000x32xf32, #tpu.memory_space<hbm>>) dst(%dma_wait3A_257 : memref<128x32xf32, #tpu.memory_space<vmem>>)
        %add3A_264 = arith.constant 1 : i32
        %add3A_265 = arith.addi %scan3A_147, %add3A_264 : i32
        %lt3A_266 = arith.constant 200 : i32
        %lt3A_267 = arith.cmpi slt, %add3A_265, %lt3A_266 : i32
        %convert_element_type3A_268 = arith.extui %lt3A_267 : i1 to i32
        %cond3A_269 = arith.constant 0 : i32
        %cond3A_270 = arith.constant 0 : i32
        %cond3A_271 = arith.cmpi ne, %convert_element_type3A_268, %cond3A_270 : i32
        scf.if %cond3A_271 {
          %dma_wait3A_297 = arith.constant 0 : i32
          %dma_wait3A_298 = tpu.memref_slice %arg5[%cond3A_269, %dma_wait3A_297] : memref<2x512xf32, #tpu.memory_space<vmem>> -> memref<1x512xf32, #tpu.memory_space<vmem>>
          %dma_wait3A_299 = tpu.memref_squeeze %dma_wait3A_298 : memref<1x512xf32, #tpu.memory_space<vmem>> -> memref<512xf32, #tpu.memory_space<vmem>>
          %dma_wait3A_300 = tpu.memref_slice %arg2[%mul3A_160] : memref<3276800xf32, #tpu.memory_space<hbm>> -> memref<512xf32, #tpu.memory_space<hbm>>
          %dma_wait3A_301 = arith.constant 0 : i32
          %dma_wait3A_302 = tpu.memref_slice %arg5[%cond3A_269, %dma_wait3A_301] : memref<2x512xf32, #tpu.memory_space<vmem>> -> memref<1x512xf32, #tpu.memory_space<vmem>>
          %dma_wait3A_303 = tpu.memref_squeeze %dma_wait3A_302 : memref<1x512xf32, #tpu.memory_space<vmem>> -> memref<512xf32, #tpu.memory_space<vmem>>
          %dma_wait3A_304 = tpu.memref_slice %arg2[%mul3A_160] : memref<3276800xf32, #tpu.memory_space<hbm>> -> memref<512xf32, #tpu.memory_space<hbm>>
          tpu.wait_dma2 semaphore(%arg11 : memref<!tpu.dma_semaphore, #tpu.memory_space<semaphore_mem>>) src(%dma_wait3A_304 : memref<512xf32, #tpu.memory_space<hbm>>) dst(%dma_wait3A_303 : memref<512xf32, #tpu.memory_space<vmem>>)
          %scan3A_305 = arith.constant 0 : i32
          %scan3A_306 = arith.constant 0 : i32
          %scan3A_307 = arith.constant 32 : i32
          %scan3A_308 = arith.addi %scan3A_306, %scan3A_307 : i32
          %scan3A_309 = arith.constant 1 : i32
          scf.for %scan3A_407 = %scan3A_306 to %scan3A_308 step %scan3A_309  : i32 {
            %mul3A_408 = arith.constant 16 : i32
            %mul3A_409 = arith.muli %scan3A_407, %mul3A_408 : i32
            %get3A = arith.constant 0 : i32
            %get3A_410 = arith.index_cast %get3A : i32 to index
            %get3A_411 = arith.index_cast %mul3A_409 : i32 to index
            %get3A_412 = tpu.vector_load %arg5[%get3A_410, %get3A_411] {strides = array<i32>} : memref<2x512xf32, #tpu.memory_space<vmem>>, vector<1x16xf32>,
            %get3A_413 = vector.shape_cast %get3A_412 : vector<1x16xf32> to vector<16xf32>
            %max3A = arith.constant 0.000000e+00 : f32
            %max3A_414 = vector.broadcast %max3A : f32 to vector<16xf32>
            %max3A_415 = arith.maximumf %get3A_413, %max3A_414 : vector<16xf32>
            %min3A = arith.constant 1.000000e+00 : f32
            %min3A_416 = vector.broadcast %min3A : f32 to vector<16xf32>
            %min3A_417 = arith.minimumf %max3A_415, %min3A_416 : vector<16xf32>
            %mul3A_418 = arith.constant 9.999990e+05 : f32
            %mul3A_419 = vector.broadcast %mul3A_418 : f32 to vector<16xf32>
            %mul3A_420 = arith.mulf %min3A_417, %mul3A_419 : vector<16xf32>
            %convert_element_type3A_421 = arith.fptosi %mul3A_420 : vector<16xf32> to vector<16xi32>
            %convert_element_type3A_422 = arith.sitofp %convert_element_type3A_421 : vector<16xi32> to vector<16xf32>
            %sub3A_423 = arith.subf %mul3A_420, %convert_element_type3A_422 : vector<16xf32>
            %swap3A = arith.constant 0 : i32
            %swap3A_424 = arith.index_cast %swap3A : i32 to index
            %swap3A_425 = arith.index_cast %mul3A_409 : i32 to index
            %swap3A_426 = tpu.vector_load %arg6[%swap3A_424, %swap3A_425] {strides = array<i32>} : memref<2x512xi32, #tpu.memory_space<vmem>>, vector<1x16xi32>,
            %swap3A_427 = vector.shape_cast %swap3A_426 : vector<1x16xi32> to vector<16xi32>
            %swap3A_428 = vector.shape_cast %convert_element_type3A_421 : vector<16xi32> to vector<1x16xi32>
            tpu.vector_store %arg6[%swap3A_424, %swap3A_425], %swap3A_428 {strides = array<i32>} : memref<2x512xi32, #tpu.memory_space<vmem>>, vector<1x16xi32>,
            %add3A_429 = arith.constant 1 : i32
            %add3A_430 = vector.broadcast %add3A_429 : i32 to vector<16xi32>
            %add3A_431 = arith.addi %convert_element_type3A_421, %add3A_430 : vector<16xi32>
            %min3A_432 = arith.constant 999999 : i32
            %min3A_433 = vector.broadcast %min3A_432 : i32 to vector<16xi32>
            %min3A_434 = arith.minsi %add3A_431, %min3A_433 : vector<16xi32>
            %swap3A_435 = arith.constant 0 : i32
            %swap3A_436 = arith.index_cast %swap3A_435 : i32 to index
            %swap3A_437 = arith.index_cast %mul3A_409 : i32 to index
            %swap3A_438 = tpu.vector_load %arg7[%swap3A_436, %swap3A_437] {strides = array<i32>} : memref<2x512xi32, #tpu.memory_space<vmem>>, vector<1x16xi32>,
            %swap3A_439 = vector.shape_cast %swap3A_438 : vector<1x16xi32> to vector<16xi32>
            %swap3A_440 = vector.shape_cast %min3A_434 : vector<16xi32> to vector<1x16xi32>
            tpu.vector_store %arg7[%swap3A_436, %swap3A_437], %swap3A_440 {strides = array<i32>} : memref<2x512xi32, #tpu.memory_space<vmem>>, vector<1x16xi32>,
            %swap3A_441 = arith.constant 0 : i32
            %swap3A_442 = arith.index_cast %swap3A_441 : i32 to index
            %swap3A_443 = arith.index_cast %mul3A_409 : i32 to index
            %swap3A_444 = tpu.vector_load %arg8[%swap3A_442, %swap3A_443] {strides = array<i32>} : memref<2x512xf32, #tpu.memory_space<vmem>>, vector<1x16xf32>,
            %swap3A_445 = vector.shape_cast %swap3A_444 : vector<1x16xf32> to vector<16xf32>
            %swap3A_446 = vector.shape_cast %sub3A_423 : vector<16xf32> to vector<1x16xf32>
            tpu.vector_store %arg8[%swap3A_442, %swap3A_443], %swap3A_446 {strides = array<i32>} : memref<2x512xf32, #tpu.memory_space<vmem>>, vector<1x16xf32>,
          }
          %scan3A_310 = arith.constant 32 : i32
          %dma_start3A_311 = arith.constant 0 : i32
          %dma_start3A_312 = arith.constant 0 : i32
          %dma_start3A_313 = arith.constant 0 : i32
          %dma_start3A_314 = arith.constant 0 : i32
          %dma_start3A_315 = tpu.memref_slice %arg9[%dma_start3A_312, %dma_start3A_313, %dma_start3A_314] : memref<2x512x32xf32, #tpu.memory_space<vmem>> -> memref<1x128x32xf32, #tpu.memory_space<vmem>>
          %dma_start3A_316 = tpu.memref_squeeze %dma_start3A_315 : memref<1x128x32xf32, #tpu.memory_space<vmem>> -> memref<128x32xf32, #tpu.memory_space<vmem>>
          %dma_start3A_317 = arith.constant 0 : i32
          %dma_start3A_318 = tpu.memref_slice %arg6[%dma_start3A_311, %dma_start3A_317] : memref<2x512xi32, #tpu.memory_space<vmem>> -> memref<1x128xi32, #tpu.memory_space<vmem>>
          %dma_start3A_319 = tpu.memref_squeeze %dma_start3A_318 : memref<1x128xi32, #tpu.memory_space<vmem>> -> memref<128xi32, #tpu.memory_space<vmem>>
          %dma_start3A_320 = arith.constant 0 : i32
          %dma_start3A_321 = arith.constant 0 : i32
          %dma_start3A_322 = tpu.memref_slice %arg3[%dma_start3A_320, %dma_start3A_321] : memref<1000000x32xf32, #tpu.memory_space<hbm>> -> memref<1000000x32xf32, #tpu.memory_space<hbm>>
          tpu.enqueue_indirect_dma source(%dma_start3A_322 : memref<1000000x32xf32, #tpu.memory_space<hbm>>) target(%dma_start3A_316 : memref<128x32xf32, #tpu.memory_space<vmem>>) offsets(%dma_start3A_319 : memref<128xi32, #tpu.memory_space<vmem>>) semaphore(%arg12 : memref<!tpu.dma_semaphore, #tpu.memory_space<semaphore_mem>>)
          %dma_start3A_323 = arith.constant 0 : i32
          %dma_start3A_324 = arith.constant 0 : i32
          %dma_start3A_325 = arith.constant 0 : i32
          %dma_start3A_326 = arith.constant 0 : i32
          %dma_start3A_327 = tpu.memref_slice %arg10[%dma_start3A_324, %dma_start3A_325, %dma_start3A_326] : memref<2x512x32xf32, #tpu.memory_space<vmem>> -> memref<1x128x32xf32, #tpu.memory_space<vmem>>
          %dma_start3A_328 = tpu.memref_squeeze %dma_start3A_327 : memref<1x128x32xf32, #tpu.memory_space<vmem>> -> memref<128x32xf32, #tpu.memory_space<vmem>>
          %dma_start3A_329 = arith.constant 0 : i32
          %dma_start3A_330 = tpu.memref_slice %arg7[%dma_start3A_323, %dma_start3A_329] : memref<2x512xi32, #tpu.memory_space<vmem>> -> memref<1x128xi32, #tpu.memory_space<vmem>>
          %dma_start3A_331 = tpu.memref_squeeze %dma_start3A_330 : memref<1x128xi32, #tpu.memory_space<vmem>> -> memref<128xi32, #tpu.memory_space<vmem>>
          %dma_start3A_332 = arith.constant 0 : i32
          %dma_start3A_333 = arith.constant 0 : i32
          %dma_start3A_334 = tpu.memref_slice %arg3[%dma_start3A_332, %dma_start3A_333] : memref<1000000x32xf32, #tpu.memory_space<hbm>> -> memref<1000000x32xf32, #tpu.memory_space<hbm>>
          tpu.enqueue_indirect_dma source(%dma_start3A_334 : memref<1000000x32xf32, #tpu.memory_space<hbm>>) target(%dma_start3A_328 : memref<128x32xf32, #tpu.memory_space<vmem>>) offsets(%dma_start3A_331 : memref<128xi32, #tpu.memory_space<vmem>>) semaphore(%arg12 : memref<!tpu.dma_semaphore, #tpu.memory_space<semaphore_mem>>)
          %dma_start3A_335 = arith.constant 0 : i32
          %dma_start3A_336 = arith.constant 0 : i32
          %dma_start3A_337 = arith.constant 128 : i32
          %dma_start3A_338 = arith.constant 0 : i32
          %dma_start3A_339 = tpu.memref_slice %arg9[%dma_start3A_336, %dma_start3A_337, %dma_start3A_338] : memref<2x512x32xf32, #tpu.memory_space<vmem>> -> memref<1x128x32xf32, #tpu.memory_space<vmem>>
          %dma_start3A_340 = tpu.memref_squeeze %dma_start3A_339 : memref<1x128x32xf32, #tpu.memory_space<vmem>> -> memref<128x32xf32, #tpu.memory_space<vmem>>
          %dma_start3A_341 = arith.constant 128 : i32
          %dma_start3A_342 = tpu.memref_slice %arg6[%dma_start3A_335, %dma_start3A_341] : memref<2x512xi32, #tpu.memory_space<vmem>> -> memref<1x128xi32, #tpu.memory_space<vmem>>
          %dma_start3A_343 = tpu.memref_squeeze %dma_start3A_342 : memref<1x128xi32, #tpu.memory_space<vmem>> -> memref<128xi32, #tpu.memory_space<vmem>>
          %dma_start3A_344 = arith.constant 0 : i32
          %dma_start3A_345 = arith.constant 0 : i32
          %dma_start3A_346 = tpu.memref_slice %arg3[%dma_start3A_344, %dma_start3A_345] : memref<1000000x32xf32, #tpu.memory_space<hbm>> -> memref<1000000x32xf32, #tpu.memory_space<hbm>>
          tpu.enqueue_indirect_dma source(%dma_start3A_346 : memref<1000000x32xf32, #tpu.memory_space<hbm>>) target(%dma_start3A_340 : memref<128x32xf32, #tpu.memory_space<vmem>>) offsets(%dma_start3A_343 : memref<128xi32, #tpu.memory_space<vmem>>) semaphore(%arg12 : memref<!tpu.dma_semaphore, #tpu.memory_space<semaphore_mem>>)
          %dma_start3A_347 = arith.constant 0 : i32
          %dma_start3A_348 = arith.constant 0 : i32
          %dma_start3A_349 = arith.constant 128 : i32
          %dma_start3A_350 = arith.constant 0 : i32
          %dma_start3A_351 = tpu.memref_slice %arg10[%dma_start3A_348, %dma_start3A_349, %dma_start3A_350] : memref<2x512x32xf32, #tpu.memory_space<vmem>> -> memref<1x128x32xf32, #tpu.memory_space<vmem>>
          %dma_start3A_352 = tpu.memref_squeeze %dma_start3A_351 : memref<1x128x32xf32, #tpu.memory_space<vmem>> -> memref<128x32xf32, #tpu.memory_space<vmem>>
          %dma_start3A_353 = arith.constant 128 : i32
          %dma_start3A_354 = tpu.memref_slice %arg7[%dma_start3A_347, %dma_start3A_353] : memref<2x512xi32, #tpu.memory_space<vmem>> -> memref<1x128xi32, #tpu.memory_space<vmem>>
          %dma_start3A_355 = tpu.memref_squeeze %dma_start3A_354 : memref<1x128xi32, #tpu.memory_space<vmem>> -> memref<128xi32, #tpu.memory_space<vmem>>
          %dma_start3A_356 = arith.constant 0 : i32
          %dma_start3A_357 = arith.constant 0 : i32
          %dma_start3A_358 = tpu.memref_slice %arg3[%dma_start3A_356, %dma_start3A_357] : memref<1000000x32xf32, #tpu.memory_space<hbm>> -> memref<1000000x32xf32, #tpu.memory_space<hbm>>
          tpu.enqueue_indirect_dma source(%dma_start3A_358 : memref<1000000x32xf32, #tpu.memory_space<hbm>>) target(%dma_start3A_352 : memref<128x32xf32, #tpu.memory_space<vmem>>) offsets(%dma_start3A_355 : memref<128xi32, #tpu.memory_space<vmem>>) semaphore(%arg12 : memref<!tpu.dma_semaphore, #tpu.memory_space<semaphore_mem>>)
          %dma_start3A_359 = arith.constant 0 : i32
          %dma_start3A_360 = arith.constant 0 : i32
          %dma_start3A_361 = arith.constant 256 : i32
          %dma_start3A_362 = arith.constant 0 : i32
          %dma_start3A_363 = tpu.memref_slice %arg9[%dma_start3A_360, %dma_start3A_361, %dma_start3A_362] : memref<2x512x32xf32, #tpu.memory_space<vmem>> -> memref<1x128x32xf32, #tpu.memory_space<vmem>>
          %dma_start3A_364 = tpu.memref_squeeze %dma_start3A_363 : memref<1x128x32xf32, #tpu.memory_space<vmem>> -> memref<128x32xf32, #tpu.memory_space<vmem>>
          %dma_start3A_365 = arith.constant 256 : i32
          %dma_start3A_366 = tpu.memref_slice %arg6[%dma_start3A_359, %dma_start3A_365] : memref<2x512xi32, #tpu.memory_space<vmem>> -> memref<1x128xi32, #tpu.memory_space<vmem>>
          %dma_start3A_367 = tpu.memref_squeeze %dma_start3A_366 : memref<1x128xi32, #tpu.memory_space<vmem>> -> memref<128xi32, #tpu.memory_space<vmem>>
          %dma_start3A_368 = arith.constant 0 : i32
          %dma_start3A_369 = arith.constant 0 : i32
          %dma_start3A_370 = tpu.memref_slice %arg3[%dma_start3A_368, %dma_start3A_369] : memref<1000000x32xf32, #tpu.memory_space<hbm>> -> memref<1000000x32xf32, #tpu.memory_space<hbm>>
          tpu.enqueue_indirect_dma source(%dma_start3A_370 : memref<1000000x32xf32, #tpu.memory_space<hbm>>) target(%dma_start3A_364 : memref<128x32xf32, #tpu.memory_space<vmem>>) offsets(%dma_start3A_367 : memref<128xi32, #tpu.memory_space<vmem>>) semaphore(%arg12 : memref<!tpu.dma_semaphore, #tpu.memory_space<semaphore_mem>>)
          %dma_start3A_371 = arith.constant 0 : i32
          %dma_start3A_372 = arith.constant 0 : i32
          %dma_start3A_373 = arith.constant 256 : i32
          %dma_start3A_374 = arith.constant 0 : i32
          %dma_start3A_375 = tpu.memref_slice %arg10[%dma_start3A_372, %dma_start3A_373, %dma_start3A_374] : memref<2x512x32xf32, #tpu.memory_space<vmem>> -> memref<1x128x32xf32, #tpu.memory_space<vmem>>
          %dma_start3A_376 = tpu.memref_squeeze %dma_start3A_375 : memref<1x128x32xf32, #tpu.memory_space<vmem>> -> memref<128x32xf32, #tpu.memory_space<vmem>>
          %dma_start3A_377 = arith.constant 256 : i32
          %dma_start3A_378 = tpu.memref_slice %arg7[%dma_start3A_371, %dma_start3A_377] : memref<2x512xi32, #tpu.memory_space<vmem>> -> memref<1x128xi32, #tpu.memory_space<vmem>>
          %dma_start3A_379 = tpu.memref_squeeze %dma_start3A_378 : memref<1x128xi32, #tpu.memory_space<vmem>> -> memref<128xi32, #tpu.memory_space<vmem>>
          %dma_start3A_380 = arith.constant 0 : i32
          %dma_start3A_381 = arith.constant 0 : i32
          %dma_start3A_382 = tpu.memref_slice %arg3[%dma_start3A_380, %dma_start3A_381] : memref<1000000x32xf32, #tpu.memory_space<hbm>> -> memref<1000000x32xf32, #tpu.memory_space<hbm>>
          tpu.enqueue_indirect_dma source(%dma_start3A_382 : memref<1000000x32xf32, #tpu.memory_space<hbm>>) target(%dma_start3A_376 : memref<128x32xf32, #tpu.memory_space<vmem>>) offsets(%dma_start3A_379 : memref<128xi32, #tpu.memory_space<vmem>>) semaphore(%arg12 : memref<!tpu.dma_semaphore, #tpu.memory_space<semaphore_mem>>)
          %dma_start3A_383 = arith.constant 0 : i32
          %dma_start3A_384 = arith.constant 0 : i32
          %dma_start3A_385 = arith.constant 384 : i32
          %dma_start3A_386 = arith.constant 0 : i32
          %dma_start3A_387 = tpu.memref_slice %arg9[%dma_start3A_384, %dma_start3A_385, %dma_start3A_386] : memref<2x512x32xf32, #tpu.memory_space<vmem>> -> memref<1x128x32xf32, #tpu.memory_space<vmem>>
          %dma_start3A_388 = tpu.memref_squeeze %dma_start3A_387 : memref<1x128x32xf32, #tpu.memory_space<vmem>> -> memref<128x32xf32, #tpu.memory_space<vmem>>
          %dma_start3A_389 = arith.constant 384 : i32
          %dma_start3A_390 = tpu.memref_slice %arg6[%dma_start3A_383, %dma_start3A_389] : memref<2x512xi32, #tpu.memory_space<vmem>> -> memref<1x128xi32, #tpu.memory_space<vmem>>
          %dma_start3A_391 = tpu.memref_squeeze %dma_start3A_390 : memref<1x128xi32, #tpu.memory_space<vmem>> -> memref<128xi32, #tpu.memory_space<vmem>>
          %dma_start3A_392 = arith.constant 0 : i32
          %dma_start3A_393 = arith.constant 0 : i32
          %dma_start3A_394 = tpu.memref_slice %arg3[%dma_start3A_392, %dma_start3A_393] : memref<1000000x32xf32, #tpu.memory_space<hbm>> -> memref<1000000x32xf32, #tpu.memory_space<hbm>>
          tpu.enqueue_indirect_dma source(%dma_start3A_394 : memref<1000000x32xf32, #tpu.memory_space<hbm>>) target(%dma_start3A_388 : memref<128x32xf32, #tpu.memory_space<vmem>>) offsets(%dma_start3A_391 : memref<128xi32, #tpu.memory_space<vmem>>) semaphore(%arg12 : memref<!tpu.dma_semaphore, #tpu.memory_space<semaphore_mem>>)
          %dma_start3A_395 = arith.constant 0 : i32
          %dma_start3A_396 = arith.constant 0 : i32
          %dma_start3A_397 = arith.constant 384 : i32
          %dma_start3A_398 = arith.constant 0 : i32
          %dma_start3A_399 = tpu.memref_slice %arg10[%dma_start3A_396, %dma_start3A_397, %dma_start3A_398] : memref<2x512x32xf32, #tpu.memory_space<vmem>> -> memref<1x128x32xf32, #tpu.memory_space<vmem>>
          %dma_start3A_400 = tpu.memref_squeeze %dma_start3A_399 : memref<1x128x32xf32, #tpu.memory_space<vmem>> -> memref<128x32xf32, #tpu.memory_space<vmem>>
          %dma_start3A_401 = arith.constant 384 : i32
          %dma_start3A_402 = tpu.memref_slice %arg7[%dma_start3A_395, %dma_start3A_401] : memref<2x512xi32, #tpu.memory_space<vmem>> -> memref<1x128xi32, #tpu.memory_space<vmem>>
          %dma_start3A_403 = tpu.memref_squeeze %dma_start3A_402 : memref<1x128xi32, #tpu.memory_space<vmem>> -> memref<128xi32, #tpu.memory_space<vmem>>
          %dma_start3A_404 = arith.constant 0 : i32
          %dma_start3A_405 = arith.constant 0 : i32
          %dma_start3A_406 = tpu.memref_slice %arg3[%dma_start3A_404, %dma_start3A_405] : memref<1000000x32xf32, #tpu.memory_space<hbm>> -> memref<1000000x32xf32, #tpu.memory_space<hbm>>
          tpu.enqueue_indirect_dma source(%dma_start3A_406 : memref<1000000x32xf32, #tpu.memory_space<hbm>>) target(%dma_start3A_400 : memref<128x32xf32, #tpu.memory_space<vmem>>) offsets(%dma_start3A_403 : memref<128xi32, #tpu.memory_space<vmem>>) semaphore(%arg12 : memref<!tpu.dma_semaphore, #tpu.memory_space<semaphore_mem>>)
        } else {
        }
        %ge3A = arith.constant 2 : i32
        %ge3A_272 = arith.cmpi sge, %scan3A_147, %ge3A : i32
        %convert_element_type3A_273 = arith.extui %ge3A_272 : i1 to i32
        %cond3A_274 = arith.constant 0 : i32
        %cond3A_275 = arith.cmpi ne, %convert_element_type3A_273, %cond3A_274 : i32
        scf.if %cond3A_275 {
          %sub3A_297 = arith.constant 2 : i32
          %sub3A_298 = arith.subi %add3A_149, %sub3A_297 : i32
          %mul3A_299 = arith.constant 512 : i32
          %mul3A_300 = arith.muli %sub3A_298, %mul3A_299 : i32
          %dma_wait3A_301 = arith.constant 1 : i32
          %dma_wait3A_302 = arith.constant 0 : i32
          %dma_wait3A_303 = arith.constant 0 : i32
          %dma_wait3A_304 = tpu.memref_slice %arg9[%dma_wait3A_301, %dma_wait3A_302, %dma_wait3A_303] : memref<2x512x32xf32, #tpu.memory_space<vmem>> -> memref<1x512x32xf32, #tpu.memory_space<vmem>>
          %dma_wait3A_305 = tpu.memref_squeeze %dma_wait3A_304 : memref<1x512x32xf32, #tpu.memory_space<vmem>> -> memref<512x32xf32, #tpu.memory_space<vmem>>
          %dma_wait3A_306 = arith.constant 0 : i32
          %dma_wait3A_307 = tpu.memref_slice %arg4[%mul3A_300, %dma_wait3A_306] : memref<3276800x32xf32, #tpu.memory_space<hbm>> -> memref<512x32xf32, #tpu.memory_space<hbm>>
          %dma_wait3A_308 = arith.constant 0 : i32
          %dma_wait3A_309 = tpu.memref_slice %arg4[%mul3A_300, %dma_wait3A_308] : memref<3276800x32xf32, #tpu.memory_space<hbm>> -> memref<512x32xf32, #tpu.memory_space<hbm>>
          %dma_wait3A_310 = arith.constant 0 : i32
          %dma_wait3A_311 = arith.constant 0 : i32
          %dma_wait3A_312 = tpu.memref_slice %arg9[%dma_wait3A_301, %dma_wait3A_310, %dma_wait3A_311] : memref<2x512x32xf32, #tpu.memory_space<vmem>> -> memref<1x512x32xf32, #tpu.memory_space<vmem>>
          %dma_wait3A_313 = tpu.memref_squeeze %dma_wait3A_312 : memref<1x512x32xf32, #tpu.memory_space<vmem>> -> memref<512x32xf32, #tpu.memory_space<vmem>>
          tpu.wait_dma2 semaphore(%arg14 : memref<!tpu.dma_semaphore, #tpu.memory_space<semaphore_mem>>) src(%dma_wait3A_313 : memref<512x32xf32, #tpu.memory_space<vmem>>) dst(%dma_wait3A_309 : memref<512x32xf32, #tpu.memory_space<hbm>>)
        } else {
        }
        %scan3A_276 = arith.constant 0 : i32
        %scan3A_277 = arith.constant 0 : i32
        %scan3A_278 = arith.constant 32 : i32
        %scan3A_279 = arith.addi %scan3A_277, %scan3A_278 : i32
        %scan3A_280 = arith.constant 1 : i32
        scf.for %scan3A_297 = %scan3A_277 to %scan3A_279 step %scan3A_280  : i32 {
          %mul3A_298 = arith.constant 16 : i32
          %mul3A_299 = arith.muli %scan3A_297, %mul3A_298 : i32
          %get3A = arith.constant 1 : i32
          %get3A_300 = arith.index_cast %get3A : i32 to index
          %get3A_301 = arith.index_cast %mul3A_299 : i32 to index
          %get3A_302 = tpu.vector_load %arg8[%get3A_300, %get3A_301] {strides = array<i32>} : memref<2x512xf32, #tpu.memory_space<vmem>>, vector<1x16xf32>,
          %get3A_303 = vector.shape_cast %get3A_302 : vector<1x16xf32> to vector<16xf32>
          %mul3A_304 = arith.constant 16 : i32
          %mul3A_305 = arith.muli %scan3A_297, %mul3A_304 : i32
          %add3A_306 = arith.constant 0 : i32
          %add3A_307 = arith.addi %mul3A_305, %add3A_306 : i32
          %slice3A = vector.extract_strided_slice %get3A_303 {offsets = [0], sizes = [1], strides = [1]} : vector<16xf32> to vector<1xf32>
          %broadcast_in_dim3A = vector.shape_cast %slice3A : vector<1xf32> to vector<1xf32>
          %broadcast_in_dim3A_308 = vector.broadcast %broadcast_in_dim3A : vector<1xf32> to vector<16xf32>
          %get3A_309 = arith.constant 1 : i32
          %get3A_310 = arith.index_cast %get3A_309 : i32 to index
          %get3A_311 = arith.index_cast %add3A_307 : i32 to index
          %get3A_312 = arith.constant 0 : index
          %get3A_313 = tpu.vector_load %arg9[%get3A_310, %get3A_311, %get3A_312] {strides = array<i32>} : memref<2x512x32xf32, #tpu.memory_space<vmem>>, vector<1x1x16xf32>,
          %get3A_314 = vector.shape_cast %get3A_313 : vector<1x1x16xf32> to vector<16xf32>
          %get3A_315 = arith.constant 1 : i32
          %get3A_316 = arith.index_cast %get3A_315 : i32 to index
          %get3A_317 = arith.index_cast %add3A_307 : i32 to index
          %get3A_318 = arith.constant 0 : index
          %get3A_319 = tpu.vector_load %arg10[%get3A_316, %get3A_317, %get3A_318] {strides = array<i32>} : memref<2x512x32xf32, #tpu.memory_space<vmem>>, vector<1x1x16xf32>,
          %get3A_320 = vector.shape_cast %get3A_319 : vector<1x1x16xf32> to vector<16xf32>
          %get3A_321 = arith.constant 1 : i32
          %get3A_322 = arith.index_cast %get3A_321 : i32 to index
          %get3A_323 = arith.index_cast %add3A_307 : i32 to index
          %get3A_324 = arith.constant 16 : index
          %get3A_325 = tpu.vector_load %arg9[%get3A_322, %get3A_323, %get3A_324] {strides = array<i32>} : memref<2x512x32xf32, #tpu.memory_space<vmem>>, vector<1x1x16xf32>,
          %get3A_326 = vector.shape_cast %get3A_325 : vector<1x1x16xf32> to vector<16xf32>
          %get3A_327 = arith.constant 1 : i32
          %get3A_328 = arith.index_cast %get3A_327 : i32 to index
          %get3A_329 = arith.index_cast %add3A_307 : i32 to index
          %get3A_330 = arith.constant 16 : index
          %get3A_331 = tpu.vector_load %arg10[%get3A_328, %get3A_329, %get3A_330] {strides = array<i32>} : memref<2x512x32xf32, #tpu.memory_space<vmem>>, vector<1x1x16xf32>,
          %get3A_332 = vector.shape_cast %get3A_331 : vector<1x1x16xf32> to vector<16xf32>
          %sub3A_333 = arith.subf %get3A_320, %get3A_314 : vector<16xf32>
          %mul3A_334 = arith.mulf %broadcast_in_dim3A_308, %sub3A_333 : vector<16xf32>
          %add3A_335 = arith.addf %get3A_314, %mul3A_334 : vector<16xf32>
          %swap3A = arith.constant 1 : i32
          %swap3A_336 = arith.index_cast %swap3A : i32 to index
          %swap3A_337 = arith.index_cast %add3A_307 : i32 to index
          %swap3A_338 = arith.constant 0 : index
          %swap3A_339 = tpu.vector_load %arg9[%swap3A_336, %swap3A_337, %swap3A_338] {strides = array<i32>} : memref<2x512x32xf32, #tpu.memory_space<vmem>>, vector<1x1x16xf32>,
          %swap3A_340 = vector.shape_cast %swap3A_339 : vector<1x1x16xf32> to vector<16xf32>
          %swap3A_341 = vector.shape_cast %add3A_335 : vector<16xf32> to vector<1x1x16xf32>
          tpu.vector_store %arg9[%swap3A_336, %swap3A_337, %swap3A_338], %swap3A_341 {strides = array<i32>} : memref<2x512x32xf32, #tpu.memory_space<vmem>>, vector<1x1x16xf32>,
          %sub3A_342 = arith.subf %get3A_332, %get3A_326 : vector<16xf32>
          %mul3A_343 = arith.mulf %broadcast_in_dim3A_308, %sub3A_342 : vector<16xf32>
          %add3A_344 = arith.addf %get3A_326, %mul3A_343 : vector<16xf32>
          %swap3A_345 = arith.constant 1 : i32
          %swap3A_346 = arith.index_cast %swap3A_345 : i32 to index
          %swap3A_347 = arith.index_cast %add3A_307 : i32 to index
          %swap3A_348 = arith.constant 16 : index
          %swap3A_349 = tpu.vector_load %arg9[%swap3A_346, %swap3A_347, %swap3A_348] {strides = array<i32>} : memref<2x512x32xf32, #tpu.memory_space<vmem>>, vector<1x1x16xf32>,
          %swap3A_350 = vector.shape_cast %swap3A_349 : vector<1x1x16xf32> to vector<16xf32>
          %swap3A_351 = vector.shape_cast %add3A_344 : vector<16xf32> to vector<1x1x16xf32>
          tpu.vector_store %arg9[%swap3A_346, %swap3A_347, %swap3A_348], %swap3A_351 {strides = array<i32>} : memref<2x512x32xf32, #tpu.memory_space<vmem>>, vector<1x1x16xf32>,
          %add3A_352 = arith.constant 1 : i32
          %add3A_353 = arith.addi %mul3A_305, %add3A_352 : i32
          %slice3A_354 = vector.extract_strided_slice %get3A_303 {offsets = [1], sizes = [1], strides = [1]} : vector<16xf32> to vector<1xf32>
          %broadcast_in_dim3A_355 = vector.shape_cast %slice3A_354 : vector<1xf32> to vector<1xf32>
          %broadcast_in_dim3A_356 = vector.broadcast %broadcast_in_dim3A_355 : vector<1xf32> to vector<16xf32>
          %get3A_357 = arith.constant 1 : i32
          %get3A_358 = arith.index_cast %get3A_357 : i32 to index
          %get3A_359 = arith.index_cast %add3A_353 : i32 to index
          %get3A_360 = arith.constant 0 : index
          %get3A_361 = tpu.vector_load %arg9[%get3A_358, %get3A_359, %get3A_360] {strides = array<i32>} : memref<2x512x32xf32, #tpu.memory_space<vmem>>, vector<1x1x16xf32>,
          %get3A_362 = vector.shape_cast %get3A_361 : vector<1x1x16xf32> to vector<16xf32>
          %get3A_363 = arith.constant 1 : i32
          %get3A_364 = arith.index_cast %get3A_363 : i32 to index
          %get3A_365 = arith.index_cast %add3A_353 : i32 to index
          %get3A_366 = arith.constant 0 : index
          %get3A_367 = tpu.vector_load %arg10[%get3A_364, %get3A_365, %get3A_366] {strides = array<i32>} : memref<2x512x32xf32, #tpu.memory_space<vmem>>, vector<1x1x16xf32>,
          %get3A_368 = vector.shape_cast %get3A_367 : vector<1x1x16xf32> to vector<16xf32>
          %get3A_369 = arith.constant 1 : i32
          %get3A_370 = arith.index_cast %get3A_369 : i32 to index
          %get3A_371 = arith.index_cast %add3A_353 : i32 to index
          %get3A_372 = arith.constant 16 : index
          %get3A_373 = tpu.vector_load %arg9[%get3A_370, %get3A_371, %get3A_372] {strides = array<i32>} : memref<2x512x32xf32, #tpu.memory_space<vmem>>, vector<1x1x16xf32>,
          %get3A_374 = vector.shape_cast %get3A_373 : vector<1x1x16xf32> to vector<16xf32>
          %get3A_375 = arith.constant 1 : i32
          %get3A_376 = arith.index_cast %get3A_375 : i32 to index
          %get3A_377 = arith.index_cast %add3A_353 : i32 to index
          %get3A_378 = arith.constant 16 : index
          %get3A_379 = tpu.vector_load %arg10[%get3A_376, %get3A_377, %get3A_378] {strides = array<i32>} : memref<2x512x32xf32, #tpu.memory_space<vmem>>, vector<1x1x16xf32>,
          %get3A_380 = vector.shape_cast %get3A_379 : vector<1x1x16xf32> to vector<16xf32>
          %sub3A_381 = arith.subf %get3A_368, %get3A_362 : vector<16xf32>
          %mul3A_382 = arith.mulf %broadcast_in_dim3A_356, %sub3A_381 : vector<16xf32>
          %add3A_383 = arith.addf %get3A_362, %mul3A_382 : vector<16xf32>
          %swap3A_384 = arith.constant 1 : i32
          %swap3A_385 = arith.index_cast %swap3A_384 : i32 to index
          %swap3A_386 = arith.index_cast %add3A_353 : i32 to index
          %swap3A_387 = arith.constant 0 : index
          %swap3A_388 = tpu.vector_load %arg9[%swap3A_385, %swap3A_386, %swap3A_387] {strides = array<i32>} : memref<2x512x32xf32, #tpu.memory_space<vmem>>, vector<1x1x16xf32>,
          %swap3A_389 = vector.shape_cast %swap3A_388 : vector<1x1x16xf32> to vector<16xf32>
          %swap3A_390 = vector.shape_cast %add3A_383 : vector<16xf32> to vector<1x1x16xf32>
          tpu.vector_store %arg9[%swap3A_385, %swap3A_386, %swap3A_387], %swap3A_390 {strides = array<i32>} : memref<2x512x32xf32, #tpu.memory_space<vmem>>, vector<1x1x16xf32>,
          %sub3A_391 = arith.subf %get3A_380, %get3A_374 : vector<16xf32>
          %mul3A_392 = arith.mulf %broadcast_in_dim3A_356, %sub3A_391 : vector<16xf32>
          %add3A_393 = arith.addf %get3A_374, %mul3A_392 : vector<16xf32>
          %swap3A_394 = arith.constant 1 : i32
          %swap3A_395 = arith.index_cast %swap3A_394 : i32 to index
          %swap3A_396 = arith.index_cast %add3A_353 : i32 to index
          %swap3A_397 = arith.constant 16 : index
          %swap3A_398 = tpu.vector_load %arg9[%swap3A_395, %swap3A_396, %swap3A_397] {strides = array<i32>} : memref<2x512x32xf32, #tpu.memory_space<vmem>>, vector<1x1x16xf32>,
          %swap3A_399 = vector.shape_cast %swap3A_398 : vector<1x1x16xf32> to vector<16xf32>
          %swap3A_400 = vector.shape_cast %add3A_393 : vector<16xf32> to vector<1x1x16xf32>
          tpu.vector_store %arg9[%swap3A_395, %swap3A_396, %swap3A_397], %swap3A_400 {strides = array<i32>} : memref<2x512x32xf32, #tpu.memory_space<vmem>>, vector<1x1x16xf32>,
          %add3A_401 = arith.constant 2 : i32
          %add3A_402 = arith.addi %mul3A_305, %add3A_401 : i32
          %slice3A_403 = vector.extract_strided_slice %get3A_303 {offsets = [2], sizes = [1], strides = [1]} : vector<16xf32> to vector<1xf32>
          %broadcast_in_dim3A_404 = vector.shape_cast %slice3A_403 : vector<1xf32> to vector<1xf32>
          %broadcast_in_dim3A_405 = vector.broadcast %broadcast_in_dim3A_404 : vector<1xf32> to vector<16xf32>
          %get3A_406 = arith.constant 1 : i32
          %get3A_407 = arith.index_cast %get3A_406 : i32 to index
          %get3A_408 = arith.index_cast %add3A_402 : i32 to index
          %get3A_409 = arith.constant 0 : index
          %get3A_410 = tpu.vector_load %arg9[%get3A_407, %get3A_408, %get3A_409] {strides = array<i32>} : memref<2x512x32xf32, #tpu.memory_space<vmem>>, vector<1x1x16xf32>,
          %get3A_411 = vector.shape_cast %get3A_410 : vector<1x1x16xf32> to vector<16xf32>
          %get3A_412 = arith.constant 1 : i32
          %get3A_413 = arith.index_cast %get3A_412 : i32 to index
          %get3A_414 = arith.index_cast %add3A_402 : i32 to index
          %get3A_415 = arith.constant 0 : index
          %get3A_416 = tpu.vector_load %arg10[%get3A_413, %get3A_414, %get3A_415] {strides = array<i32>} : memref<2x512x32xf32, #tpu.memory_space<vmem>>, vector<1x1x16xf32>,
          %get3A_417 = vector.shape_cast %get3A_416 : vector<1x1x16xf32> to vector<16xf32>
          %get3A_418 = arith.constant 1 : i32
          %get3A_419 = arith.index_cast %get3A_418 : i32 to index
          %get3A_420 = arith.index_cast %add3A_402 : i32 to index
          %get3A_421 = arith.constant 16 : index
          %get3A_422 = tpu.vector_load %arg9[%get3A_419, %get3A_420, %get3A_421] {strides = array<i32>} : memref<2x512x32xf32, #tpu.memory_space<vmem>>, vector<1x1x16xf32>,
          %get3A_423 = vector.shape_cast %get3A_422 : vector<1x1x16xf32> to vector<16xf32>
          %get3A_424 = arith.constant 1 : i32
          %get3A_425 = arith.index_cast %get3A_424 : i32 to index
          %get3A_426 = arith.index_cast %add3A_402 : i32 to index
          %get3A_427 = arith.constant 16 : index
          %get3A_428 = tpu.vector_load %arg10[%get3A_425, %get3A_426, %get3A_427] {strides = array<i32>} : memref<2x512x32xf32, #tpu.memory_space<vmem>>, vector<1x1x16xf32>,
          %get3A_429 = vector.shape_cast %get3A_428 : vector<1x1x16xf32> to vector<16xf32>
          %sub3A_430 = arith.subf %get3A_417, %get3A_411 : vector<16xf32>
          %mul3A_431 = arith.mulf %broadcast_in_dim3A_405, %sub3A_430 : vector<16xf32>
          %add3A_432 = arith.addf %get3A_411, %mul3A_431 : vector<16xf32>
          %swap3A_433 = arith.constant 1 : i32
          %swap3A_434 = arith.index_cast %swap3A_433 : i32 to index
          %swap3A_435 = arith.index_cast %add3A_402 : i32 to index
          %swap3A_436 = arith.constant 0 : index
          %swap3A_437 = tpu.vector_load %arg9[%swap3A_434, %swap3A_435, %swap3A_436] {strides = array<i32>} : memref<2x512x32xf32, #tpu.memory_space<vmem>>, vector<1x1x16xf32>,
          %swap3A_438 = vector.shape_cast %swap3A_437 : vector<1x1x16xf32> to vector<16xf32>
          %swap3A_439 = vector.shape_cast %add3A_432 : vector<16xf32> to vector<1x1x16xf32>
          tpu.vector_store %arg9[%swap3A_434, %swap3A_435, %swap3A_436], %swap3A_439 {strides = array<i32>} : memref<2x512x32xf32, #tpu.memory_space<vmem>>, vector<1x1x16xf32>,
          %sub3A_440 = arith.subf %get3A_429, %get3A_423 : vector<16xf32>
          %mul3A_441 = arith.mulf %broadcast_in_dim3A_405, %sub3A_440 : vector<16xf32>
          %add3A_442 = arith.addf %get3A_423, %mul3A_441 : vector<16xf32>
          %swap3A_443 = arith.constant 1 : i32
          %swap3A_444 = arith.index_cast %swap3A_443 : i32 to index
          %swap3A_445 = arith.index_cast %add3A_402 : i32 to index
          %swap3A_446 = arith.constant 16 : index
          %swap3A_447 = tpu.vector_load %arg9[%swap3A_444, %swap3A_445, %swap3A_446] {strides = array<i32>} : memref<2x512x32xf32, #tpu.memory_space<vmem>>, vector<1x1x16xf32>,
          %swap3A_448 = vector.shape_cast %swap3A_447 : vector<1x1x16xf32> to vector<16xf32>
          %swap3A_449 = vector.shape_cast %add3A_442 : vector<16xf32> to vector<1x1x16xf32>
          tpu.vector_store %arg9[%swap3A_444, %swap3A_445, %swap3A_446], %swap3A_449 {strides = array<i32>} : memref<2x512x32xf32, #tpu.memory_space<vmem>>, vector<1x1x16xf32>,
          %add3A_450 = arith.constant 3 : i32
          %add3A_451 = arith.addi %mul3A_305, %add3A_450 : i32
          %slice3A_452 = vector.extract_strided_slice %get3A_303 {offsets = [3], sizes = [1], strides = [1]} : vector<16xf32> to vector<1xf32>
          %broadcast_in_dim3A_453 = vector.shape_cast %slice3A_452 : vector<1xf32> to vector<1xf32>
          %broadcast_in_dim3A_454 = vector.broadcast %broadcast_in_dim3A_453 : vector<1xf32> to vector<16xf32>
          %get3A_455 = arith.constant 1 : i32
          %get3A_456 = arith.index_cast %get3A_455 : i32 to index
          %get3A_457 = arith.index_cast %add3A_451 : i32 to index
          %get3A_458 = arith.constant 0 : index
          %get3A_459 = tpu.vector_load %arg9[%get3A_456, %get3A_457, %get3A_458] {strides = array<i32>} : memref<2x512x32xf32, #tpu.memory_space<vmem>>, vector<1x1x16xf32>,
          %get3A_460 = vector.shape_cast %get3A_459 : vector<1x1x16xf32> to vector<16xf32>
          %get3A_461 = arith.constant 1 : i32
          %get3A_462 = arith.index_cast %get3A_461 : i32 to index
          %get3A_463 = arith.index_cast %add3A_451 : i32 to index
          %get3A_464 = arith.constant 0 : index
          %get3A_465 = tpu.vector_load %arg10[%get3A_462, %get3A_463, %get3A_464] {strides = array<i32>} : memref<2x512x32xf32, #tpu.memory_space<vmem>>, vector<1x1x16xf32>,
          %get3A_466 = vector.shape_cast %get3A_465 : vector<1x1x16xf32> to vector<16xf32>
          %get3A_467 = arith.constant 1 : i32
          %get3A_468 = arith.index_cast %get3A_467 : i32 to index
          %get3A_469 = arith.index_cast %add3A_451 : i32 to index
          %get3A_470 = arith.constant 16 : index
          %get3A_471 = tpu.vector_load %arg9[%get3A_468, %get3A_469, %get3A_470] {strides = array<i32>} : memref<2x512x32xf32, #tpu.memory_space<vmem>>, vector<1x1x16xf32>,
          %get3A_472 = vector.shape_cast %get3A_471 : vector<1x1x16xf32> to vector<16xf32>
          %get3A_473 = arith.constant 1 : i32
          %get3A_474 = arith.index_cast %get3A_473 : i32 to index
          %get3A_475 = arith.index_cast %add3A_451 : i32 to index
          %get3A_476 = arith.constant 16 : index
          %get3A_477 = tpu.vector_load %arg10[%get3A_474, %get3A_475, %get3A_476] {strides = array<i32>} : memref<2x512x32xf32, #tpu.memory_space<vmem>>, vector<1x1x16xf32>,
          %get3A_478 = vector.shape_cast %get3A_477 : vector<1x1x16xf32> to vector<16xf32>
          %sub3A_479 = arith.subf %get3A_466, %get3A_460 : vector<16xf32>
          %mul3A_480 = arith.mulf %broadcast_in_dim3A_454, %sub3A_479 : vector<16xf32>
          %add3A_481 = arith.addf %get3A_460, %mul3A_480 : vector<16xf32>
          %swap3A_482 = arith.constant 1 : i32
          %swap3A_483 = arith.index_cast %swap3A_482 : i32 to index
          %swap3A_484 = arith.index_cast %add3A_451 : i32 to index
          %swap3A_485 = arith.constant 0 : index
          %swap3A_486 = tpu.vector_load %arg9[%swap3A_483, %swap3A_484, %swap3A_485] {strides = array<i32>} : memref<2x512x32xf32, #tpu.memory_space<vmem>>, vector<1x1x16xf32>,
          %swap3A_487 = vector.shape_cast %swap3A_486 : vector<1x1x16xf32> to vector<16xf32>
          %swap3A_488 = vector.shape_cast %add3A_481 : vector<16xf32> to vector<1x1x16xf32>
          tpu.vector_store %arg9[%swap3A_483, %swap3A_484, %swap3A_485], %swap3A_488 {strides = array<i32>} : memref<2x512x32xf32, #tpu.memory_space<vmem>>, vector<1x1x16xf32>,
          %sub3A_489 = arith.subf %get3A_478, %get3A_472 : vector<16xf32>
          %mul3A_490 = arith.mulf %broadcast_in_dim3A_454, %sub3A_489 : vector<16xf32>
          %add3A_491 = arith.addf %get3A_472, %mul3A_490 : vector<16xf32>
          %swap3A_492 = arith.constant 1 : i32
          %swap3A_493 = arith.index_cast %swap3A_492 : i32 to index
          %swap3A_494 = arith.index_cast %add3A_451 : i32 to index
          %swap3A_495 = arith.constant 16 : index
          %swap3A_496 = tpu.vector_load %arg9[%swap3A_493, %swap3A_494, %swap3A_495] {strides = array<i32>} : memref<2x512x32xf32, #tpu.memory_space<vmem>>, vector<1x1x16xf32>,
          %swap3A_497 = vector.shape_cast %swap3A_496 : vector<1x1x16xf32> to vector<16xf32>
          %swap3A_498 = vector.shape_cast %add3A_491 : vector<16xf32> to vector<1x1x16xf32>
          tpu.vector_store %arg9[%swap3A_493, %swap3A_494, %swap3A_495], %swap3A_498 {strides = array<i32>} : memref<2x512x32xf32, #tpu.memory_space<vmem>>, vector<1x1x16xf32>,
          %add3A_499 = arith.constant 4 : i32
          %add3A_500 = arith.addi %mul3A_305, %add3A_499 : i32
          %slice3A_501 = vector.extract_strided_slice %get3A_303 {offsets = [4], sizes = [1], strides = [1]} : vector<16xf32> to vector<1xf32>
          %broadcast_in_dim3A_502 = vector.shape_cast %slice3A_501 : vector<1xf32> to vector<1xf32>
          %broadcast_in_dim3A_503 = vector.broadcast %broadcast_in_dim3A_502 : vector<1xf32> to vector<16xf32>
          %get3A_504 = arith.constant 1 : i32
          %get3A_505 = arith.index_cast %get3A_504 : i32 to index
          %get3A_506 = arith.index_cast %add3A_500 : i32 to index
          %get3A_507 = arith.constant 0 : index
          %get3A_508 = tpu.vector_load %arg9[%get3A_505, %get3A_506, %get3A_507] {strides = array<i32>} : memref<2x512x32xf32, #tpu.memory_space<vmem>>, vector<1x1x16xf32>,
          %get3A_509 = vector.shape_cast %get3A_508 : vector<1x1x16xf32> to vector<16xf32>
          %get3A_510 = arith.constant 1 : i32
          %get3A_511 = arith.index_cast %get3A_510 : i32 to index
          %get3A_512 = arith.index_cast %add3A_500 : i32 to index
          %get3A_513 = arith.constant 0 : index
          %get3A_514 = tpu.vector_load %arg10[%get3A_511, %get3A_512, %get3A_513] {strides = array<i32>} : memref<2x512x32xf32, #tpu.memory_space<vmem>>, vector<1x1x16xf32>,
          %get3A_515 = vector.shape_cast %get3A_514 : vector<1x1x16xf32> to vector<16xf32>
          %get3A_516 = arith.constant 1 : i32
          %get3A_517 = arith.index_cast %get3A_516 : i32 to index
          %get3A_518 = arith.index_cast %add3A_500 : i32 to index
          %get3A_519 = arith.constant 16 : index
          %get3A_520 = tpu.vector_load %arg9[%get3A_517, %get3A_518, %get3A_519] {strides = array<i32>} : memref<2x512x32xf32, #tpu.memory_space<vmem>>, vector<1x1x16xf32>,
          %get3A_521 = vector.shape_cast %get3A_520 : vector<1x1x16xf32> to vector<16xf32>
          %get3A_522 = arith.constant 1 : i32
          %get3A_523 = arith.index_cast %get3A_522 : i32 to index
          %get3A_524 = arith.index_cast %add3A_500 : i32 to index
          %get3A_525 = arith.constant 16 : index
          %get3A_526 = tpu.vector_load %arg10[%get3A_523, %get3A_524, %get3A_525] {strides = array<i32>} : memref<2x512x32xf32, #tpu.memory_space<vmem>>, vector<1x1x16xf32>,
          %get3A_527 = vector.shape_cast %get3A_526 : vector<1x1x16xf32> to vector<16xf32>
          %sub3A_528 = arith.subf %get3A_515, %get3A_509 : vector<16xf32>
          %mul3A_529 = arith.mulf %broadcast_in_dim3A_503, %sub3A_528 : vector<16xf32>
          %add3A_530 = arith.addf %get3A_509, %mul3A_529 : vector<16xf32>
          %swap3A_531 = arith.constant 1 : i32
          %swap3A_532 = arith.index_cast %swap3A_531 : i32 to index
          %swap3A_533 = arith.index_cast %add3A_500 : i32 to index
          %swap3A_534 = arith.constant 0 : index
          %swap3A_535 = tpu.vector_load %arg9[%swap3A_532, %swap3A_533, %swap3A_534] {strides = array<i32>} : memref<2x512x32xf32, #tpu.memory_space<vmem>>, vector<1x1x16xf32>,
          %swap3A_536 = vector.shape_cast %swap3A_535 : vector<1x1x16xf32> to vector<16xf32>
          %swap3A_537 = vector.shape_cast %add3A_530 : vector<16xf32> to vector<1x1x16xf32>
          tpu.vector_store %arg9[%swap3A_532, %swap3A_533, %swap3A_534], %swap3A_537 {strides = array<i32>} : memref<2x512x32xf32, #tpu.memory_space<vmem>>, vector<1x1x16xf32>,
          %sub3A_538 = arith.subf %get3A_527, %get3A_521 : vector<16xf32>
          %mul3A_539 = arith.mulf %broadcast_in_dim3A_503, %sub3A_538 : vector<16xf32>
          %add3A_540 = arith.addf %get3A_521, %mul3A_539 : vector<16xf32>
          %swap3A_541 = arith.constant 1 : i32
          %swap3A_542 = arith.index_cast %swap3A_541 : i32 to index
          %swap3A_543 = arith.index_cast %add3A_500 : i32 to index
          %swap3A_544 = arith.constant 16 : index
          %swap3A_545 = tpu.vector_load %arg9[%swap3A_542, %swap3A_543, %swap3A_544] {strides = array<i32>} : memref<2x512x32xf32, #tpu.memory_space<vmem>>, vector<1x1x16xf32>,
          %swap3A_546 = vector.shape_cast %swap3A_545 : vector<1x1x16xf32> to vector<16xf32>
          %swap3A_547 = vector.shape_cast %add3A_540 : vector<16xf32> to vector<1x1x16xf32>
          tpu.vector_store %arg9[%swap3A_542, %swap3A_543, %swap3A_544], %swap3A_547 {strides = array<i32>} : memref<2x512x32xf32, #tpu.memory_space<vmem>>, vector<1x1x16xf32>,
          %add3A_548 = arith.constant 5 : i32
          %add3A_549 = arith.addi %mul3A_305, %add3A_548 : i32
          %slice3A_550 = vector.extract_strided_slice %get3A_303 {offsets = [5], sizes = [1], strides = [1]} : vector<16xf32> to vector<1xf32>
          %broadcast_in_dim3A_551 = vector.shape_cast %slice3A_550 : vector<1xf32> to vector<1xf32>
          %broadcast_in_dim3A_552 = vector.broadcast %broadcast_in_dim3A_551 : vector<1xf32> to vector<16xf32>
          %get3A_553 = arith.constant 1 : i32
          %get3A_554 = arith.index_cast %get3A_553 : i32 to index
          %get3A_555 = arith.index_cast %add3A_549 : i32 to index
          %get3A_556 = arith.constant 0 : index
          %get3A_557 = tpu.vector_load %arg9[%get3A_554, %get3A_555, %get3A_556] {strides = array<i32>} : memref<2x512x32xf32, #tpu.memory_space<vmem>>, vector<1x1x16xf32>,
          %get3A_558 = vector.shape_cast %get3A_557 : vector<1x1x16xf32> to vector<16xf32>
          %get3A_559 = arith.constant 1 : i32
          %get3A_560 = arith.index_cast %get3A_559 : i32 to index
          %get3A_561 = arith.index_cast %add3A_549 : i32 to index
          %get3A_562 = arith.constant 0 : index
          %get3A_563 = tpu.vector_load %arg10[%get3A_560, %get3A_561, %get3A_562] {strides = array<i32>} : memref<2x512x32xf32, #tpu.memory_space<vmem>>, vector<1x1x16xf32>,
          %get3A_564 = vector.shape_cast %get3A_563 : vector<1x1x16xf32> to vector<16xf32>
          %get3A_565 = arith.constant 1 : i32
          %get3A_566 = arith.index_cast %get3A_565 : i32 to index
          %get3A_567 = arith.index_cast %add3A_549 : i32 to index
          %get3A_568 = arith.constant 16 : index
          %get3A_569 = tpu.vector_load %arg9[%get3A_566, %get3A_567, %get3A_568] {strides = array<i32>} : memref<2x512x32xf32, #tpu.memory_space<vmem>>, vector<1x1x16xf32>,
          %get3A_570 = vector.shape_cast %get3A_569 : vector<1x1x16xf32> to vector<16xf32>
          %get3A_571 = arith.constant 1 : i32
          %get3A_572 = arith.index_cast %get3A_571 : i32 to index
          %get3A_573 = arith.index_cast %add3A_549 : i32 to index
          %get3A_574 = arith.constant 16 : index
          %get3A_575 = tpu.vector_load %arg10[%get3A_572, %get3A_573, %get3A_574] {strides = array<i32>} : memref<2x512x32xf32, #tpu.memory_space<vmem>>, vector<1x1x16xf32>,
          %get3A_576 = vector.shape_cast %get3A_575 : vector<1x1x16xf32> to vector<16xf32>
          %sub3A_577 = arith.subf %get3A_564, %get3A_558 : vector<16xf32>
          %mul3A_578 = arith.mulf %broadcast_in_dim3A_552, %sub3A_577 : vector<16xf32>
          %add3A_579 = arith.addf %get3A_558, %mul3A_578 : vector<16xf32>
          %swap3A_580 = arith.constant 1 : i32
          %swap3A_581 = arith.index_cast %swap3A_580 : i32 to index
          %swap3A_582 = arith.index_cast %add3A_549 : i32 to index
          %swap3A_583 = arith.constant 0 : index
          %swap3A_584 = tpu.vector_load %arg9[%swap3A_581, %swap3A_582, %swap3A_583] {strides = array<i32>} : memref<2x512x32xf32, #tpu.memory_space<vmem>>, vector<1x1x16xf32>,
          %swap3A_585 = vector.shape_cast %swap3A_584 : vector<1x1x16xf32> to vector<16xf32>
          %swap3A_586 = vector.shape_cast %add3A_579 : vector<16xf32> to vector<1x1x16xf32>
          tpu.vector_store %arg9[%swap3A_581, %swap3A_582, %swap3A_583], %swap3A_586 {strides = array<i32>} : memref<2x512x32xf32, #tpu.memory_space<vmem>>, vector<1x1x16xf32>,
          %sub3A_587 = arith.subf %get3A_576, %get3A_570 : vector<16xf32>
          %mul3A_588 = arith.mulf %broadcast_in_dim3A_552, %sub3A_587 : vector<16xf32>
          %add3A_589 = arith.addf %get3A_570, %mul3A_588 : vector<16xf32>
          %swap3A_590 = arith.constant 1 : i32
          %swap3A_591 = arith.index_cast %swap3A_590 : i32 to index
          %swap3A_592 = arith.index_cast %add3A_549 : i32 to index
          %swap3A_593 = arith.constant 16 : index
          %swap3A_594 = tpu.vector_load %arg9[%swap3A_591, %swap3A_592, %swap3A_593] {strides = array<i32>} : memref<2x512x32xf32, #tpu.memory_space<vmem>>, vector<1x1x16xf32>,
          %swap3A_595 = vector.shape_cast %swap3A_594 : vector<1x1x16xf32> to vector<16xf32>
          %swap3A_596 = vector.shape_cast %add3A_589 : vector<16xf32> to vector<1x1x16xf32>
          tpu.vector_store %arg9[%swap3A_591, %swap3A_592, %swap3A_593], %swap3A_596 {strides = array<i32>} : memref<2x512x32xf32, #tpu.memory_space<vmem>>, vector<1x1x16xf32>,
          %add3A_597 = arith.constant 6 : i32
          %add3A_598 = arith.addi %mul3A_305, %add3A_597 : i32
          %slice3A_599 = vector.extract_strided_slice %get3A_303 {offsets = [6], sizes = [1], strides = [1]} : vector<16xf32> to vector<1xf32>
          %broadcast_in_dim3A_600 = vector.shape_cast %slice3A_599 : vector<1xf32> to vector<1xf32>
          %broadcast_in_dim3A_601 = vector.broadcast %broadcast_in_dim3A_600 : vector<1xf32> to vector<16xf32>
          %get3A_602 = arith.constant 1 : i32
          %get3A_603 = arith.index_cast %get3A_602 : i32 to index
          %get3A_604 = arith.index_cast %add3A_598 : i32 to index
          %get3A_605 = arith.constant 0 : index
          %get3A_606 = tpu.vector_load %arg9[%get3A_603, %get3A_604, %get3A_605] {strides = array<i32>} : memref<2x512x32xf32, #tpu.memory_space<vmem>>, vector<1x1x16xf32>,
          %get3A_607 = vector.shape_cast %get3A_606 : vector<1x1x16xf32> to vector<16xf32>
          %get3A_608 = arith.constant 1 : i32
          %get3A_609 = arith.index_cast %get3A_608 : i32 to index
          %get3A_610 = arith.index_cast %add3A_598 : i32 to index
          %get3A_611 = arith.constant 0 : index
          %get3A_612 = tpu.vector_load %arg10[%get3A_609, %get3A_610, %get3A_611] {strides = array<i32>} : memref<2x512x32xf32, #tpu.memory_space<vmem>>, vector<1x1x16xf32>,
          %get3A_613 = vector.shape_cast %get3A_612 : vector<1x1x16xf32> to vector<16xf32>
          %get3A_614 = arith.constant 1 : i32
          %get3A_615 = arith.index_cast %get3A_614 : i32 to index
          %get3A_616 = arith.index_cast %add3A_598 : i32 to index
          %get3A_617 = arith.constant 16 : index
          %get3A_618 = tpu.vector_load %arg9[%get3A_615, %get3A_616, %get3A_617] {strides = array<i32>} : memref<2x512x32xf32, #tpu.memory_space<vmem>>, vector<1x1x16xf32>,
          %get3A_619 = vector.shape_cast %get3A_618 : vector<1x1x16xf32> to vector<16xf32>
          %get3A_620 = arith.constant 1 : i32
          %get3A_621 = arith.index_cast %get3A_620 : i32 to index
          %get3A_622 = arith.index_cast %add3A_598 : i32 to index
          %get3A_623 = arith.constant 16 : index
          %get3A_624 = tpu.vector_load %arg10[%get3A_621, %get3A_622, %get3A_623] {strides = array<i32>} : memref<2x512x32xf32, #tpu.memory_space<vmem>>, vector<1x1x16xf32>,
          %get3A_625 = vector.shape_cast %get3A_624 : vector<1x1x16xf32> to vector<16xf32>
          %sub3A_626 = arith.subf %get3A_613, %get3A_607 : vector<16xf32>
          %mul3A_627 = arith.mulf %broadcast_in_dim3A_601, %sub3A_626 : vector<16xf32>
          %add3A_628 = arith.addf %get3A_607, %mul3A_627 : vector<16xf32>
          %swap3A_629 = arith.constant 1 : i32
          %swap3A_630 = arith.index_cast %swap3A_629 : i32 to index
          %swap3A_631 = arith.index_cast %add3A_598 : i32 to index
          %swap3A_632 = arith.constant 0 : index
          %swap3A_633 = tpu.vector_load %arg9[%swap3A_630, %swap3A_631, %swap3A_632] {strides = array<i32>} : memref<2x512x32xf32, #tpu.memory_space<vmem>>, vector<1x1x16xf32>,
          %swap3A_634 = vector.shape_cast %swap3A_633 : vector<1x1x16xf32> to vector<16xf32>
          %swap3A_635 = vector.shape_cast %add3A_628 : vector<16xf32> to vector<1x1x16xf32>
          tpu.vector_store %arg9[%swap3A_630, %swap3A_631, %swap3A_632], %swap3A_635 {strides = array<i32>} : memref<2x512x32xf32, #tpu.memory_space<vmem>>, vector<1x1x16xf32>,
          %sub3A_636 = arith.subf %get3A_625, %get3A_619 : vector<16xf32>
          %mul3A_637 = arith.mulf %broadcast_in_dim3A_601, %sub3A_636 : vector<16xf32>
          %add3A_638 = arith.addf %get3A_619, %mul3A_637 : vector<16xf32>
          %swap3A_639 = arith.constant 1 : i32
          %swap3A_640 = arith.index_cast %swap3A_639 : i32 to index
          %swap3A_641 = arith.index_cast %add3A_598 : i32 to index
          %swap3A_642 = arith.constant 16 : index
          %swap3A_643 = tpu.vector_load %arg9[%swap3A_640, %swap3A_641, %swap3A_642] {strides = array<i32>} : memref<2x512x32xf32, #tpu.memory_space<vmem>>, vector<1x1x16xf32>,
          %swap3A_644 = vector.shape_cast %swap3A_643 : vector<1x1x16xf32> to vector<16xf32>
          %swap3A_645 = vector.shape_cast %add3A_638 : vector<16xf32> to vector<1x1x16xf32>
          tpu.vector_store %arg9[%swap3A_640, %swap3A_641, %swap3A_642], %swap3A_645 {strides = array<i32>} : memref<2x512x32xf32, #tpu.memory_space<vmem>>, vector<1x1x16xf32>,
          %add3A_646 = arith.constant 7 : i32
          %add3A_647 = arith.addi %mul3A_305, %add3A_646 : i32
          %slice3A_648 = vector.extract_strided_slice %get3A_303 {offsets = [7], sizes = [1], strides = [1]} : vector<16xf32> to vector<1xf32>
          %broadcast_in_dim3A_649 = vector.shape_cast %slice3A_648 : vector<1xf32> to vector<1xf32>
          %broadcast_in_dim3A_650 = vector.broadcast %broadcast_in_dim3A_649 : vector<1xf32> to vector<16xf32>
          %get3A_651 = arith.constant 1 : i32
          %get3A_652 = arith.index_cast %get3A_651 : i32 to index
          %get3A_653 = arith.index_cast %add3A_647 : i32 to index
          %get3A_654 = arith.constant 0 : index
          %get3A_655 = tpu.vector_load %arg9[%get3A_652, %get3A_653, %get3A_654] {strides = array<i32>} : memref<2x512x32xf32, #tpu.memory_space<vmem>>, vector<1x1x16xf32>,
          %get3A_656 = vector.shape_cast %get3A_655 : vector<1x1x16xf32> to vector<16xf32>
          %get3A_657 = arith.constant 1 : i32
          %get3A_658 = arith.index_cast %get3A_657 : i32 to index
          %get3A_659 = arith.index_cast %add3A_647 : i32 to index
          %get3A_660 = arith.constant 0 : index
          %get3A_661 = tpu.vector_load %arg10[%get3A_658, %get3A_659, %get3A_660] {strides = array<i32>} : memref<2x512x32xf32, #tpu.memory_space<vmem>>, vector<1x1x16xf32>,
          %get3A_662 = vector.shape_cast %get3A_661 : vector<1x1x16xf32> to vector<16xf32>
          %get3A_663 = arith.constant 1 : i32
          %get3A_664 = arith.index_cast %get3A_663 : i32 to index
          %get3A_665 = arith.index_cast %add3A_647 : i32 to index
          %get3A_666 = arith.constant 16 : index
          %get3A_667 = tpu.vector_load %arg9[%get3A_664, %get3A_665, %get3A_666] {strides = array<i32>} : memref<2x512x32xf32, #tpu.memory_space<vmem>>, vector<1x1x16xf32>,
          %get3A_668 = vector.shape_cast %get3A_667 : vector<1x1x16xf32> to vector<16xf32>
          %get3A_669 = arith.constant 1 : i32
          %get3A_670 = arith.index_cast %get3A_669 : i32 to index
          %get3A_671 = arith.index_cast %add3A_647 : i32 to index
          %get3A_672 = arith.constant 16 : index
          %get3A_673 = tpu.vector_load %arg10[%get3A_670, %get3A_671, %get3A_672] {strides = array<i32>} : memref<2x512x32xf32, #tpu.memory_space<vmem>>, vector<1x1x16xf32>,
          %get3A_674 = vector.shape_cast %get3A_673 : vector<1x1x16xf32> to vector<16xf32>
          %sub3A_675 = arith.subf %get3A_662, %get3A_656 : vector<16xf32>
          %mul3A_676 = arith.mulf %broadcast_in_dim3A_650, %sub3A_675 : vector<16xf32>
          %add3A_677 = arith.addf %get3A_656, %mul3A_676 : vector<16xf32>
          %swap3A_678 = arith.constant 1 : i32
          %swap3A_679 = arith.index_cast %swap3A_678 : i32 to index
          %swap3A_680 = arith.index_cast %add3A_647 : i32 to index
          %swap3A_681 = arith.constant 0 : index
          %swap3A_682 = tpu.vector_load %arg9[%swap3A_679, %swap3A_680, %swap3A_681] {strides = array<i32>} : memref<2x512x32xf32, #tpu.memory_space<vmem>>, vector<1x1x16xf32>,
          %swap3A_683 = vector.shape_cast %swap3A_682 : vector<1x1x16xf32> to vector<16xf32>
          %swap3A_684 = vector.shape_cast %add3A_677 : vector<16xf32> to vector<1x1x16xf32>
          tpu.vector_store %arg9[%swap3A_679, %swap3A_680, %swap3A_681], %swap3A_684 {strides = array<i32>} : memref<2x512x32xf32, #tpu.memory_space<vmem>>, vector<1x1x16xf32>,
          %sub3A_685 = arith.subf %get3A_674, %get3A_668 : vector<16xf32>
          %mul3A_686 = arith.mulf %broadcast_in_dim3A_650, %sub3A_685 : vector<16xf32>
          %add3A_687 = arith.addf %get3A_668, %mul3A_686 : vector<16xf32>
          %swap3A_688 = arith.constant 1 : i32
          %swap3A_689 = arith.index_cast %swap3A_688 : i32 to index
          %swap3A_690 = arith.index_cast %add3A_647 : i32 to index
          %swap3A_691 = arith.constant 16 : index
          %swap3A_692 = tpu.vector_load %arg9[%swap3A_689, %swap3A_690, %swap3A_691] {strides = array<i32>} : memref<2x512x32xf32, #tpu.memory_space<vmem>>, vector<1x1x16xf32>,
          %swap3A_693 = vector.shape_cast %swap3A_692 : vector<1x1x16xf32> to vector<16xf32>
          %swap3A_694 = vector.shape_cast %add3A_687 : vector<16xf32> to vector<1x1x16xf32>
          tpu.vector_store %arg9[%swap3A_689, %swap3A_690, %swap3A_691], %swap3A_694 {strides = array<i32>} : memref<2x512x32xf32, #tpu.memory_space<vmem>>, vector<1x1x16xf32>,
          %add3A_695 = arith.constant 8 : i32
          %add3A_696 = arith.addi %mul3A_305, %add3A_695 : i32
          %slice3A_697 = vector.extract_strided_slice %get3A_303 {offsets = [8], sizes = [1], strides = [1]} : vector<16xf32> to vector<1xf32>
          %broadcast_in_dim3A_698 = vector.shape_cast %slice3A_697 : vector<1xf32> to vector<1xf32>
          %broadcast_in_dim3A_699 = vector.broadcast %broadcast_in_dim3A_698 : vector<1xf32> to vector<16xf32>
          %get3A_700 = arith.constant 1 : i32
          %get3A_701 = arith.index_cast %get3A_700 : i32 to index
          %get3A_702 = arith.index_cast %add3A_696 : i32 to index
          %get3A_703 = arith.constant 0 : index
          %get3A_704 = tpu.vector_load %arg9[%get3A_701, %get3A_702, %get3A_703] {strides = array<i32>} : memref<2x512x32xf32, #tpu.memory_space<vmem>>, vector<1x1x16xf32>,
          %get3A_705 = vector.shape_cast %get3A_704 : vector<1x1x16xf32> to vector<16xf32>
          %get3A_706 = arith.constant 1 : i32
          %get3A_707 = arith.index_cast %get3A_706 : i32 to index
          %get3A_708 = arith.index_cast %add3A_696 : i32 to index
          %get3A_709 = arith.constant 0 : index
          %get3A_710 = tpu.vector_load %arg10[%get3A_707, %get3A_708, %get3A_709] {strides = array<i32>} : memref<2x512x32xf32, #tpu.memory_space<vmem>>, vector<1x1x16xf32>,
          %get3A_711 = vector.shape_cast %get3A_710 : vector<1x1x16xf32> to vector<16xf32>
          %get3A_712 = arith.constant 1 : i32
          %get3A_713 = arith.index_cast %get3A_712 : i32 to index
          %get3A_714 = arith.index_cast %add3A_696 : i32 to index
          %get3A_715 = arith.constant 16 : index
          %get3A_716 = tpu.vector_load %arg9[%get3A_713, %get3A_714, %get3A_715] {strides = array<i32>} : memref<2x512x32xf32, #tpu.memory_space<vmem>>, vector<1x1x16xf32>,
          %get3A_717 = vector.shape_cast %get3A_716 : vector<1x1x16xf32> to vector<16xf32>
          %get3A_718 = arith.constant 1 : i32
          %get3A_719 = arith.index_cast %get3A_718 : i32 to index
          %get3A_720 = arith.index_cast %add3A_696 : i32 to index
          %get3A_721 = arith.constant 16 : index
          %get3A_722 = tpu.vector_load %arg10[%get3A_719, %get3A_720, %get3A_721] {strides = array<i32>} : memref<2x512x32xf32, #tpu.memory_space<vmem>>, vector<1x1x16xf32>,
          %get3A_723 = vector.shape_cast %get3A_722 : vector<1x1x16xf32> to vector<16xf32>
          %sub3A_724 = arith.subf %get3A_711, %get3A_705 : vector<16xf32>
          %mul3A_725 = arith.mulf %broadcast_in_dim3A_699, %sub3A_724 : vector<16xf32>
          %add3A_726 = arith.addf %get3A_705, %mul3A_725 : vector<16xf32>
          %swap3A_727 = arith.constant 1 : i32
          %swap3A_728 = arith.index_cast %swap3A_727 : i32 to index
          %swap3A_729 = arith.index_cast %add3A_696 : i32 to index
          %swap3A_730 = arith.constant 0 : index
          %swap3A_731 = tpu.vector_load %arg9[%swap3A_728, %swap3A_729, %swap3A_730] {strides = array<i32>} : memref<2x512x32xf32, #tpu.memory_space<vmem>>, vector<1x1x16xf32>,
          %swap3A_732 = vector.shape_cast %swap3A_731 : vector<1x1x16xf32> to vector<16xf32>
          %swap3A_733 = vector.shape_cast %add3A_726 : vector<16xf32> to vector<1x1x16xf32>
          tpu.vector_store %arg9[%swap3A_728, %swap3A_729, %swap3A_730], %swap3A_733 {strides = array<i32>} : memref<2x512x32xf32, #tpu.memory_space<vmem>>, vector<1x1x16xf32>,
          %sub3A_734 = arith.subf %get3A_723, %get3A_717 : vector<16xf32>
          %mul3A_735 = arith.mulf %broadcast_in_dim3A_699, %sub3A_734 : vector<16xf32>
          %add3A_736 = arith.addf %get3A_717, %mul3A_735 : vector<16xf32>
          %swap3A_737 = arith.constant 1 : i32
          %swap3A_738 = arith.index_cast %swap3A_737 : i32 to index
          %swap3A_739 = arith.index_cast %add3A_696 : i32 to index
          %swap3A_740 = arith.constant 16 : index
          %swap3A_741 = tpu.vector_load %arg9[%swap3A_738, %swap3A_739, %swap3A_740] {strides = array<i32>} : memref<2x512x32xf32, #tpu.memory_space<vmem>>, vector<1x1x16xf32>,
          %swap3A_742 = vector.shape_cast %swap3A_741 : vector<1x1x16xf32> to vector<16xf32>
          %swap3A_743 = vector.shape_cast %add3A_736 : vector<16xf32> to vector<1x1x16xf32>
          tpu.vector_store %arg9[%swap3A_738, %swap3A_739, %swap3A_740], %swap3A_743 {strides = array<i32>} : memref<2x512x32xf32, #tpu.memory_space<vmem>>, vector<1x1x16xf32>,
          %add3A_744 = arith.constant 9 : i32
          %add3A_745 = arith.addi %mul3A_305, %add3A_744 : i32
          %slice3A_746 = vector.extract_strided_slice %get3A_303 {offsets = [9], sizes = [1], strides = [1]} : vector<16xf32> to vector<1xf32>
          %broadcast_in_dim3A_747 = vector.shape_cast %slice3A_746 : vector<1xf32> to vector<1xf32>
          %broadcast_in_dim3A_748 = vector.broadcast %broadcast_in_dim3A_747 : vector<1xf32> to vector<16xf32>
          %get3A_749 = arith.constant 1 : i32
          %get3A_750 = arith.index_cast %get3A_749 : i32 to index
          %get3A_751 = arith.index_cast %add3A_745 : i32 to index
          %get3A_752 = arith.constant 0 : index
          %get3A_753 = tpu.vector_load %arg9[%get3A_750, %get3A_751, %get3A_752] {strides = array<i32>} : memref<2x512x32xf32, #tpu.memory_space<vmem>>, vector<1x1x16xf32>,
          %get3A_754 = vector.shape_cast %get3A_753 : vector<1x1x16xf32> to vector<16xf32>
          %get3A_755 = arith.constant 1 : i32
          %get3A_756 = arith.index_cast %get3A_755 : i32 to index
          %get3A_757 = arith.index_cast %add3A_745 : i32 to index
          %get3A_758 = arith.constant 0 : index
          %get3A_759 = tpu.vector_load %arg10[%get3A_756, %get3A_757, %get3A_758] {strides = array<i32>} : memref<2x512x32xf32, #tpu.memory_space<vmem>>, vector<1x1x16xf32>,
          %get3A_760 = vector.shape_cast %get3A_759 : vector<1x1x16xf32> to vector<16xf32>
          %get3A_761 = arith.constant 1 : i32
          %get3A_762 = arith.index_cast %get3A_761 : i32 to index
          %get3A_763 = arith.index_cast %add3A_745 : i32 to index
          %get3A_764 = arith.constant 16 : index
          %get3A_765 = tpu.vector_load %arg9[%get3A_762, %get3A_763, %get3A_764] {strides = array<i32>} : memref<2x512x32xf32, #tpu.memory_space<vmem>>, vector<1x1x16xf32>,
          %get3A_766 = vector.shape_cast %get3A_765 : vector<1x1x16xf32> to vector<16xf32>
          %get3A_767 = arith.constant 1 : i32
          %get3A_768 = arith.index_cast %get3A_767 : i32 to index
          %get3A_769 = arith.index_cast %add3A_745 : i32 to index
          %get3A_770 = arith.constant 16 : index
          %get3A_771 = tpu.vector_load %arg10[%get3A_768, %get3A_769, %get3A_770] {strides = array<i32>} : memref<2x512x32xf32, #tpu.memory_space<vmem>>, vector<1x1x16xf32>,
          %get3A_772 = vector.shape_cast %get3A_771 : vector<1x1x16xf32> to vector<16xf32>
          %sub3A_773 = arith.subf %get3A_760, %get3A_754 : vector<16xf32>
          %mul3A_774 = arith.mulf %broadcast_in_dim3A_748, %sub3A_773 : vector<16xf32>
          %add3A_775 = arith.addf %get3A_754, %mul3A_774 : vector<16xf32>
          %swap3A_776 = arith.constant 1 : i32
          %swap3A_777 = arith.index_cast %swap3A_776 : i32 to index
          %swap3A_778 = arith.index_cast %add3A_745 : i32 to index
          %swap3A_779 = arith.constant 0 : index
          %swap3A_780 = tpu.vector_load %arg9[%swap3A_777, %swap3A_778, %swap3A_779] {strides = array<i32>} : memref<2x512x32xf32, #tpu.memory_space<vmem>>, vector<1x1x16xf32>,
          %swap3A_781 = vector.shape_cast %swap3A_780 : vector<1x1x16xf32> to vector<16xf32>
          %swap3A_782 = vector.shape_cast %add3A_775 : vector<16xf32> to vector<1x1x16xf32>
          tpu.vector_store %arg9[%swap3A_777, %swap3A_778, %swap3A_779], %swap3A_782 {strides = array<i32>} : memref<2x512x32xf32, #tpu.memory_space<vmem>>, vector<1x1x16xf32>,
          %sub3A_783 = arith.subf %get3A_772, %get3A_766 : vector<16xf32>
          %mul3A_784 = arith.mulf %broadcast_in_dim3A_748, %sub3A_783 : vector<16xf32>
          %add3A_785 = arith.addf %get3A_766, %mul3A_784 : vector<16xf32>
          %swap3A_786 = arith.constant 1 : i32
          %swap3A_787 = arith.index_cast %swap3A_786 : i32 to index
          %swap3A_788 = arith.index_cast %add3A_745 : i32 to index
          %swap3A_789 = arith.constant 16 : index
          %swap3A_790 = tpu.vector_load %arg9[%swap3A_787, %swap3A_788, %swap3A_789] {strides = array<i32>} : memref<2x512x32xf32, #tpu.memory_space<vmem>>, vector<1x1x16xf32>,
          %swap3A_791 = vector.shape_cast %swap3A_790 : vector<1x1x16xf32> to vector<16xf32>
          %swap3A_792 = vector.shape_cast %add3A_785 : vector<16xf32> to vector<1x1x16xf32>
          tpu.vector_store %arg9[%swap3A_787, %swap3A_788, %swap3A_789], %swap3A_792 {strides = array<i32>} : memref<2x512x32xf32, #tpu.memory_space<vmem>>, vector<1x1x16xf32>,
          %add3A_793 = arith.constant 10 : i32
          %add3A_794 = arith.addi %mul3A_305, %add3A_793 : i32
          %slice3A_795 = vector.extract_strided_slice %get3A_303 {offsets = [10], sizes = [1], strides = [1]} : vector<16xf32> to vector<1xf32>
          %broadcast_in_dim3A_796 = vector.shape_cast %slice3A_795 : vector<1xf32> to vector<1xf32>
          %broadcast_in_dim3A_797 = vector.broadcast %broadcast_in_dim3A_796 : vector<1xf32> to vector<16xf32>
          %get3A_798 = arith.constant 1 : i32
          %get3A_799 = arith.index_cast %get3A_798 : i32 to index
          %get3A_800 = arith.index_cast %add3A_794 : i32 to index
          %get3A_801 = arith.constant 0 : index
          %get3A_802 = tpu.vector_load %arg9[%get3A_799, %get3A_800, %get3A_801] {strides = array<i32>} : memref<2x512x32xf32, #tpu.memory_space<vmem>>, vector<1x1x16xf32>,
          %get3A_803 = vector.shape_cast %get3A_802 : vector<1x1x16xf32> to vector<16xf32>
          %get3A_804 = arith.constant 1 : i32
          %get3A_805 = arith.index_cast %get3A_804 : i32 to index
          %get3A_806 = arith.index_cast %add3A_794 : i32 to index
          %get3A_807 = arith.constant 0 : index
          %get3A_808 = tpu.vector_load %arg10[%get3A_805, %get3A_806, %get3A_807] {strides = array<i32>} : memref<2x512x32xf32, #tpu.memory_space<vmem>>, vector<1x1x16xf32>,
          %get3A_809 = vector.shape_cast %get3A_808 : vector<1x1x16xf32> to vector<16xf32>
          %get3A_810 = arith.constant 1 : i32
          %get3A_811 = arith.index_cast %get3A_810 : i32 to index
          %get3A_812 = arith.index_cast %add3A_794 : i32 to index
          %get3A_813 = arith.constant 16 : index
          %get3A_814 = tpu.vector_load %arg9[%get3A_811, %get3A_812, %get3A_813] {strides = array<i32>} : memref<2x512x32xf32, #tpu.memory_space<vmem>>, vector<1x1x16xf32>,
          %get3A_815 = vector.shape_cast %get3A_814 : vector<1x1x16xf32> to vector<16xf32>
          %get3A_816 = arith.constant 1 : i32
          %get3A_817 = arith.index_cast %get3A_816 : i32 to index
          %get3A_818 = arith.index_cast %add3A_794 : i32 to index
          %get3A_819 = arith.constant 16 : index
          %get3A_820 = tpu.vector_load %arg10[%get3A_817, %get3A_818, %get3A_819] {strides = array<i32>} : memref<2x512x32xf32, #tpu.memory_space<vmem>>, vector<1x1x16xf32>,
          %get3A_821 = vector.shape_cast %get3A_820 : vector<1x1x16xf32> to vector<16xf32>
          %sub3A_822 = arith.subf %get3A_809, %get3A_803 : vector<16xf32>
          %mul3A_823 = arith.mulf %broadcast_in_dim3A_797, %sub3A_822 : vector<16xf32>
          %add3A_824 = arith.addf %get3A_803, %mul3A_823 : vector<16xf32>
          %swap3A_825 = arith.constant 1 : i32
          %swap3A_826 = arith.index_cast %swap3A_825 : i32 to index
          %swap3A_827 = arith.index_cast %add3A_794 : i32 to index
          %swap3A_828 = arith.constant 0 : index
          %swap3A_829 = tpu.vector_load %arg9[%swap3A_826, %swap3A_827, %swap3A_828] {strides = array<i32>} : memref<2x512x32xf32, #tpu.memory_space<vmem>>, vector<1x1x16xf32>,
          %swap3A_830 = vector.shape_cast %swap3A_829 : vector<1x1x16xf32> to vector<16xf32>
          %swap3A_831 = vector.shape_cast %add3A_824 : vector<16xf32> to vector<1x1x16xf32>
          tpu.vector_store %arg9[%swap3A_826, %swap3A_827, %swap3A_828], %swap3A_831 {strides = array<i32>} : memref<2x512x32xf32, #tpu.memory_space<vmem>>, vector<1x1x16xf32>,
          %sub3A_832 = arith.subf %get3A_821, %get3A_815 : vector<16xf32>
          %mul3A_833 = arith.mulf %broadcast_in_dim3A_797, %sub3A_832 : vector<16xf32>
          %add3A_834 = arith.addf %get3A_815, %mul3A_833 : vector<16xf32>
          %swap3A_835 = arith.constant 1 : i32
          %swap3A_836 = arith.index_cast %swap3A_835 : i32 to index
          %swap3A_837 = arith.index_cast %add3A_794 : i32 to index
          %swap3A_838 = arith.constant 16 : index
          %swap3A_839 = tpu.vector_load %arg9[%swap3A_836, %swap3A_837, %swap3A_838] {strides = array<i32>} : memref<2x512x32xf32, #tpu.memory_space<vmem>>, vector<1x1x16xf32>,
          %swap3A_840 = vector.shape_cast %swap3A_839 : vector<1x1x16xf32> to vector<16xf32>
          %swap3A_841 = vector.shape_cast %add3A_834 : vector<16xf32> to vector<1x1x16xf32>
          tpu.vector_store %arg9[%swap3A_836, %swap3A_837, %swap3A_838], %swap3A_841 {strides = array<i32>} : memref<2x512x32xf32, #tpu.memory_space<vmem>>, vector<1x1x16xf32>,
          %add3A_842 = arith.constant 11 : i32
          %add3A_843 = arith.addi %mul3A_305, %add3A_842 : i32
          %slice3A_844 = vector.extract_strided_slice %get3A_303 {offsets = [11], sizes = [1], strides = [1]} : vector<16xf32> to vector<1xf32>
          %broadcast_in_dim3A_845 = vector.shape_cast %slice3A_844 : vector<1xf32> to vector<1xf32>
          %broadcast_in_dim3A_846 = vector.broadcast %broadcast_in_dim3A_845 : vector<1xf32> to vector<16xf32>
          %get3A_847 = arith.constant 1 : i32
          %get3A_848 = arith.index_cast %get3A_847 : i32 to index
          %get3A_849 = arith.index_cast %add3A_843 : i32 to index
          %get3A_850 = arith.constant 0 : index
          %get3A_851 = tpu.vector_load %arg9[%get3A_848, %get3A_849, %get3A_850] {strides = array<i32>} : memref<2x512x32xf32, #tpu.memory_space<vmem>>, vector<1x1x16xf32>,
          %get3A_852 = vector.shape_cast %get3A_851 : vector<1x1x16xf32> to vector<16xf32>
          %get3A_853 = arith.constant 1 : i32
          %get3A_854 = arith.index_cast %get3A_853 : i32 to index
          %get3A_855 = arith.index_cast %add3A_843 : i32 to index
          %get3A_856 = arith.constant 0 : index
          %get3A_857 = tpu.vector_load %arg10[%get3A_854, %get3A_855, %get3A_856] {strides = array<i32>} : memref<2x512x32xf32, #tpu.memory_space<vmem>>, vector<1x1x16xf32>,
          %get3A_858 = vector.shape_cast %get3A_857 : vector<1x1x16xf32> to vector<16xf32>
          %get3A_859 = arith.constant 1 : i32
          %get3A_860 = arith.index_cast %get3A_859 : i32 to index
          %get3A_861 = arith.index_cast %add3A_843 : i32 to index
          %get3A_862 = arith.constant 16 : index
          %get3A_863 = tpu.vector_load %arg9[%get3A_860, %get3A_861, %get3A_862] {strides = array<i32>} : memref<2x512x32xf32, #tpu.memory_space<vmem>>, vector<1x1x16xf32>,
          %get3A_864 = vector.shape_cast %get3A_863 : vector<1x1x16xf32> to vector<16xf32>
          %get3A_865 = arith.constant 1 : i32
          %get3A_866 = arith.index_cast %get3A_865 : i32 to index
          %get3A_867 = arith.index_cast %add3A_843 : i32 to index
          %get3A_868 = arith.constant 16 : index
          %get3A_869 = tpu.vector_load %arg10[%get3A_866, %get3A_867, %get3A_868] {strides = array<i32>} : memref<2x512x32xf32, #tpu.memory_space<vmem>>, vector<1x1x16xf32>,
          %get3A_870 = vector.shape_cast %get3A_869 : vector<1x1x16xf32> to vector<16xf32>
          %sub3A_871 = arith.subf %get3A_858, %get3A_852 : vector<16xf32>
          %mul3A_872 = arith.mulf %broadcast_in_dim3A_846, %sub3A_871 : vector<16xf32>
          %add3A_873 = arith.addf %get3A_852, %mul3A_872 : vector<16xf32>
          %swap3A_874 = arith.constant 1 : i32
          %swap3A_875 = arith.index_cast %swap3A_874 : i32 to index
          %swap3A_876 = arith.index_cast %add3A_843 : i32 to index
          %swap3A_877 = arith.constant 0 : index
          %swap3A_878 = tpu.vector_load %arg9[%swap3A_875, %swap3A_876, %swap3A_877] {strides = array<i32>} : memref<2x512x32xf32, #tpu.memory_space<vmem>>, vector<1x1x16xf32>,
          %swap3A_879 = vector.shape_cast %swap3A_878 : vector<1x1x16xf32> to vector<16xf32>
          %swap3A_880 = vector.shape_cast %add3A_873 : vector<16xf32> to vector<1x1x16xf32>
          tpu.vector_store %arg9[%swap3A_875, %swap3A_876, %swap3A_877], %swap3A_880 {strides = array<i32>} : memref<2x512x32xf32, #tpu.memory_space<vmem>>, vector<1x1x16xf32>,
          %sub3A_881 = arith.subf %get3A_870, %get3A_864 : vector<16xf32>
          %mul3A_882 = arith.mulf %broadcast_in_dim3A_846, %sub3A_881 : vector<16xf32>
          %add3A_883 = arith.addf %get3A_864, %mul3A_882 : vector<16xf32>
          %swap3A_884 = arith.constant 1 : i32
          %swap3A_885 = arith.index_cast %swap3A_884 : i32 to index
          %swap3A_886 = arith.index_cast %add3A_843 : i32 to index
          %swap3A_887 = arith.constant 16 : index
          %swap3A_888 = tpu.vector_load %arg9[%swap3A_885, %swap3A_886, %swap3A_887] {strides = array<i32>} : memref<2x512x32xf32, #tpu.memory_space<vmem>>, vector<1x1x16xf32>,
          %swap3A_889 = vector.shape_cast %swap3A_888 : vector<1x1x16xf32> to vector<16xf32>
          %swap3A_890 = vector.shape_cast %add3A_883 : vector<16xf32> to vector<1x1x16xf32>
          tpu.vector_store %arg9[%swap3A_885, %swap3A_886, %swap3A_887], %swap3A_890 {strides = array<i32>} : memref<2x512x32xf32, #tpu.memory_space<vmem>>, vector<1x1x16xf32>,
          %add3A_891 = arith.constant 12 : i32
          %add3A_892 = arith.addi %mul3A_305, %add3A_891 : i32
          %slice3A_893 = vector.extract_strided_slice %get3A_303 {offsets = [12], sizes = [1], strides = [1]} : vector<16xf32> to vector<1xf32>
          %broadcast_in_dim3A_894 = vector.shape_cast %slice3A_893 : vector<1xf32> to vector<1xf32>
          %broadcast_in_dim3A_895 = vector.broadcast %broadcast_in_dim3A_894 : vector<1xf32> to vector<16xf32>
          %get3A_896 = arith.constant 1 : i32
          %get3A_897 = arith.index_cast %get3A_896 : i32 to index
          %get3A_898 = arith.index_cast %add3A_892 : i32 to index
          %get3A_899 = arith.constant 0 : index
          %get3A_900 = tpu.vector_load %arg9[%get3A_897, %get3A_898, %get3A_899] {strides = array<i32>} : memref<2x512x32xf32, #tpu.memory_space<vmem>>, vector<1x1x16xf32>,
          %get3A_901 = vector.shape_cast %get3A_900 : vector<1x1x16xf32> to vector<16xf32>
          %get3A_902 = arith.constant 1 : i32
          %get3A_903 = arith.index_cast %get3A_902 : i32 to index
          %get3A_904 = arith.index_cast %add3A_892 : i32 to index
          %get3A_905 = arith.constant 0 : index
          %get3A_906 = tpu.vector_load %arg10[%get3A_903, %get3A_904, %get3A_905] {strides = array<i32>} : memref<2x512x32xf32, #tpu.memory_space<vmem>>, vector<1x1x16xf32>,
          %get3A_907 = vector.shape_cast %get3A_906 : vector<1x1x16xf32> to vector<16xf32>
          %get3A_908 = arith.constant 1 : i32
          %get3A_909 = arith.index_cast %get3A_908 : i32 to index
          %get3A_910 = arith.index_cast %add3A_892 : i32 to index
          %get3A_911 = arith.constant 16 : index
          %get3A_912 = tpu.vector_load %arg9[%get3A_909, %get3A_910, %get3A_911] {strides = array<i32>} : memref<2x512x32xf32, #tpu.memory_space<vmem>>, vector<1x1x16xf32>,
          %get3A_913 = vector.shape_cast %get3A_912 : vector<1x1x16xf32> to vector<16xf32>
          %get3A_914 = arith.constant 1 : i32
          %get3A_915 = arith.index_cast %get3A_914 : i32 to index
          %get3A_916 = arith.index_cast %add3A_892 : i32 to index
          %get3A_917 = arith.constant 16 : index
          %get3A_918 = tpu.vector_load %arg10[%get3A_915, %get3A_916, %get3A_917] {strides = array<i32>} : memref<2x512x32xf32, #tpu.memory_space<vmem>>, vector<1x1x16xf32>,
          %get3A_919 = vector.shape_cast %get3A_918 : vector<1x1x16xf32> to vector<16xf32>
          %sub3A_920 = arith.subf %get3A_907, %get3A_901 : vector<16xf32>
          %mul3A_921 = arith.mulf %broadcast_in_dim3A_895, %sub3A_920 : vector<16xf32>
          %add3A_922 = arith.addf %get3A_901, %mul3A_921 : vector<16xf32>
          %swap3A_923 = arith.constant 1 : i32
          %swap3A_924 = arith.index_cast %swap3A_923 : i32 to index
          %swap3A_925 = arith.index_cast %add3A_892 : i32 to index
          %swap3A_926 = arith.constant 0 : index
          %swap3A_927 = tpu.vector_load %arg9[%swap3A_924, %swap3A_925, %swap3A_926] {strides = array<i32>} : memref<2x512x32xf32, #tpu.memory_space<vmem>>, vector<1x1x16xf32>,
          %swap3A_928 = vector.shape_cast %swap3A_927 : vector<1x1x16xf32> to vector<16xf32>
          %swap3A_929 = vector.shape_cast %add3A_922 : vector<16xf32> to vector<1x1x16xf32>
          tpu.vector_store %arg9[%swap3A_924, %swap3A_925, %swap3A_926], %swap3A_929 {strides = array<i32>} : memref<2x512x32xf32, #tpu.memory_space<vmem>>, vector<1x1x16xf32>,
          %sub3A_930 = arith.subf %get3A_919, %get3A_913 : vector<16xf32>
          %mul3A_931 = arith.mulf %broadcast_in_dim3A_895, %sub3A_930 : vector<16xf32>
          %add3A_932 = arith.addf %get3A_913, %mul3A_931 : vector<16xf32>
          %swap3A_933 = arith.constant 1 : i32
          %swap3A_934 = arith.index_cast %swap3A_933 : i32 to index
          %swap3A_935 = arith.index_cast %add3A_892 : i32 to index
          %swap3A_936 = arith.constant 16 : index
          %swap3A_937 = tpu.vector_load %arg9[%swap3A_934, %swap3A_935, %swap3A_936] {strides = array<i32>} : memref<2x512x32xf32, #tpu.memory_space<vmem>>, vector<1x1x16xf32>,
          %swap3A_938 = vector.shape_cast %swap3A_937 : vector<1x1x16xf32> to vector<16xf32>
          %swap3A_939 = vector.shape_cast %add3A_932 : vector<16xf32> to vector<1x1x16xf32>
          tpu.vector_store %arg9[%swap3A_934, %swap3A_935, %swap3A_936], %swap3A_939 {strides = array<i32>} : memref<2x512x32xf32, #tpu.memory_space<vmem>>, vector<1x1x16xf32>,
          %add3A_940 = arith.constant 13 : i32
          %add3A_941 = arith.addi %mul3A_305, %add3A_940 : i32
          %slice3A_942 = vector.extract_strided_slice %get3A_303 {offsets = [13], sizes = [1], strides = [1]} : vector<16xf32> to vector<1xf32>
          %broadcast_in_dim3A_943 = vector.shape_cast %slice3A_942 : vector<1xf32> to vector<1xf32>
          %broadcast_in_dim3A_944 = vector.broadcast %broadcast_in_dim3A_943 : vector<1xf32> to vector<16xf32>
          %get3A_945 = arith.constant 1 : i32
          %get3A_946 = arith.index_cast %get3A_945 : i32 to index
          %get3A_947 = arith.index_cast %add3A_941 : i32 to index
          %get3A_948 = arith.constant 0 : index
          %get3A_949 = tpu.vector_load %arg9[%get3A_946, %get3A_947, %get3A_948] {strides = array<i32>} : memref<2x512x32xf32, #tpu.memory_space<vmem>>, vector<1x1x16xf32>,
          %get3A_950 = vector.shape_cast %get3A_949 : vector<1x1x16xf32> to vector<16xf32>
          %get3A_951 = arith.constant 1 : i32
          %get3A_952 = arith.index_cast %get3A_951 : i32 to index
          %get3A_953 = arith.index_cast %add3A_941 : i32 to index
          %get3A_954 = arith.constant 0 : index
          %get3A_955 = tpu.vector_load %arg10[%get3A_952, %get3A_953, %get3A_954] {strides = array<i32>} : memref<2x512x32xf32, #tpu.memory_space<vmem>>, vector<1x1x16xf32>,
          %get3A_956 = vector.shape_cast %get3A_955 : vector<1x1x16xf32> to vector<16xf32>
          %get3A_957 = arith.constant 1 : i32
          %get3A_958 = arith.index_cast %get3A_957 : i32 to index
          %get3A_959 = arith.index_cast %add3A_941 : i32 to index
          %get3A_960 = arith.constant 16 : index
          %get3A_961 = tpu.vector_load %arg9[%get3A_958, %get3A_959, %get3A_960] {strides = array<i32>} : memref<2x512x32xf32, #tpu.memory_space<vmem>>, vector<1x1x16xf32>,
          %get3A_962 = vector.shape_cast %get3A_961 : vector<1x1x16xf32> to vector<16xf32>
          %get3A_963 = arith.constant 1 : i32
          %get3A_964 = arith.index_cast %get3A_963 : i32 to index
          %get3A_965 = arith.index_cast %add3A_941 : i32 to index
          %get3A_966 = arith.constant 16 : index
          %get3A_967 = tpu.vector_load %arg10[%get3A_964, %get3A_965, %get3A_966] {strides = array<i32>} : memref<2x512x32xf32, #tpu.memory_space<vmem>>, vector<1x1x16xf32>,
          %get3A_968 = vector.shape_cast %get3A_967 : vector<1x1x16xf32> to vector<16xf32>
          %sub3A_969 = arith.subf %get3A_956, %get3A_950 : vector<16xf32>
          %mul3A_970 = arith.mulf %broadcast_in_dim3A_944, %sub3A_969 : vector<16xf32>
          %add3A_971 = arith.addf %get3A_950, %mul3A_970 : vector<16xf32>
          %swap3A_972 = arith.constant 1 : i32
          %swap3A_973 = arith.index_cast %swap3A_972 : i32 to index
          %swap3A_974 = arith.index_cast %add3A_941 : i32 to index
          %swap3A_975 = arith.constant 0 : index
          %swap3A_976 = tpu.vector_load %arg9[%swap3A_973, %swap3A_974, %swap3A_975] {strides = array<i32>} : memref<2x512x32xf32, #tpu.memory_space<vmem>>, vector<1x1x16xf32>,
          %swap3A_977 = vector.shape_cast %swap3A_976 : vector<1x1x16xf32> to vector<16xf32>
          %swap3A_978 = vector.shape_cast %add3A_971 : vector<16xf32> to vector<1x1x16xf32>
          tpu.vector_store %arg9[%swap3A_973, %swap3A_974, %swap3A_975], %swap3A_978 {strides = array<i32>} : memref<2x512x32xf32, #tpu.memory_space<vmem>>, vector<1x1x16xf32>,
          %sub3A_979 = arith.subf %get3A_968, %get3A_962 : vector<16xf32>
          %mul3A_980 = arith.mulf %broadcast_in_dim3A_944, %sub3A_979 : vector<16xf32>
          %add3A_981 = arith.addf %get3A_962, %mul3A_980 : vector<16xf32>
          %swap3A_982 = arith.constant 1 : i32
          %swap3A_983 = arith.index_cast %swap3A_982 : i32 to index
          %swap3A_984 = arith.index_cast %add3A_941 : i32 to index
          %swap3A_985 = arith.constant 16 : index
          %swap3A_986 = tpu.vector_load %arg9[%swap3A_983, %swap3A_984, %swap3A_985] {strides = array<i32>} : memref<2x512x32xf32, #tpu.memory_space<vmem>>, vector<1x1x16xf32>,
          %swap3A_987 = vector.shape_cast %swap3A_986 : vector<1x1x16xf32> to vector<16xf32>
          %swap3A_988 = vector.shape_cast %add3A_981 : vector<16xf32> to vector<1x1x16xf32>
          tpu.vector_store %arg9[%swap3A_983, %swap3A_984, %swap3A_985], %swap3A_988 {strides = array<i32>} : memref<2x512x32xf32, #tpu.memory_space<vmem>>, vector<1x1x16xf32>,
          %add3A_989 = arith.constant 14 : i32
          %add3A_990 = arith.addi %mul3A_305, %add3A_989 : i32
          %slice3A_991 = vector.extract_strided_slice %get3A_303 {offsets = [14], sizes = [1], strides = [1]} : vector<16xf32> to vector<1xf32>
          %broadcast_in_dim3A_992 = vector.shape_cast %slice3A_991 : vector<1xf32> to vector<1xf32>
          %broadcast_in_dim3A_993 = vector.broadcast %broadcast_in_dim3A_992 : vector<1xf32> to vector<16xf32>
          %get3A_994 = arith.constant 1 : i32
          %get3A_995 = arith.index_cast %get3A_994 : i32 to index
          %get3A_996 = arith.index_cast %add3A_990 : i32 to index
          %get3A_997 = arith.constant 0 : index
          %get3A_998 = tpu.vector_load %arg9[%get3A_995, %get3A_996, %get3A_997] {strides = array<i32>} : memref<2x512x32xf32, #tpu.memory_space<vmem>>, vector<1x1x16xf32>,
          %get3A_999 = vector.shape_cast %get3A_998 : vector<1x1x16xf32> to vector<16xf32>
          %get3A_1000 = arith.constant 1 : i32
          %get3A_1001 = arith.index_cast %get3A_1000 : i32 to index
          %get3A_1002 = arith.index_cast %add3A_990 : i32 to index
          %get3A_1003 = arith.constant 0 : index
          %get3A_1004 = tpu.vector_load %arg10[%get3A_1001, %get3A_1002, %get3A_1003] {strides = array<i32>} : memref<2x512x32xf32, #tpu.memory_space<vmem>>, vector<1x1x16xf32>,
          %get3A_1005 = vector.shape_cast %get3A_1004 : vector<1x1x16xf32> to vector<16xf32>
          %get3A_1006 = arith.constant 1 : i32
          %get3A_1007 = arith.index_cast %get3A_1006 : i32 to index
          %get3A_1008 = arith.index_cast %add3A_990 : i32 to index
          %get3A_1009 = arith.constant 16 : index
          %get3A_1010 = tpu.vector_load %arg9[%get3A_1007, %get3A_1008, %get3A_1009] {strides = array<i32>} : memref<2x512x32xf32, #tpu.memory_space<vmem>>, vector<1x1x16xf32>,
          %get3A_1011 = vector.shape_cast %get3A_1010 : vector<1x1x16xf32> to vector<16xf32>
          %get3A_1012 = arith.constant 1 : i32
          %get3A_1013 = arith.index_cast %get3A_1012 : i32 to index
          %get3A_1014 = arith.index_cast %add3A_990 : i32 to index
          %get3A_1015 = arith.constant 16 : index
          %get3A_1016 = tpu.vector_load %arg10[%get3A_1013, %get3A_1014, %get3A_1015] {strides = array<i32>} : memref<2x512x32xf32, #tpu.memory_space<vmem>>, vector<1x1x16xf32>,
          %get3A_1017 = vector.shape_cast %get3A_1016 : vector<1x1x16xf32> to vector<16xf32>
          %sub3A_1018 = arith.subf %get3A_1005, %get3A_999 : vector<16xf32>
          %mul3A_1019 = arith.mulf %broadcast_in_dim3A_993, %sub3A_1018 : vector<16xf32>
          %add3A_1020 = arith.addf %get3A_999, %mul3A_1019 : vector<16xf32>
          %swap3A_1021 = arith.constant 1 : i32
          %swap3A_1022 = arith.index_cast %swap3A_1021 : i32 to index
          %swap3A_1023 = arith.index_cast %add3A_990 : i32 to index
          %swap3A_1024 = arith.constant 0 : index
          %swap3A_1025 = tpu.vector_load %arg9[%swap3A_1022, %swap3A_1023, %swap3A_1024] {strides = array<i32>} : memref<2x512x32xf32, #tpu.memory_space<vmem>>, vector<1x1x16xf32>,
          %swap3A_1026 = vector.shape_cast %swap3A_1025 : vector<1x1x16xf32> to vector<16xf32>
          %swap3A_1027 = vector.shape_cast %add3A_1020 : vector<16xf32> to vector<1x1x16xf32>
          tpu.vector_store %arg9[%swap3A_1022, %swap3A_1023, %swap3A_1024], %swap3A_1027 {strides = array<i32>} : memref<2x512x32xf32, #tpu.memory_space<vmem>>, vector<1x1x16xf32>,
          %sub3A_1028 = arith.subf %get3A_1017, %get3A_1011 : vector<16xf32>
          %mul3A_1029 = arith.mulf %broadcast_in_dim3A_993, %sub3A_1028 : vector<16xf32>
          %add3A_1030 = arith.addf %get3A_1011, %mul3A_1029 : vector<16xf32>
          %swap3A_1031 = arith.constant 1 : i32
          %swap3A_1032 = arith.index_cast %swap3A_1031 : i32 to index
          %swap3A_1033 = arith.index_cast %add3A_990 : i32 to index
          %swap3A_1034 = arith.constant 16 : index
          %swap3A_1035 = tpu.vector_load %arg9[%swap3A_1032, %swap3A_1033, %swap3A_1034] {strides = array<i32>} : memref<2x512x32xf32, #tpu.memory_space<vmem>>, vector<1x1x16xf32>,
          %swap3A_1036 = vector.shape_cast %swap3A_1035 : vector<1x1x16xf32> to vector<16xf32>
          %swap3A_1037 = vector.shape_cast %add3A_1030 : vector<16xf32> to vector<1x1x16xf32>
          tpu.vector_store %arg9[%swap3A_1032, %swap3A_1033, %swap3A_1034], %swap3A_1037 {strides = array<i32>} : memref<2x512x32xf32, #tpu.memory_space<vmem>>, vector<1x1x16xf32>,
          %add3A_1038 = arith.constant 15 : i32
          %add3A_1039 = arith.addi %mul3A_305, %add3A_1038 : i32
          %slice3A_1040 = vector.extract_strided_slice %get3A_303 {offsets = [15], sizes = [1], strides = [1]} : vector<16xf32> to vector<1xf32>
          %broadcast_in_dim3A_1041 = vector.shape_cast %slice3A_1040 : vector<1xf32> to vector<1xf32>
          %broadcast_in_dim3A_1042 = vector.broadcast %broadcast_in_dim3A_1041 : vector<1xf32> to vector<16xf32>
          %get3A_1043 = arith.constant 1 : i32
          %get3A_1044 = arith.index_cast %get3A_1043 : i32 to index
          %get3A_1045 = arith.index_cast %add3A_1039 : i32 to index
          %get3A_1046 = arith.constant 0 : index
          %get3A_1047 = tpu.vector_load %arg9[%get3A_1044, %get3A_1045, %get3A_1046] {strides = array<i32>} : memref<2x512x32xf32, #tpu.memory_space<vmem>>, vector<1x1x16xf32>,
          %get3A_1048 = vector.shape_cast %get3A_1047 : vector<1x1x16xf32> to vector<16xf32>
          %get3A_1049 = arith.constant 1 : i32
          %get3A_1050 = arith.index_cast %get3A_1049 : i32 to index
          %get3A_1051 = arith.index_cast %add3A_1039 : i32 to index
          %get3A_1052 = arith.constant 0 : index
          %get3A_1053 = tpu.vector_load %arg10[%get3A_1050, %get3A_1051, %get3A_1052] {strides = array<i32>} : memref<2x512x32xf32, #tpu.memory_space<vmem>>, vector<1x1x16xf32>,
          %get3A_1054 = vector.shape_cast %get3A_1053 : vector<1x1x16xf32> to vector<16xf32>
          %get3A_1055 = arith.constant 1 : i32
          %get3A_1056 = arith.index_cast %get3A_1055 : i32 to index
          %get3A_1057 = arith.index_cast %add3A_1039 : i32 to index
          %get3A_1058 = arith.constant 16 : index
          %get3A_1059 = tpu.vector_load %arg9[%get3A_1056, %get3A_1057, %get3A_1058] {strides = array<i32>} : memref<2x512x32xf32, #tpu.memory_space<vmem>>, vector<1x1x16xf32>,
          %get3A_1060 = vector.shape_cast %get3A_1059 : vector<1x1x16xf32> to vector<16xf32>
          %get3A_1061 = arith.constant 1 : i32
          %get3A_1062 = arith.index_cast %get3A_1061 : i32 to index
          %get3A_1063 = arith.index_cast %add3A_1039 : i32 to index
          %get3A_1064 = arith.constant 16 : index
          %get3A_1065 = tpu.vector_load %arg10[%get3A_1062, %get3A_1063, %get3A_1064] {strides = array<i32>} : memref<2x512x32xf32, #tpu.memory_space<vmem>>, vector<1x1x16xf32>,
          %get3A_1066 = vector.shape_cast %get3A_1065 : vector<1x1x16xf32> to vector<16xf32>
          %sub3A_1067 = arith.subf %get3A_1054, %get3A_1048 : vector<16xf32>
          %mul3A_1068 = arith.mulf %broadcast_in_dim3A_1042, %sub3A_1067 : vector<16xf32>
          %add3A_1069 = arith.addf %get3A_1048, %mul3A_1068 : vector<16xf32>
          %swap3A_1070 = arith.constant 1 : i32
          %swap3A_1071 = arith.index_cast %swap3A_1070 : i32 to index
          %swap3A_1072 = arith.index_cast %add3A_1039 : i32 to index
          %swap3A_1073 = arith.constant 0 : index
          %swap3A_1074 = tpu.vector_load %arg9[%swap3A_1071, %swap3A_1072, %swap3A_1073] {strides = array<i32>} : memref<2x512x32xf32, #tpu.memory_space<vmem>>, vector<1x1x16xf32>,
          %swap3A_1075 = vector.shape_cast %swap3A_1074 : vector<1x1x16xf32> to vector<16xf32>
          %swap3A_1076 = vector.shape_cast %add3A_1069 : vector<16xf32> to vector<1x1x16xf32>
          tpu.vector_store %arg9[%swap3A_1071, %swap3A_1072, %swap3A_1073], %swap3A_1076 {strides = array<i32>} : memref<2x512x32xf32, #tpu.memory_space<vmem>>, vector<1x1x16xf32>,
          %sub3A_1077 = arith.subf %get3A_1066, %get3A_1060 : vector<16xf32>
          %mul3A_1078 = arith.mulf %broadcast_in_dim3A_1042, %sub3A_1077 : vector<16xf32>
          %add3A_1079 = arith.addf %get3A_1060, %mul3A_1078 : vector<16xf32>
          %swap3A_1080 = arith.constant 1 : i32
          %swap3A_1081 = arith.index_cast %swap3A_1080 : i32 to index
          %swap3A_1082 = arith.index_cast %add3A_1039 : i32 to index
          %swap3A_1083 = arith.constant 16 : index
          %swap3A_1084 = tpu.vector_load %arg9[%swap3A_1081, %swap3A_1082, %swap3A_1083] {strides = array<i32>} : memref<2x512x32xf32, #tpu.memory_space<vmem>>, vector<1x1x16xf32>,
          %swap3A_1085 = vector.shape_cast %swap3A_1084 : vector<1x1x16xf32> to vector<16xf32>
          %swap3A_1086 = vector.shape_cast %add3A_1079 : vector<16xf32> to vector<1x1x16xf32>
          tpu.vector_store %arg9[%swap3A_1081, %swap3A_1082, %swap3A_1083], %swap3A_1086 {strides = array<i32>} : memref<2x512x32xf32, #tpu.memory_space<vmem>>, vector<1x1x16xf32>,
        }
        %scan3A_281 = arith.constant 32 : i32
        %mul3A_282 = arith.constant 512 : i32
        %mul3A_283 = arith.muli %add3A_149, %mul3A_282 : i32
        %dma_start3A_284 = arith.constant 1 : i32
        %dma_start3A_285 = arith.constant 0 : i32
        %dma_start3A_286 = arith.constant 0 : i32
        %dma_start3A_287 = tpu.memref_slice %arg9[%dma_start3A_284, %dma_start3A_285, %dma_start3A_286] : memref<2x512x32xf32, #tpu.memory_space<vmem>> -> memref<1x512x32xf32, #tpu.memory_space<vmem>>
        %dma_start3A_288 = tpu.memref_squeeze %dma_start3A_287 : memref<1x512x32xf32, #tpu.memory_space<vmem>> -> memref<512x32xf32, #tpu.memory_space<vmem>>
        %dma_start3A_289 = arith.constant 0 : i32
        %dma_start3A_290 = tpu.memref_slice %arg4[%mul3A_283, %dma_start3A_289] : memref<3276800x32xf32, #tpu.memory_space<hbm>> -> memref<512x32xf32, #tpu.memory_space<hbm>>
        %dma_start3A_291 = arith.constant 0 : i32
        %dma_start3A_292 = tpu.memref_slice %arg4[%mul3A_283, %dma_start3A_291] : memref<3276800x32xf32, #tpu.memory_space<hbm>> -> memref<512x32xf32, #tpu.memory_space<hbm>>
        %dma_start3A_293 = arith.constant 0 : i32
        %dma_start3A_294 = arith.constant 0 : i32
        %dma_start3A_295 = tpu.memref_slice %arg9[%dma_start3A_284, %dma_start3A_293, %dma_start3A_294] : memref<2x512x32xf32, #tpu.memory_space<vmem>> -> memref<1x512x32xf32, #tpu.memory_space<vmem>>
        %dma_start3A_296 = tpu.memref_squeeze %dma_start3A_295 : memref<1x512x32xf32, #tpu.memory_space<vmem>> -> memref<512x32xf32, #tpu.memory_space<vmem>>
        tpu.enqueue_dma source(%dma_start3A_296 : memref<512x32xf32, #tpu.memory_space<vmem>>) target(%dma_start3A_292 : memref<512x32xf32, #tpu.memory_space<hbm>>) target_semaphore(%arg14 : memref<!tpu.dma_semaphore, #tpu.memory_space<semaphore_mem>>)
      } else {
      }
    }
    %scan3A_110 = arith.constant 200 : i32
    %add3A_111 = arith.constant 200 : i32
    %add3A_112 = arith.addi %mul3A_2, %add3A_111 : i32
    %sub3A = arith.constant 2 : i32
    %sub3A_113 = arith.subi %add3A_112, %sub3A : i32
    %mul3A_114 = arith.constant 512 : i32
    %mul3A_115 = arith.muli %sub3A_113, %mul3A_114 : i32
    %dma_wait3A = arith.constant 0 : i32
    %dma_wait3A_116 = arith.constant 0 : i32
    %dma_wait3A_117 = arith.constant 0 : i32
    %dma_wait3A_118 = tpu.memref_slice %arg9[%dma_wait3A, %dma_wait3A_116, %dma_wait3A_117] : memref<2x512x32xf32, #tpu.memory_space<vmem>> -> memref<1x512x32xf32, #tpu.memory_space<vmem>>
    %dma_wait3A_119 = tpu.memref_squeeze %dma_wait3A_118 : memref<1x512x32xf32, #tpu.memory_space<vmem>> -> memref<512x32xf32, #tpu.memory_space<vmem>>
    %dma_wait3A_120 = arith.constant 0 : i32
    %dma_wait3A_121 = tpu.memref_slice %arg4[%mul3A_115, %dma_wait3A_120] : memref<3276800x32xf32, #tpu.memory_space<hbm>> -> memref<512x32xf32, #tpu.memory_space<hbm>>
    %dma_wait3A_122 = arith.constant 0 : i32
    %dma_wait3A_123 = tpu.memref_slice %arg4[%mul3A_115, %dma_wait3A_122] : memref<3276800x32xf32, #tpu.memory_space<hbm>> -> memref<512x32xf32, #tpu.memory_space<hbm>>
    %dma_wait3A_124 = arith.constant 0 : i32
    %dma_wait3A_125 = arith.constant 0 : i32
    %dma_wait3A_126 = tpu.memref_slice %arg9[%dma_wait3A, %dma_wait3A_124, %dma_wait3A_125] : memref<2x512x32xf32, #tpu.memory_space<vmem>> -> memref<1x512x32xf32, #tpu.memory_space<vmem>>
    %dma_wait3A_127 = tpu.memref_squeeze %dma_wait3A_126 : memref<1x512x32xf32, #tpu.memory_space<vmem>> -> memref<512x32xf32, #tpu.memory_space<vmem>>
    tpu.wait_dma2 semaphore(%arg13 : memref<!tpu.dma_semaphore, #tpu.memory_space<semaphore_mem>>) src(%dma_wait3A_127 : memref<512x32xf32, #tpu.memory_space<vmem>>) dst(%dma_wait3A_123 : memref<512x32xf32, #tpu.memory_space<hbm>>)
    %add3A_128 = arith.constant 200 : i32
    %add3A_129 = arith.addi %mul3A_2, %add3A_128 : i32
    %sub3A_130 = arith.constant 1 : i32
    %sub3A_131 = arith.subi %add3A_129, %sub3A_130 : i32
    %mul3A_132 = arith.constant 512 : i32
    %mul3A_133 = arith.muli %sub3A_131, %mul3A_132 : i32
    %dma_wait3A_134 = arith.constant 1 : i32
    %dma_wait3A_135 = arith.constant 0 : i32
    %dma_wait3A_136 = arith.constant 0 : i32
    %dma_wait3A_137 = tpu.memref_slice %arg9[%dma_wait3A_134, %dma_wait3A_135, %dma_wait3A_136] : memref<2x512x32xf32, #tpu.memory_space<vmem>> -> memref<1x512x32xf32, #tpu.memory_space<vmem>>
    %dma_wait3A_138 = tpu.memref_squeeze %dma_wait3A_137 : memref<1x512x32xf32, #tpu.memory_space<vmem>> -> memref<512x32xf32, #tpu.memory_space<vmem>>
    %dma_wait3A_139 = arith.constant 0 : i32
    %dma_wait3A_140 = tpu.memref_slice %arg4[%mul3A_133, %dma_wait3A_139] : memref<3276800x32xf32, #tpu.memory_space<hbm>> -> memref<512x32xf32, #tpu.memory_space<hbm>>
    %dma_wait3A_141 = arith.constant 0 : i32
    %dma_wait3A_142 = tpu.memref_slice %arg4[%mul3A_133, %dma_wait3A_141] : memref<3276800x32xf32, #tpu.memory_space<hbm>> -> memref<512x32xf32, #tpu.memory_space<hbm>>
    %dma_wait3A_143 = arith.constant 0 : i32
    %dma_wait3A_144 = arith.constant 0 : i32
    %dma_wait3A_145 = tpu.memref_slice %arg9[%dma_wait3A_134, %dma_wait3A_143, %dma_wait3A_144] : memref<2x512x32xf32, #tpu.memory_space<vmem>> -> memref<1x512x32xf32, #tpu.memory_space<vmem>>
    %dma_wait3A_146 = tpu.memref_squeeze %dma_wait3A_145 : memref<1x512x32xf32, #tpu.memory_space<vmem>> -> memref<512x32xf32, #tpu.memory_space<vmem>>
    tpu.wait_dma2 semaphore(%arg14 : memref<!tpu.dma_semaphore, #tpu.memory_space<semaphore_mem>>) src(%dma_wait3A_146 : memref<512x32xf32, #tpu.memory_space<vmem>>) dst(%dma_wait3A_142 : memref<512x32xf32, #tpu.memory_space<hbm>>)
    return
  }
}

</mosaic_0001>

<sc_bundles>
// kernel: kernel.3.cloned.1.call-start
scs
__scs_entry_jumppad:
0x0: {  	(pc) =	sbr.rel $0x88, $3  }
0x1: {  	(tag) =	ssettag $0x0;
	lr =	simm.s32 $0x1  }
0x2: {  	[smem:$0x3F9F] =	sst lr;
	_ =	strace $0xD0000000  }
0x3: {  	_ = 	snop  }
0x4: {  	_ = 	snop  }
0x5: {  	_ = 	snop  }
0x6: {  	_ = 	snop  }
0x7: {  	_ = 	snop  }
__scs_overlays_trampoline_lowered:
0x8: {  	[smem:$0x3FAE] =	sst s0  }
0x9: {  	[smem:$0x3FAF] =	sst s1  }
0xa: {  	[smem:$0x3FB0] =	sst s2  }
0xb: {  	[smem:$0x3FB1] =	sst s3  }
0xc: {  	[smem:$0x3FB2] =	sst s4  }
0xd: {  	[smem:$0x3FB3] =	sst s5  }
0xe: {  	[smem:$0x3FB4] =	sst s6  }
0xf: {  	[smem:$0x3FB5] =	sst s7  }
0x10: {  	[smem:$0x3FB6] =	sst s8  }
0x11: {  	[smem:$0x3FB7] =	sst s9;
	s0 =	simm.s32 @!p0 $0x0  }
0x12: {  	s1 =	sld [smem:$0x3F9D];
	s0 =	simm.s32 @p0 $0x1  }
0x13: {  	[smem:$0x3FB8] =	sst s0;
	s0 =	simm.s32 @!p1 $0x0  }
0x14: {  	s2 =	sld [smem:$0x3F9C];
	s0 =	simm.s32 @p1 $0x1  }
0x15: {  	[smem:$0x3FB9] =	sst s0;
	s0 =	simm.s32 @!p2 $0x0  }
0x16: {  	s3 =	sld [smem:$0x3FDB];
	s0 =	simm.s32 @p2 $0x1  }
0x17: {  	s4 =	simm.s32 $0x1BF5;
	[smem:$0x3FBB] =	sst s0  }
0x18: {  	s0 =	sld [smem:$0x3F9E];
	_ =	swait.ge [sflag:s4], $0x0  }
0x19: {  	s7 =	sld [smem:$0x3F9F]  }
0x1a: {  	s8 =	sadd.s32 $0xFFFFE003, lr  }
0x1b: {  	s9 =	sadd.s32 $0xFFFFFEF7, lr;
	s5 =	simm.s32 $0xFFFFFFFF;
	p2 =	slt.u32 s8, $0xFFFFF086  }
0x1c: {  	p1 =	slt.u32 s9, $0xF7A;
	s5 =	simm.s32 @!p2 $0x0  }
0x1d: {  	s5 =	simm.s32 @p1 $0x1;
	p0 =	seq.s32 s7, s2  }
0x1e: {  	s7 =	smul.u32 @!p0 $0xF7A, s2;
	p2 =	seq.s32 @!p0 s5, $0x0  }
0x1f: {  	s9 =	smul.u32 $0xF7A, s1;
	s8 =	simm.s32 @!p0 $0x1BF5;
	p2 =	por !p2, p0  }
0x20: {  	[sflag:s8] =	ssyncset.s32 @!p0 $0xFFFFF086;
	s6 =	sadd.s32 @!p0 s3, s7;
	s7 =	simm.s32 @!p0 $0x108  }
0x21: {  	s3 =	sadd.s32 s3, s9;
	s6 =	sadd.s32 @!p0 $0x88, s6;
	s7 =	simm.s32 @p2 $0x1082  }
0x22: {  	[simem:s7], [sflag:s8] =	dma.local @!p0 [hbm:s6], $0xF7A  }
0x23: {  	s9 =	sor.u32 $0xD0000000, s2;
	s6 =	simm.s32 $0x108;
	_ =	swait.ge @!p0 [sflag:s8], $0x0  }
0x24: {  	s3 =	sadd.s32 $0x88, s3;
	s6 =	simm.s32 @!p1 $0x1082;
	[sflag:s4] =	ssyncset.s32 $0xFFFFF086  }
0x25: {  	[simem:s6], [sflag:s4] =	dma.local [hbm:s3], $0xF7A  }
0x26: {  	[smem:$0x3F9F] =	sst s1;
	(tag) =	ssettag s2;
	_ =	strace s9  }
0x27: {  	s1 =	sld [smem:$0x3FAF]  }
0x28: {  	s2 =	sld [smem:$0x3FB0]  }
0x29: {  	s4 =	sld [smem:$0x3FB2]  }
0x2a: {  	p0 =	seq.s32 s5, $0x0;
	s5 =	sld [smem:$0x3FB3]  }
0x2b: {  	s6 =	sld [smem:$0x3FB4]  }
0x2c: {  	s7 =	sld [smem:$0x3FB5]  }
0x2d: {  	s3 =	simm.s32 $0x108;
	s8 =	sld [smem:$0x3FB6]  }
0x2e: {  	s3 =	simm.s32 @!p0 $0x1082;
	s9 =	sld [smem:$0x3FB7]  }
0x2f: {  	lr =	sadd.s32 s0, s3;
	s0 =	sld [smem:$0x3FAE]  }
0x30: {  	s3 =	sld [smem:$0x3FB1]  }
0x31: {  	[smem:$0x3FBA] =	sst s10  }
0x32: {  	s10 =	sld [smem:$0x3FB8];
	_ =	sdelay $0x3  }
0x33: {  	p0 =	seq.s32 s10, $0x1;
	s10 =	sld [smem:$0x3FBA];
	_ =	sdelay $0x3  }
0x34: {  	[smem:$0x3FBA] =	sst s10  }
0x35: {  	s10 =	sld [smem:$0x3FB9];
	_ =	sdelay $0x3  }
0x36: {  	p1 =	seq.s32 s10, $0x1;
	s10 =	sld [smem:$0x3FBA];
	_ =	sdelay $0x3  }
0x37: {  	[smem:$0x3FBA] =	sst s10  }
0x38: {  	s10 =	sld [smem:$0x3FBB]  }
0x39: {  	_ = 	snop;
	(pc) =	sbr.ind lr, $3  }
0x3a: {  	_ = 	snop  }
0x3b: {  	_ = 	snop  }
0x3c: {  	p2 =	seq.s32 s10, $0x1;
	s10 =	sld [smem:$0x3FBA]  }
0x3d: {  	_ =	shalt  }
0x3e: {  	_ =	shalt  }
0x3f: {  	_ =	shalt  }
0x40: {  	_ =	shalt  }
0x41: {  	_ =	shalt  }
0x42: {  	_ =	shalt  }
0x43: {  	_ =	shalt  }
0x44: {  	_ =	shalt  }
0x45: {  	_ =	shalt  }
0x46: {  	_ =	shalt  }
0x47: {  	_ =	shalt  }
0x48: {  	_ =	shalt  }
0x49: {  	_ =	shalt  }
0x4a: {  	_ =	shalt  }
0x4b: {  	_ =	shalt  }
0x4c: {  	_ =	shalt  }
0x4d: {  	_ =	shalt  }
0x4e: {  	_ =	shalt  }
0x4f: {  	_ =	shalt  }
0x50: {  	_ =	shalt  }
0x51: {  	_ =	shalt  }
0x52: {  	_ =	shalt  }
0x53: {  	_ =	shalt  }
0x54: {  	_ =	shalt  }
0x55: {  	_ =	shalt  }
0x56: {  	_ =	shalt  }
0x57: {  	_ =	shalt  }
0x58: {  	_ =	shalt  }
0x59: {  	_ =	shalt  }
0x5a: {  	_ =	shalt  }
0x5b: {  	_ =	shalt  }
0x5c: {  	_ =	shalt  }
0x5d: {  	_ =	shalt  }
0x5e: {  	_ =	shalt  }
0x5f: {  	_ =	shalt  }
0x60: {  	_ =	shalt  }
0x61: {  	_ =	shalt  }
0x62: {  	_ =	shalt  }
0x63: {  	_ =	shalt  }
0x64: {  	_ =	shalt  }
0x65: {  	_ =	shalt  }
0x66: {  	_ =	shalt  }
0x67: {  	_ =	shalt  }
0x68: {  	_ =	shalt  }
0x69: {  	_ =	shalt  }
0x6a: {  	_ =	shalt  }
0x6b: {  	_ =	shalt  }
0x6c: {  	_ =	shalt  }
0x6d: {  	_ =	shalt  }
0x6e: {  	_ =	shalt  }
0x6f: {  	_ =	shalt  }
0x70: {  	_ =	shalt  }
0x71: {  	_ =	shalt  }
0x72: {  	_ =	shalt  }
0x73: {  	_ =	shalt  }
0x74: {  	_ =	shalt  }
0x75: {  	_ =	shalt  }
0x76: {  	_ =	shalt  }
0x77: {  	_ =	shalt  }
0x78: {  	_ =	shalt  }
0x79: {  	_ =	shalt  }
0x7a: {  	_ =	shalt  }
0x7b: {  	_ =	shalt  }
0x7c: {  	_ =	shalt  }
0x7d: {  	_ =	shalt  }
0x7e: {  	_ =	shalt  }
0x7f: {  	_ =	shalt  }
0x80: {  	_ =	shalt  }
0x81: {  	_ =	shalt  }
0x82: {  	_ =	shalt  }
0x83: {  	_ =	shalt  }
0x84: {  	_ =	shalt  }
0x85: {  	_ =	shalt  }
0x86: {  	_ =	shalt  }
0x87: {  	_ =	shalt  }
.Lfunc_end0:
.L_simem_size_0:
called_computation.1_lowered:
.L_overlay_start_0:
0x88: {  	s2 =	sld [smem:$0x3FD9]  }
0x89: {  	s3 =	sld [smem:$0x3FFE];
	_ =	sdelay $0x1  }
0x8a: {  	s1 =	srdreg.scid  }
0x8b: {  	s0 =	sand.u32 $0x1, s1  }
0x8c: {  	s17 =	sshll.u32 s0, $0xA;
	s2 =	sadd.s32 s3, s2  }
0x8d: {  	s2 =	sadd.s32 s2, s17  }
0x8e: {  	[smem:$0x3FC6] =	sst s2  }
0x8f: {  	_ = 	snop  }
0x90: {  	s2 =	sld [smem:$0x3FD0];
	(tm) =	ssettm $0x1  }
0x91: {  	s18 =	sld [smem:$0x3FFB];
	_ =	sdelay $0x3  }
0x92: {  	_ =	strace s18  }
0x93: {  	s3 =	sld [smem:$0x3FFC];
	_ =	sdelay $0x3  }
0x94: {  	_ =	strace s3  }
0x95: {  	s3 =	sld [smem:$0x3FFD];
	_ =	sdelay $0x3  }
0x96: {  	_ =	strace s3  }
0x97: {  	_ =	strace $0x8FFFFFFF  }
0x98: {  	s19 =	sld [smem:$0x3FDB];
	_ =	sdelay $0x1  }
0x99: {  	s4 =	simm.s32 $_scs_section_size  }
0x9a: {  	s5 =	simm.s32 $_size__tile_overlayer_lowered;
	s6 =	simm.s32 $_tile_overlayer_lowered  }
0x9b: {  	s22 =	simm.s32 $0x1BFF;
	s21 =	sshll.u32 s6, $0x1;
	s3 =	sadd.s32 s4, s19  }
0x9c: {  	s7 =	simm.s32 $0x0;
	s20 =	sshll.u32 s5, $0x1;
	s5 =	sadd.s32 s21, s3  }
0x9d: {  	[timem:s7], [sflag:s22] =	dma.local [hbm:s5], s20  }
0x9e: {  	_ =	swait.ge [sflag:s22], s20  }
0x9f: {  	s4 =	ssub.s32 $0x0, s20;
	[sflag:s22] =	ssyncset.done $0x0  }
0xa0: {  	[sflag:s22] =	ssyncadd.s32 s4;
	_ =	sdelay $0x1  }
0xa1: {  	s23 =	simm.s32 $0x1B8B  }
0xa2: {  	_ =	swait.ge [sflag:s23], $0x1  }
0xa3: {  	[sflag:s23] =	ssyncset.done $0x0  }
0xa4: {  	s25 =	simm.s32 $0x1B8E;
	s24 =	sld [smem:$0x3FFE];
	[sflag:s23] =	ssyncadd.s32 $0xFFFFFFFF  }
0xa5: {  	s26 =	simm.s32 $execute0_lowered;
	[smem:$0x3FD2] =	sst s25  }
0xa6: {  	s5 =	sshll.u32 s26, $0x1;
	_ =	strace $0x80000046;
	[dreg:$0x1] =	wrdreg $0xFFFFFFFF  }
0xa7: {  	s28 =	simm.s32 $_size_execute0_lowered;
	s3 =	sadd.s32 s3, s5;
	[dreg:$0x0] =	wrdreg $0x0  }
0xa8: {  	s5 =	sshll.u32 s28, $0x1;
	[dreg:$0x2] =	wrdreg s3  }
0xa9: {  	[dreg:$0x3] =	wrdreg s5  }
0xaa: {  	[dreg:$0x4] =	wrdreg $0xC0  }
0xab: {  	_ =	task [dreg:s7], $0x5FFFF  }
0xac: {  	[dreg:$0x1] =	wrdreg $0xFFFFFFFF  }
0xad: {  	[dreg:$0x0] =	wrdreg $0x60  }
0xae: {  	[dreg:$0x2] =	wrdreg s24  }
0xaf: {  	[dreg:$0x3] =	wrdreg s2  }
0xb0: {  	[dreg:$0x4] =	wrdreg $0x9  }
0xb1: {  	_ =	task.clear_ibuf [dreg:s7], $0x5FFFF;
	_ =	strace $0x90000046  }
0xb2: {  	s29 =	simm.s32 $0x9;
	_ =	strace $0x80000048  }
0xb3: {  	_ =	swait.ge [sflag:s29], $0x1  }
0xb4: {  	[sflag:s29] =	ssyncadd.s32 $0xFFFFFFFF  }
0xb5: {  	_ =	strace $0x90000048  }
0xb6: {  	_ =	sfence  }
0xb7: {  	s30 =	sld [smem:$0x0];
	_ =	sdelay $0x2  }
0xb8: {  	s31 =	sshll.u32 s1, $0xD;
	s1 =	sshrl.u32 s1, $0x2  }
0xb9: {  	s3 =	sand.u32 $0x4000, s31;
	s1 =	sadd.s32 s1, s30  }
0xba: {  	s0 =	sor.u32 s3, s0;
	s1 =	sshll.u32 s1, $0x11  }
0xbb: {  	s0 =	sor.u32 s1, s0  }
0xbc: {  	s0 =	sadd.s32 $0x8F2B, s0  }
0xbd: {  	[sflag:s0] =	ssyncadd.remote.s32 $0x1  }
0xbe: {  	_ =	sfence.sel $0xFFFF  }
0xbf: {  	[dreg:$0x0] =	wrdreg $0xFFFFFFFF;
	(pc) =	sbr.abs _section_cstart, $3  }
0xc0: {  	[dreg:$0x1] =	wrdreg $0xFFFFFFFF  }
0xc1: {  	_ =	task.clear_ibuf [dreg:s7], $0x2FFFF;
	_ =	strace $0x9FFFFFFF  }
0xc2: {  	(tm) =	ssettm $0x7FFFFFFF  }
0xc3: {  	_ =	shalt  }
tec
execute0_lowered:
.L_overlay_start_1:
0x0: {  	(tag) =	ssettag $0x1  }
0x1: {  	s0 =	srdreg.scid;
	s1 =	rddreg [dreg:$0x0]  }
0x2: {  	s2 =	rddreg [dreg:$0x1];
	s5 =	stileid.u32;
	s3 =	simm.s32 $0x0  }
0x3: {  	s10 =	simm.s32 $0x80;
	s12 =	simm.s32 $0x1000;
	s28 =	simm.s32 $0x2  }
0x4: {  	s29 =	simm.s32 $0x4;
	s30 =	simm.s32 $0x5000;
	s31 =	simm.s32 $0x1  }
0x5: {  	s8 =	simm.s32 $0xA00;
	s9 =	simm.s32 $0xD000;
	s11 =	simm.s32 $0x6000  }
0x6: {  	s13 =	simm.s32 $0xA80;
	s14 =	simm.s32 $0xE000;
	s15 =	simm.s32 $0x700  }
0x7: {  	s16 =	simm.s32 $0x7000;
	s17 =	simm.s32 $0xB00;
	s0 =	sand.u32 $0x1, s0  }
0x8: {  	s18 =	simm.s32 $0xF000;
	s19 =	simm.s32 $0x780;
	s4 =	sshll.u32 s0, $0x4  }
0x9: {  	s20 =	simm.s32 $0x8000;
	s21 =	simm.s32 $0xB80;
	s5 =	sor.u32 s5, s4  }
0xa: {  	v0 =	vimm.s32 $0x0;
	s22 =	simm.s32 $0x10000;
	s0 =	ssub.s32 $0x2, s0;
	s4 =	smul.u32 $0x3200, s5  }
.Ltmp0:
0xb: {  	v1 =	vimm.s32 $0x1;
	v2 =	vimm.s32 $0x2;
	v3 =	vimm.s32 $0x3;
	[smem:$0x7FF] =	sst s3;
	s7 =	sshrl.u32 s0, $0x1;
	(pc) =	sbr.rel .LBB2_1-.Ltmp0, $4  }
0xc: {  	v4 =	vimm.s32 $0x4;
	v5 =	vimm.s32 $0x5;
	v6 =	vimm.s32 $0x6;
	_ =	strace $0x80000047;
	s0 =	ssub.s32 s0, s7;
	s5 =	smul.u32 $0xC8, s5  }
0xd: {  	v7 =	vimm.s32 $0x7;
	v8 =	vimm.s32 $0x8;
	v9 =	vimm.s32 $0x9;
	s7 =	sadd.s32 $0x840, s1;
	s0 =	smax.u32 s0, $0x1;
	s6 =	sadd.s32 s4, s1  }
0xe: {  	v10 =	vimm.s32 $0xA;
	v11 =	vimm.s32 $0xB;
	v12 =	vimm.s32 $0xC;
	s4 =	sadd.s32 $0xFA6C00, s1;
	[dreg:$0x4] =	wrdreg s0;
	s6 =	sadd.s32 $0x800, s6  }
0xf: {  	v13 =	vimm.s32 $0xD;
	v14 =	vimm.s32 $0xE;
	v15 =	vimm.s32 $0xF;
	s0 =	simm.s32 $0x680;
	[dreg:$0x3] =	wrdreg s6;
	s6 =	simm.s32 $0x0  }
.LBB2_19:
0x10: {  	s1 =	simm.s32 $0x3  }
0x11: {  	_ =	swait.ge [sflag:s1], $0x4000  }
0x12: {  	[sflag:s1] =	ssyncset.done $0x0  }
0x13: {  	[sflag:s1] =	ssyncadd.s32 $0xFFFFC000  }
0x14: {  	_ =	swait.ge [sflag:s29], $0x4000  }
0x15: {  	s6 =	rddreg [dreg:$0x5]  }
0x16: {  	s26 =	rddreg [dreg:$0x4];
	s6 =	sadd.s32 $0x1, s6  }
0x17: {  	p0 =	sne.s32 s6, s26  }
.Ltmp1:
0x18: {  	_ = 	snop;
	(pc) =	sbr.rel @!p0 .LBB2_20-.Ltmp1, $3  }
0x19: {  	_ =	sdelay $0x1  }
0x1a: {  	[sflag:s29] =	ssyncset.done $0x0  }
0x1b: {  	[sflag:s29] =	ssyncadd.s32 $0xFFFFC000  }
.LBB2_1:
0x1c: {  	[dreg:$0x5] =	wrdreg s6  }
0x1d: {  	s1 =	rddreg [dreg:$0x3];
	s26 =	simm.s32 $0x5  }
0x1e: {  	[tilespmem:s3], [sflag:$0x5] =	stream.linear.gather [hbm4b:s1+s3], $0x200, $0x38;
	[tilespmem:$0x11000] =	vst v63  }
0x1f: {  	_ =	swait.ge [sflag:s26], $0x200  }
0x20: {  	[sflag:s26] =	ssyncset.done $0x0  }
0x21: {  	s6 =	simm.s32 $0x0;
	[sflag:s26] =	ssyncadd.s32 $0xFFFFFE00  }
0x22: {  	v16 =	vld [tilespmem:s6+$0x0];
	_ =	sdelay $0x4  }
0x23: {  	s1 =	simm.s32 $0x10;
	v16 =	vmax.f32 v16, $0.0e+00  }
0x24: {  	v17 =	vld [tilespmem:s1+$0x0];
	v16 =	vmin.f32 v16, $1.000000000e+00  }
0x25: {  	v16 =	vmul.f32 $9.999990000e+05, v16;
	_ =	sdelay $0x1  }
0x26: {  	v18 =	vtrunc.f32 v16  }
0x27: {  	s23 =	simm.s32 $0x80;
	v18 =	vcvt.f32.s32 v18  }
.LBB2_2:
0x28: {  	s24 =	sshra.s32 s23, $0x2;
	p0 =	sne.s32 s23, $0x7C0;
	s23 =	sadd.s32 $0x40, s23;
	v19 =	vmax.f32 v17, $0.0e+00  }
.Ltmp2:
0x29: {  	v17 =	vld [tilespmem:s24+$0x0];
	v19 =	vmin.f32 v19, $1.000000000e+00;
	v20 =	vcvt.s32.f32 v18;
	[tilespmem:s6+$0x400] =	vst v18;
	v18 =	vadd.s32 $0x1, v18;
	(pc) =	sbr.rel @p0 .LBB2_2-.Ltmp2, $4  }
0x2a: {  	v19 =	vmul.f32 $9.999990000e+05, v19;
	vm0 =	vlt.s32 v18, $0xF423F  }
0x2b: {  	v20 =	vsub.f32 v16, v20;
	v21 =	vnsel vm0, $0xF423F, v18  }
0x2c: {  	v18 =	vtrunc.f32 v19;
	[tilespmem:s6+$0x800] =	vst v21;
	v16 =	vmov v19  }
0x2d: {  	v18 =	vcvt.f32.s32 v18;
	[tilespmem:s6+$0xC00] =	vst v20;
	s6 =	smov.u32 s1;
	s1 =	smov.u32 s24  }
0x2e: {  	v17 =	vmax.f32 v17, $0.0e+00  }
0x2f: {  	v17 =	vmin.f32 v17, $1.000000000e+00  }
0x30: {  	v17 =	vmul.f32 $9.999990000e+05, v17;
	_ =	sdelay $0x1  }
0x31: {  	v19 =	vcvt.s32.f32 v18;
	v20 =	vadd.s32 $0x1, v18;
	v21 =	vtrunc.f32 v17  }
0x32: {  	vm0 =	vlt.s32 v20, $0xF423F;
	v21 =	vcvt.f32.s32 v21  }
0x33: {  	[tilespmem:s6+$0x400] =	vst v18;
	v16 =	vsub.f32 v16, v19;
	v61 =	vnsel vm0, $0xF423F, v20  }
0x34: {  	[tilespmem:s6+$0x800] =	vst v61;
	v62 =	vcvt.s32.f32 v21;
	v63 =	vadd.s32 $0x1, v21  }
0x35: {  	[tilespmem:s6+$0xC00] =	vst v16;
	vm15 =	vlt.s32 v63, $0xF423F  }
0x36: {  	[tilespmem:s1+$0x400] =	vst v21;
	v16 =	vsub.f32 v17, v62;
	v17 =	vnsel vm15, $0xF423F, v63  }
0x37: {  	[tilespmem:s1+$0x800] =	vst v17  }
0x38: {  	s24 =	simm.s32 $0x400;
	[tilespmem:s1+$0xC00] =	vst v16  }
0x39: {  	[tilespmem:s12], [sflag:$0x2] =	stream.indirect.gather [hbm4b:s4+s10], $0x20, s24, s10, $0xb8;
	[tilespmem:$0x11000] =	vst v63  }
0x3a: {  	s25 =	simm.s32 $0x800;
	s26 =	simm.s32 $0x9000  }
0x3b: {  	[tilespmem:s26], [sflag:$0x2] =	stream.indirect.gather [hbm4b:s4+s10], $0x20, s25, s10, $0xb8;
	[tilespmem:$0x11000] =	vst v63  }
0x3c: {  	s23 =	simm.s32 $0x480;
	s24 =	simm.s32 $0x2000  }
0x3d: {  	[tilespmem:s24], [sflag:$0x2] =	stream.indirect.gather [hbm4b:s4+s10], $0x20, s23, s10, $0xb8;
	[tilespmem:$0x11000] =	vst v63  }
0x3e: {  	s25 =	simm.s32 $0x880;
	s26 =	simm.s32 $0xA000  }
0x3f: {  	[tilespmem:s26], [sflag:$0x2] =	stream.indirect.gather [hbm4b:s4+s10], $0x20, s25, s10, $0xb8;
	[tilespmem:$0x11000] =	vst v63  }
0x40: {  	s23 =	simm.s32 $0x500;
	s24 =	simm.s32 $0x3000  }
0x41: {  	[tilespmem:s24], [sflag:$0x2] =	stream.indirect.gather [hbm4b:s4+s10], $0x20, s23, s10, $0xb8;
	[tilespmem:$0x11000] =	vst v63  }
0x42: {  	s25 =	simm.s32 $0x900;
	s26 =	simm.s32 $0xB000  }
0x43: {  	[tilespmem:s26], [sflag:$0x2] =	stream.indirect.gather [hbm4b:s4+s10], $0x20, s25, s10, $0xb8;
	[tilespmem:$0x11000] =	vst v63  }
.Ltmp3:
0x44: {  	_ = 	snop;
	(pc) =	sbr.rel .LBB2_4-.Ltmp3, $4  }
0x45: {  	s23 =	simm.s32 $0x580;
	s24 =	simm.s32 $0x4000  }
0x46: {  	[tilespmem:s24], [sflag:$0x2] =	stream.indirect.gather [hbm4b:s4+s10], $0x20, s23, s10, $0xb8;
	[tilespmem:$0x11000] =	vst v63  }
0x47: {  	s25 =	simm.s32 $0x980;
	s26 =	simm.s32 $0xC000;
	s24 =	simm.s32 $0x0  }
0x48: {  	[tilespmem:s26], [sflag:$0x2] =	stream.indirect.gather [hbm4b:s4+s10], $0x20, s25, s10, $0xb8;
	[tilespmem:$0x11000] =	vst v63  }
.LBB2_9:
0x49: {  	v54 =	vld [tilespmem:s26+$0x1000]  }
0x4a: {  	v55 =	vld [tilespmem:s26+$0x1050]  }
0x4b: {  	v56 =	vld [tilespmem:s26+$0x1040];
	v58 =	vperm.xlane v24, v1;
	v46 =	vsub.f32 v46, v53  }
0x4c: {  	v57 =	vld [tilespmem:s26+$0x9080];
	v61 =	vperm.xlane v24, v0;
	v35 =	vsub.f32 v35, v52  }
0x4d: {  	v59 =	vld [tilespmem:s26+$0x9090];
	v43 =	vsub.f32 v43, v51;
	v46 =	vmul.f32 v58, v46  }
0x4e: {  	v62 =	vld [tilespmem:s26+$0x1080];
	v35 =	vmul.f32 v61, v35  }
0x4f: {  	v60 =	vld [tilespmem:s26+$0x1090];
	v43 =	vmul.f32 v58, v43;
	v46 =	vadd.f32 v46, v53;
	v33 =	vsub.f32 v33, v54  }
0x50: {  	v58 =	vperm.xlane v24, v2;
	v53 =	vld [tilespmem:s26+$0x90D0];
	v36 =	vsub.f32 v36, v56;
	v38 =	vsub.f32 v38, v55  }
0x51: {  	v63 =	vld [tilespmem:s26+$0x90C0];
	v35 =	vadd.f32 v35, v52;
	v43 =	vadd.f32 v43, v51;
	v33 =	vmul.f32 v61, v33  }
0x52: {  	[tilespmem:s26+$0x1020] =	vst v46;
	v46 =	vld [tilespmem:s26+$0x10C0];
	v36 =	vmul.f32 v58, v36;
	v61 =	vsub.f32 v47, v50;
	v38 =	vmul.f32 v58, v38  }
0x53: {  	[tilespmem:s26+$0x1010] =	vst v35;
	v47 =	vld [tilespmem:s26+$0x9110];
	v58 =	vsub.f32 v57, v62;
	v33 =	vadd.f32 v33, v54;
	v54 =	vperm.xlane v24, v3  }
0x54: {  	[tilespmem:s26+$0x1030] =	vst v43;
	v36 =	vadd.f32 v36, v56;
	v56 =	vsub.f32 v48, v49;
	v48 =	vld [tilespmem:s26+$0x1110]  }
0x55: {  	v43 =	vld [tilespmem:s26+$0x1100];
	[tilespmem:$0x1FFF0] =	vst v53;
	v38 =	vadd.f32 v38, v55;
	v35 =	vmul.f32 v54, v61;
	v61 =	vperm.xlane v24, v4  }
0x56: {  	v53 =	vld [tilespmem:s26+$0x10D0];
	[tilespmem:s26+$0x1040] =	vst v36;
	v36 =	vmul.f32 v54, v56;
	v56 =	vsub.f32 v59, v60;
	v59 =	vperm.xlane v24, v5  }
0x57: {  	[tilespmem:s26+$0x1000] =	vst v33;
	v33 =	vld [tilespmem:s26+$0x9100];
	v35 =	vadd.f32 v35, v50;
	v57 =	vmul.f32 v61, v58;
	v58 =	vsub.f32 v45, v39  }
0x58: {  	v54 =	vld [tilespmem:$0x1FFF0];
	v36 =	vadd.f32 v36, v49;
	v50 =	vmul.f32 v61, v56;
	v61 =	vsub.f32 v44, v34  }
0x59: {  	v51 =	vsub.f32 v47, v48;
	[tilespmem:s26+$0x1060] =	vst v35;
	v49 =	vadd.f32 v57, v62;
	v35 =	vmul.f32 v59, v58  }
0x5a: {  	[tilespmem:s26+$0x1070] =	vst v36;
	v50 =	vadd.f32 v50, v60;
	v36 =	vmul.f32 v59, v61;
	v62 =	vsub.f32 v63, v46  }
0x5b: {  	v63 =	vperm.xlane v24, v6;
	v57 =	vsub.f32 v42, v32;
	v58 =	vperm.xlane v24, v7  }
0x5c: {  	[tilespmem:s26+$0x1050] =	vst v38;
	v45 =	vld [tilespmem:s26+$0x9150];
	v59 =	vsub.f32 v41, v31;
	v61 =	vperm.xlane v24, v8;
	v33 =	vsub.f32 v33, v43  }
0x5d: {  	v44 =	vld [tilespmem:s26+$0x1150];
	v35 =	vadd.f32 v35, v39;
	[tilespmem:s26+$0x1090] =	vst v50;
	v50 =	vsub.f32 v54, v53;
	v56 =	vmul.f32 v63, v62  }
0x5e: {  	[tilespmem:s26+$0x1080] =	vst v49;
	v55 =	vadd.f32 v36, v34;
	v34 =	vmul.f32 v58, v59;
	v54 =	vsub.f32 v37, v27  }
0x5f: {  	v42 =	vld [tilespmem:s26+$0x9190];
	v59 =	vperm.xlane v24, v11;
	v33 =	vmul.f32 v61, v33;
	[tilespmem:s26+$0x10A0] =	vst v35;
	v36 =	vadd.f32 v56, v46  }
0x60: {  	v41 =	vld [tilespmem:s26+$0x1190];
	v50 =	vmul.f32 v63, v50;
	[tilespmem:s26+$0x10B0] =	vst v55;
	v35 =	vmul.f32 v58, v57;
	v52 =	vadd.f32 v34, v31  }
0x61: {  	v63 =	vsub.f32 v40, v28;
	v40 =	vmul.f32 v61, v51;
	v33 =	vadd.f32 v33, v43;
	[tilespmem:s26+$0x10C0] =	vst v36  }
0x62: {  	v38 =	vld [tilespmem:s26+$0x9140];
	v57 =	vperm.xlane v24, v10;
	v58 =	vsub.f32 v45, v44;
	v60 =	vadd.f32 v50, v53;
	[tilespmem:s26+$0x10F0] =	vst v52  }
0x63: {  	v49 =	vld [tilespmem:s26+$0x1140];
	v30 =	vmul.f32 v59, v30;
	v29 =	vmul.f32 v59, v29;
	v62 =	vadd.f32 v35, v32;
	[tilespmem:s26+$0x1100] =	vst v33  }
0x64: {  	v39 =	vld [tilespmem:s26+$0x9180];
	v51 =	vperm.xlane v24, v13;
	v59 =	vperm.xlane v24, v15;
	v40 =	vadd.f32 v40, v48;
	[tilespmem:s26+$0x10D0] =	vst v60  }
0x65: {  	v37 =	vld [tilespmem:s26+$0x91D0];
	v47 =	vsub.f32 v42, v41;
	v43 =	vmul.f32 v57, v58;
	v23 =	vadd.f32 v30, v23;
	[tilespmem:s26+$0x10E0] =	vst v62  }
0x66: {  	v46 =	vld [tilespmem:s26+$0x91C0];
	v53 =	vperm.xlane v24, v9;
	v22 =	vadd.f32 v29, v22;
	v26 =	vmul.f32 v51, v26;
	[tilespmem:s26+$0x1110] =	vst v40  }
0x67: {  	v36 =	vld [tilespmem:s26+$0x1180];
	v50 =	vperm.xlane v24, v12;
	v25 =	vmul.f32 v51, v25;
	v33 =	vadd.f32 v43, v44;
	[tilespmem:s26+$0x1160] =	vst v23  }
0x68: {  	v21 =	vmul.f32 v59, v21;
	v35 =	vmul.f32 v53, v63;
	v63 =	vld [tilespmem:s26+$0x11C0];
	[tilespmem:s26+$0x1170] =	vst v22;
	v19 =	vadd.f32 v26, v19  }
0x69: {  	v20 =	vmul.f32 v59, v20;
	v56 =	vsub.f32 v38, v49;
	v38 =	vld [tilespmem:s26+$0x11D0];
	v18 =	vadd.f32 v25, v18;
	[tilespmem:s26+$0x1150] =	vst v33  }
0x6a: {  	v17 =	vadd.f32 v21, v17;
	[tilespmem:s26+$0x11A0] =	vst v19  }
0x6b: {  	v55 =	vmul.f32 v53, v54;
	v53 =	vmul.f32 v50, v47;
	v16 =	vadd.f32 v20, v16;
	[tilespmem:s26+$0x11B0] =	vst v18  }
0x6c: {  	v62 =	vmul.f32 v57, v56;
	v60 =	vadd.f32 v35, v28;
	[tilespmem:s26+$0x11E0] =	vst v17;
	v48 =	vsub.f32 v39, v36  }
0x6d: {  	v56 =	vperm.xlane v24, v14;
	v61 =	vadd.f32 v55, v27;
	[tilespmem:s26+$0x11F0] =	vst v16;
	v54 =	vsub.f32 v46, v63  }
0x6e: {  	v58 =	vadd.f32 v53, v41;
	[tilespmem:s26+$0x1120] =	vst v60;
	v57 =	vsub.f32 v37, v38;
	v52 =	vmul.f32 v50, v48  }
0x6f: {  	v49 =	vadd.f32 v62, v49;
	[tilespmem:s26+$0x1130] =	vst v61;
	v60 =	vmul.f32 v56, v54  }
0x70: {  	[tilespmem:s26+$0x1190] =	vst v58;
	v61 =	vmul.f32 v56, v57;
	v55 =	vadd.f32 v52, v36  }
0x71: {  	[tilespmem:s26+$0x1140] =	vst v49;
	v62 =	vadd.f32 v60, v63  }
0x72: {  	s1 =	sshll.u32 s25, $0xB;
	[tilespmem:s26+$0x1180] =	vst v55;
	v63 =	vadd.f32 v61, v38  }
0x73: {  	s1 =	sand.u32 $0x1FFFF000, s1;
	[tilespmem:s26+$0x11C0] =	vst v62  }
0x74: {  	s1 =	sadd.s32 s2, s1;
	[tilespmem:s26+$0x11D0] =	vst v63  }
0x75: {  	[hbm4b:s1+s3] =	stream.linear.scatter [tilespmem:s12], [sflag:$0x3], $0x4000, $0x38;
	[tilespmem:$0x11000] =	vst v63  }
.LBB2_18:
0x76: {  	s24 =	sadd.s32 $0x1, s24  }
0x77: {  	p0 =	sne.s32 s24, $0xC8  }
.Ltmp4:
0x78: {  	_ = 	snop;
	(pc) =	sbr.rel @!p0 .LBB2_19-.Ltmp4, $1  }
0x79: {  	_ =	sdelay $0x3  }
.LBB2_4:
0x7a: {  	s1 =	sand.u32 $0x1, s24  }
0x7b: {  	p0 =	seq.s32 s1, $0x1  }
.Ltmp5:
0x7c: {  	_ = 	snop;
	(pc) =	sbr.rel @!p0 .LBB2_5-.Ltmp5, $2  }
0x7d: {  	_ =	sdelay $0x2  }
0x7e: {  	s25 =	sadd.s32 s5, s24  }
0x7f: {  	p0 =	seq.s32 s24, $0xC7  }
0x80: {  	s1 =	sshll.u32 @!p0 s25, $0x6  }
0x81: {  	s6 =	simm.s32 @!p0 $0x0;
	s1 =	sadd.s32 @!p0 s1, s7  }
0x82: {  	[tilespmem:s6], [sflag:$0x1] =	stream.linear.gather @!p0 [hbm4b:s1+s6], $0x200, $0x38;
	[tilespmem:$0x11000] =	vst v63  }
0x83: {  	_ =	swait.ge [sflag:s28], $0x1000  }
0x84: {  	[sflag:s28] =	ssyncset.done $0x0  }
0x85: {  	[sflag:s28] =	ssyncadd.s32 $0xFFFFF000  }
0x86: {  	_ =	swait.ge [sflag:s28], $0x1000  }
0x87: {  	[sflag:s28] =	ssyncset.done $0x0  }
0x88: {  	[sflag:s28] =	ssyncadd.s32 $0xFFFFF000  }
0x89: {  	_ =	swait.ge [sflag:s28], $0x1000  }
0x8a: {  	[sflag:s28] =	ssyncset.done $0x0  }
0x8b: {  	[sflag:s28] =	ssyncadd.s32 $0xFFFFF000  }
0x8c: {  	_ =	swait.ge [sflag:s28], $0x1000  }
0x8d: {  	[sflag:s28] =	ssyncset.done $0x0  }
0x8e: {  	[sflag:s28] =	ssyncadd.s32 $0xFFFFF000  }
0x8f: {  	_ =	swait.ge [sflag:s28], $0x1000  }
0x90: {  	[sflag:s28] =	ssyncset.done $0x0  }
0x91: {  	[sflag:s28] =	ssyncadd.s32 $0xFFFFF000  }
0x92: {  	_ =	swait.ge [sflag:s28], $0x1000  }
0x93: {  	[sflag:s28] =	ssyncset.done $0x0  }
0x94: {  	[sflag:s28] =	ssyncadd.s32 $0xFFFFF000  }
0x95: {  	_ =	swait.ge [sflag:s28], $0x1000  }
.Ltmp6:
0x96: {  	[sflag:s28] =	ssyncset.done $0x0;
	(pc) =	sbr.rel @p0 .LBB2_14-.Ltmp6, $4  }
0x97: {  	[sflag:s28] =	ssyncadd.s32 $0xFFFFF000  }
0x98: {  	_ =	swait.ge [sflag:s28], $0x1000  }
0x99: {  	[sflag:s28] =	ssyncset.done $0x0  }
0x9a: {  	[sflag:s28] =	ssyncadd.s32 $0xFFFFF000  }
0x9b: {  	_ =	swait.ge [sflag:s31], $0x200  }
0x9c: {  	[sflag:s31] =	ssyncset.done $0x0  }
0x9d: {  	s6 =	simm.s32 $0x0;
	[sflag:s31] =	ssyncadd.s32 $0xFFFFFE00  }
0x9e: {  	v16 =	vld [tilespmem:s6+$0x0];
	_ =	sdelay $0x4  }
0x9f: {  	s1 =	simm.s32 $0x10;
	v16 =	vmax.f32 v16, $0.0e+00  }
0xa0: {  	v17 =	vld [tilespmem:s1+$0x0];
	v16 =	vmin.f32 v16, $1.000000000e+00  }
0xa1: {  	v16 =	vmul.f32 $9.999990000e+05, v16;
	_ =	sdelay $0x1  }
0xa2: {  	v18 =	vtrunc.f32 v16  }
0xa3: {  	s23 =	simm.s32 $0x80;
	v18 =	vcvt.f32.s32 v18  }
.LBB2_12:
0xa4: {  	s26 =	sshra.s32 s23, $0x2;
	p0 =	sne.s32 s23, $0x7C0;
	s23 =	sadd.s32 $0x40, s23;
	v19 =	vmax.f32 v17, $0.0e+00  }
.Ltmp7:
0xa5: {  	v17 =	vld [tilespmem:s26+$0x0];
	v19 =	vmin.f32 v19, $1.000000000e+00;
	v20 =	vcvt.s32.f32 v18;
	[tilespmem:s6+$0x400] =	vst v18;
	v18 =	vadd.s32 $0x1, v18;
	(pc) =	sbr.rel @p0 .LBB2_12-.Ltmp7, $4  }
0xa6: {  	v19 =	vmul.f32 $9.999990000e+05, v19;
	vm0 =	vlt.s32 v18, $0xF423F  }
0xa7: {  	v20 =	vsub.f32 v16, v20;
	v21 =	vnsel vm0, $0xF423F, v18  }
0xa8: {  	v18 =	vtrunc.f32 v19;
	[tilespmem:s6+$0x800] =	vst v21;
	v16 =	vmov v19  }
0xa9: {  	v18 =	vcvt.f32.s32 v18;
	[tilespmem:s6+$0xC00] =	vst v20;
	s6 =	smov.u32 s1;
	s1 =	smov.u32 s26  }
0xaa: {  	v17 =	vmax.f32 v17, $0.0e+00  }
0xab: {  	v17 =	vmin.f32 v17, $1.000000000e+00  }
0xac: {  	v17 =	vmul.f32 $9.999990000e+05, v17;
	_ =	sdelay $0x1  }
0xad: {  	v19 =	vcvt.s32.f32 v18;
	v20 =	vadd.s32 $0x1, v18;
	v21 =	vtrunc.f32 v17  }
0xae: {  	vm0 =	vlt.s32 v20, $0xF423F;
	v21 =	vcvt.f32.s32 v21  }
0xaf: {  	[tilespmem:s6+$0x400] =	vst v18;
	v16 =	vsub.f32 v16, v19;
	v61 =	vnsel vm0, $0xF423F, v20  }
0xb0: {  	[tilespmem:s6+$0x800] =	vst v61;
	v62 =	vcvt.s32.f32 v21;
	v63 =	vadd.s32 $0x1, v21  }
0xb1: {  	[tilespmem:s6+$0xC00] =	vst v16;
	vm15 =	vlt.s32 v63, $0xF423F  }
0xb2: {  	[tilespmem:s1+$0x400] =	vst v21;
	v16 =	vsub.f32 v17, v62;
	v17 =	vnsel vm15, $0xF423F, v63  }
0xb3: {  	[tilespmem:s1+$0x800] =	vst v17  }
0xb4: {  	s6 =	simm.s32 $0x400;
	[tilespmem:s1+$0xC00] =	vst v16  }
0xb5: {  	[tilespmem:s12], [sflag:$0x2] =	stream.indirect.gather [hbm4b:s4+s10], $0x20, s6, s10, $0xb8;
	[tilespmem:$0x11000] =	vst v63  }
0xb6: {  	s23 =	simm.s32 $0x800;
	s26 =	simm.s32 $0x9000  }
0xb7: {  	[tilespmem:s26], [sflag:$0x2] =	stream.indirect.gather [hbm4b:s4+s10], $0x20, s23, s10, $0xb8;
	[tilespmem:$0x11000] =	vst v63  }
0xb8: {  	s23 =	simm.s32 $0x480;
	s26 =	simm.s32 $0x2000  }
0xb9: {  	[tilespmem:s26], [sflag:$0x2] =	stream.indirect.gather [hbm4b:s4+s10], $0x20, s23, s10, $0xb8;
	[tilespmem:$0x11000] =	vst v63  }
0xba: {  	s23 =	simm.s32 $0x880;
	s26 =	simm.s32 $0xA000  }
0xbb: {  	[tilespmem:s26], [sflag:$0x2] =	stream.indirect.gather [hbm4b:s4+s10], $0x20, s23, s10, $0xb8;
	[tilespmem:$0x11000] =	vst v63  }
0xbc: {  	s23 =	simm.s32 $0x500;
	s26 =	simm.s32 $0x3000  }
0xbd: {  	[tilespmem:s26], [sflag:$0x2] =	stream.indirect.gather [hbm4b:s4+s10], $0x20, s23, s10, $0xb8;
	[tilespmem:$0x11000] =	vst v63  }
0xbe: {  	p0 =	slt.u32 s24, $0x2;
	s23 =	simm.s32 $0x900;
	s26 =	simm.s32 $0xB000  }
0xbf: {  	[tilespmem:s26], [sflag:$0x2] =	stream.indirect.gather [hbm4b:s4+s10], $0x20, s23, s10, $0xb8;
	[tilespmem:$0x11000] =	vst v63  }
.Ltmp8:
0xc0: {  	_ = 	snop;
	(pc) =	sbr.rel @p0 .LBB2_15-.Ltmp8, $4  }
0xc1: {  	s23 =	simm.s32 $0x580;
	s26 =	simm.s32 $0x4000  }
0xc2: {  	[tilespmem:s26], [sflag:$0x2] =	stream.indirect.gather [hbm4b:s4+s10], $0x20, s23, s10, $0xb8;
	[tilespmem:$0x11000] =	vst v63  }
0xc3: {  	s23 =	simm.s32 $0x980;
	s26 =	simm.s32 $0xC000  }
0xc4: {  	[tilespmem:s26], [sflag:$0x2] =	stream.indirect.gather [hbm4b:s4+s10], $0x20, s23, s10, $0xb8;
	[tilespmem:$0x11000] =	vst v63  }
.LBB2_14:
0xc5: {  	_ =	swait.ge [sflag:s29], $0x4000  }
0xc6: {  	[sflag:s29] =	ssyncset.done $0x0  }
0xc7: {  	[sflag:s29] =	ssyncadd.s32 $0xFFFFC000  }
.LBB2_15:
0xc8: {  	s26 =	simm.s32 $0x0  }
0xc9: {  	v33 =	vld [tilespmem:s26+$0xD000]  }
0xca: {  	v35 =	vld [tilespmem:s26+$0xD010]  }
0xcb: {  	v46 =	vld [tilespmem:s26+$0xD020]  }
0xcc: {  	v43 =	vld [tilespmem:s26+$0xD030]  }
0xcd: {  	v36 =	vld [tilespmem:s26+$0xD040]  }
0xce: {  	v38 =	vld [tilespmem:s26+$0xD050]  }
0xcf: {  	v47 =	vld [tilespmem:s26+$0xD060]  }
0xd0: {  	v48 =	vld [tilespmem:s26+$0xD070]  }
0xd1: {  	v45 =	vld [tilespmem:s26+$0xD0A0]  }
0xd2: {  	v44 =	vld [tilespmem:s26+$0xD0B0]  }
0xd3: {  	v42 =	vld [tilespmem:s26+$0xD0E0]  }
0xd4: {  	v41 =	vld [tilespmem:s26+$0xD0F0]  }
0xd5: {  	v40 =	vld [tilespmem:s26+$0xD120]  }
0xd6: {  	v37 =	vld [tilespmem:s26+$0xD130]  }
0xd7: {  	v29 =	vld [tilespmem:s26+$0xD160]  }
0xd8: {  	v54 =	vld [tilespmem:s26+$0xD170]  }
0xd9: {  	v24 =	vld [tilespmem:s26+$0xD1A0]  }
0xda: {  	v25 =	vld [tilespmem:s26+$0xD1B0]  }
0xdb: {  	v20 =	vld [tilespmem:s26+$0xD1E0]  }
0xdc: {  	v26 =	vld [tilespmem:s26+$0xD1F0]  }
0xdd: {  	v16 =	vld [tilespmem:s26+$0x51F0]  }
0xde: {  	v17 =	vld [tilespmem:s26+$0x51E0]  }
0xdf: {  	v18 =	vld [tilespmem:s26+$0x51B0]  }
0xe0: {  	v19 =	vld [tilespmem:s26+$0x51A0]  }
0xe1: {  	v22 =	vld [tilespmem:s26+$0x5170]  }
0xe2: {  	v23 =	vld [tilespmem:s26+$0x5160]  }
0xe3: {  	v27 =	vld [tilespmem:s26+$0x5130]  }
0xe4: {  	v28 =	vld [tilespmem:s26+$0x5120]  }
0xe5: {  	v31 =	vld [tilespmem:s26+$0x50F0]  }
0xe6: {  	v32 =	vld [tilespmem:s26+$0x50E0]  }
0xe7: {  	v34 =	vld [tilespmem:s26+$0x50B0]  }
0xe8: {  	v39 =	vld [tilespmem:s26+$0x50A0]  }
0xe9: {  	v49 =	vld [tilespmem:s26+$0x5070]  }
0xea: {  	v50 =	vld [tilespmem:s26+$0x5060]  }
0xeb: {  	v51 =	vld [tilespmem:s26+$0x5030]  }
0xec: {  	v53 =	vld [tilespmem:s26+$0x5020];
	v21 =	vsub.f32 v20, v17;
	v20 =	vsub.f32 v26, v16  }
0xed: {  	s23 =	simm.s32 $0xE00;
	v52 =	vld [tilespmem:s26+$0x5010];
	v26 =	vsub.f32 v24, v19;
	v25 =	vsub.f32 v25, v18  }
0xee: {  	s1 =	simm.s32 $0x800;
	v24 =	vld [tilespmem:s23+$0x0];
	v30 =	vsub.f32 v29, v23;
	v29 =	vsub.f32 v54, v22  }
.LBB2_16:
0xef: {  	p0 =	sne.s32 s1, $0xF800;
	v54 =	vld [tilespmem:s26+$0x5000];
	v40 =	vsub.f32 v40, v28;
	v37 =	vsub.f32 v37, v27  }
0xf0: {  	v42 =	vsub.f32 v42, v32;
	v41 =	vsub.f32 v41, v31;
	v55 =	vld [tilespmem:s26+$0x5050]  }
0xf1: {  	v45 =	vsub.f32 v45, v39;
	v44 =	vsub.f32 v44, v34;
	v56 =	vld [tilespmem:s26+$0x5040]  }
0xf2: {  	v47 =	vsub.f32 v47, v50;
	v48 =	vsub.f32 v48, v49;
	v57 =	vld [tilespmem:s26+$0xD080]  }
0xf3: {  	v43 =	vsub.f32 v43, v51;
	v46 =	vsub.f32 v46, v53;
	v58 =	vperm.xlane v24, v1;
	v59 =	vld [tilespmem:s26+$0xD090]  }
0xf4: {  	v35 =	vsub.f32 v35, v52;
	v60 =	vperm.xlane v24, v0;
	v33 =	vsub.f32 v33, v54;
	v61 =	vld [tilespmem:s26+$0x5090]  }
0xf5: {  	v46 =	vmul.f32 v58, v46;
	v43 =	vmul.f32 v58, v43;
	v38 =	vsub.f32 v38, v55;
	v58 =	vld [tilespmem:s26+$0x5080]  }
0xf6: {  	v35 =	vmul.f32 v60, v35;
	v33 =	vmul.f32 v60, v33;
	v36 =	vsub.f32 v36, v56;
	v60 =	vld [tilespmem:s26+$0xD0C0]  }
0xf7: {  	v46 =	vadd.f32 v46, v53;
	v43 =	vadd.f32 v43, v51;
	v51 =	vperm.xlane v24, v2;
	v53 =	vld [tilespmem:s26+$0xD0D0]  }
0xf8: {  	v35 =	vadd.f32 v35, v52;
	v52 =	vperm.xlane v24, v3;
	v33 =	vadd.f32 v33, v54;
	v54 =	vld [tilespmem:s26+$0x50D0]  }
0xf9: {  	[tilespmem:s26+$0x5020] =	vst v46;
	v36 =	vmul.f32 v51, v36;
	v38 =	vmul.f32 v51, v38;
	v46 =	vsub.f32 v59, v61;
	v51 =	vld [tilespmem:s26+$0x50C0]  }
0xfa: {  	[tilespmem:s26+$0x5000] =	vst v33;
	v33 =	vmul.f32 v52, v47;
	v47 =	vmul.f32 v52, v48;
	v48 =	vsub.f32 v57, v58;
	v52 =	vld [tilespmem:s26+$0xD100]  }
0xfb: {  	[tilespmem:s26+$0x5010] =	vst v35;
	v35 =	vadd.f32 v36, v56;
	v36 =	vadd.f32 v38, v55;
	v38 =	vperm.xlane v24, v4;
	v55 =	vld [tilespmem:s26+$0xD110]  }
0xfc: {  	[tilespmem:s26+$0x5030] =	vst v43;
	v33 =	vadd.f32 v33, v50;
	v43 =	vadd.f32 v47, v49;
	v47 =	vperm.xlane v24, v5;
	v49 =	vld [tilespmem:s26+$0x5110]  }
0xfd: {  	[tilespmem:s26+$0x5040] =	vst v35;
	v35 =	vmul.f32 v38, v48;
	v38 =	vmul.f32 v38, v46;
	v46 =	vsub.f32 v53, v54;
	v48 =	vld [tilespmem:s26+$0x5100]  }
0xfe: {  	[tilespmem:s26+$0x5050] =	vst v36;
	v36 =	vmul.f32 v47, v45;
	v44 =	vmul.f32 v47, v44;
	v45 =	vsub.f32 v60, v51;
	v47 =	vld [tilespmem:s26+$0xD140]  }
0xff: {  	[tilespmem:s26+$0x5060] =	vst v33;
	v33 =	vadd.f32 v35, v58;
	v35 =	vadd.f32 v38, v61;
	v38 =	vperm.xlane v24, v6;
	v50 =	vld [tilespmem:s26+$0xD150]  }
0x100: {  	[tilespmem:s26+$0x5070] =	vst v43;
	v36 =	vadd.f32 v36, v39;
	v34 =	vadd.f32 v44, v34;
	v39 =	vperm.xlane v24, v7;
	v43 =	vld [tilespmem:s26+$0x5150]  }
0x101: {  	[tilespmem:s26+$0x5080] =	vst v33;
	v33 =	vmul.f32 v38, v45;
	v38 =	vmul.f32 v38, v46;
	v44 =	vsub.f32 v55, v49;
	v45 =	vld [tilespmem:s26+$0x5140]  }
0x102: {  	[tilespmem:s26+$0x5090] =	vst v35;
	v35 =	vmul.f32 v39, v42;
	v39 =	vmul.f32 v39, v41;
	v41 =	vsub.f32 v52, v48;
	v42 =	vld [tilespmem:s26+$0xD180]  }
0x103: {  	[tilespmem:s26+$0x50A0] =	vst v36;
	v33 =	vadd.f32 v33, v51;
	v36 =	vadd.f32 v38, v54;
	v38 =	vperm.xlane v24, v8;
	v46 =	vld [tilespmem:s26+$0xD190]  }
0x104: {  	[tilespmem:s26+$0x50B0] =	vst v34;
	v32 =	vadd.f32 v35, v32;
	v31 =	vadd.f32 v39, v31;
	v34 =	vperm.xlane v24, v9;
	v39 =	vld [tilespmem:s26+$0x5190]  }
0x105: {  	[tilespmem:s26+$0x50C0] =	vst v33;
	v33 =	vmul.f32 v38, v41;
	v35 =	vmul.f32 v38, v44;
	v38 =	vsub.f32 v50, v43;
	v41 =	vld [tilespmem:s26+$0x5180]  }
0x106: {  	[tilespmem:s26+$0x50D0] =	vst v36;
	v36 =	vmul.f32 v34, v40;
	v34 =	vmul.f32 v34, v37;
	v37 =	vsub.f32 v47, v45;
	v40 =	vld [tilespmem:s26+$0xD1C0]  }
0x107: {  	[tilespmem:s26+$0x50E0] =	vst v32;
	v32 =	vadd.f32 v33, v48;
	v35 =	vadd.f32 v35, v49;
	v33 =	vperm.xlane v24, v10;
	v44 =	vld [tilespmem:s26+$0xD1D0]  }
0x108: {  	[tilespmem:s26+$0x50F0] =	vst v31;
	v28 =	vadd.f32 v36, v28;
	v27 =	vadd.f32 v34, v27;
	v31 =	vperm.xlane v24, v11;
	v34 =	vld [tilespmem:s26+$0x51D0]  }
0x109: {  	s6 =	sshra.s32 s1, $0x2;
	[tilespmem:s26+$0x5100] =	vst v32;
	v32 =	vmul.f32 v33, v37;
	v36 =	vmul.f32 v33, v38;
	v37 =	vsub.f32 v46, v39;
	v49 =	vld [tilespmem:s26+$0x51C0]  }
0x10a: {  	v33 =	vld [tilespmem:s6+$0xD000];
	[tilespmem:s26+$0x5110] =	vst v35;
	v30 =	vmul.f32 v31, v30;
	v29 =	vmul.f32 v31, v29;
	v31 =	vsub.f32 v42, v41  }
0x10b: {  	v35 =	vld [tilespmem:s6+$0xD010];
	[tilespmem:s26+$0x5120] =	vst v28;
	v28 =	vadd.f32 v32, v45;
	v32 =	vadd.f32 v36, v43;
	v36 =	vperm.xlane v24, v12  }
0x10c: {  	v46 =	vld [tilespmem:s6+$0xD020];
	[tilespmem:s26+$0x5130] =	vst v27;
	v23 =	vadd.f32 v30, v23;
	v22 =	vadd.f32 v29, v22;
	v27 =	vperm.xlane v24, v13  }
0x10d: {  	v43 =	vld [tilespmem:s6+$0xD030];
	[tilespmem:s26+$0x5140] =	vst v28;
	v28 =	vmul.f32 v36, v31;
	v29 =	vmul.f32 v36, v37;
	v30 =	vsub.f32 v44, v34  }
0x10e: {  	v36 =	vld [tilespmem:s6+$0xD040];
	[tilespmem:s26+$0x5150] =	vst v32;
	v26 =	vmul.f32 v27, v26;
	v25 =	vmul.f32 v27, v25;
	v27 =	vsub.f32 v40, v49  }
0x10f: {  	v38 =	vld [tilespmem:s6+$0xD050];
	[tilespmem:s26+$0x5160] =	vst v23;
	v23 =	vadd.f32 v28, v41;
	v28 =	vadd.f32 v29, v39;
	v29 =	vperm.xlane v24, v14  }
0x110: {  	v47 =	vld [tilespmem:s6+$0xD060];
	[tilespmem:s26+$0x5170] =	vst v22;
	v19 =	vadd.f32 v26, v19;
	v18 =	vadd.f32 v25, v18;
	v22 =	vperm.xlane v24, v15  }
0x111: {  	v48 =	vld [tilespmem:s6+$0xD070];
	[tilespmem:s26+$0x5180] =	vst v23;
	v23 =	vmul.f32 v29, v27;
	v24 =	vmul.f32 v29, v30  }
0x112: {  	v45 =	vld [tilespmem:s6+$0xD0A0];
	[tilespmem:s26+$0x5190] =	vst v28;
	v21 =	vmul.f32 v22, v21;
	v20 =	vmul.f32 v22, v20  }
0x113: {  	v44 =	vld [tilespmem:s6+$0xD0B0];
	[tilespmem:s26+$0x51A0] =	vst v19;
	v19 =	vadd.f32 v23, v49;
	v22 =	vadd.f32 v24, v34  }
0x114: {  	v42 =	vld [tilespmem:s6+$0xD0E0];
	[tilespmem:s26+$0x51B0] =	vst v18;
	v17 =	vadd.f32 v21, v17;
	v16 =	vadd.f32 v20, v16  }
0x115: {  	v41 =	vld [tilespmem:s6+$0xD0F0];
	[tilespmem:s26+$0x51C0] =	vst v19  }
0x116: {  	v40 =	vld [tilespmem:s6+$0xD120];
	[tilespmem:s26+$0x51D0] =	vst v22  }
0x117: {  	v37 =	vld [tilespmem:s6+$0xD130];
	[tilespmem:s26+$0x51E0] =	vst v17  }
0x118: {  	v29 =	vld [tilespmem:s6+$0xD160];
	[tilespmem:s26+$0x51F0] =	vst v16;
	s26 =	smov.u32 s6  }
0x119: {  	v54 =	vld [tilespmem:s26+$0xD170]  }
0x11a: {  	v24 =	vld [tilespmem:s26+$0xD1A0]  }
0x11b: {  	v25 =	vld [tilespmem:s26+$0xD1B0]  }
0x11c: {  	v20 =	vld [tilespmem:s26+$0xD1E0]  }
0x11d: {  	v26 =	vld [tilespmem:s26+$0xD1F0]  }
0x11e: {  	v16 =	vld [tilespmem:s26+$0x51F0]  }
0x11f: {  	v17 =	vld [tilespmem:s26+$0x51E0]  }
0x120: {  	v18 =	vld [tilespmem:s26+$0x51B0]  }
0x121: {  	v19 =	vld [tilespmem:s26+$0x51A0]  }
0x122: {  	v22 =	vld [tilespmem:s26+$0x5170]  }
0x123: {  	v23 =	vld [tilespmem:s26+$0x5160]  }
0x124: {  	v27 =	vld [tilespmem:s26+$0x5130]  }
0x125: {  	v28 =	vld [tilespmem:s26+$0x5120]  }
0x126: {  	v31 =	vld [tilespmem:s26+$0x50F0]  }
0x127: {  	v32 =	vld [tilespmem:s26+$0x50E0]  }
0x128: {  	v34 =	vld [tilespmem:s26+$0x50B0]  }
0x129: {  	v39 =	vld [tilespmem:s26+$0x50A0]  }
0x12a: {  	v49 =	vld [tilespmem:s26+$0x5070]  }
.Ltmp9:
0x12b: {  	v50 =	vld [tilespmem:s26+$0x5060];
	(pc) =	sbr.rel @p0 .LBB2_16-.Ltmp9, $4  }
0x12c: {  	v51 =	vld [tilespmem:s26+$0x5030]  }
0x12d: {  	v21 =	vsub.f32 v20, v17;
	v20 =	vsub.f32 v26, v16;
	v53 =	vld [tilespmem:s26+$0x5020]  }
0x12e: {  	s23 =	sadd.s32 $0x10, s23;
	v25 =	vsub.f32 v25, v18;
	v26 =	vsub.f32 v24, v19;
	v52 =	vld [tilespmem:s26+$0x5010]  }
0x12f: {  	s1 =	sadd.s32 $0x800, s1;
	v30 =	vsub.f32 v29, v23;
	v29 =	vsub.f32 v54, v22;
	v24 =	vld [tilespmem:s23+$0x0]  }
0x130: {  	_ = 	snop  }
0x131: {  	v54 =	vld [tilespmem:s26+$0x5000]  }
0x132: {  	v56 =	vld [tilespmem:s26+$0x5040]  }
0x133: {  	v55 =	vld [tilespmem:s26+$0x5050];
	v46 =	vsub.f32 v46, v53  }
0x134: {  	v35 =	vsub.f32 v35, v52;
	v58 =	vperm.xlane v24, v1;
	v61 =	vperm.xlane v24, v0  }
0x135: {  	v57 =	vld [tilespmem:s26+$0xD080];
	v43 =	vsub.f32 v43, v51  }
0x136: {  	v59 =	vld [tilespmem:s26+$0xD090];
	v33 =	vsub.f32 v33, v54;
	v46 =	vmul.f32 v58, v46;
	v35 =	vmul.f32 v61, v35  }
0x137: {  	v62 =	vld [tilespmem:s26+$0x5080];
	v36 =	vsub.f32 v36, v56;
	v43 =	vmul.f32 v58, v43;
	v58 =	vperm.xlane v24, v2  }
0x138: {  	v60 =	vld [tilespmem:s26+$0x5090];
	v38 =	vsub.f32 v38, v55;
	v33 =	vmul.f32 v61, v33;
	v46 =	vadd.f32 v46, v53  }
0x139: {  	v63 =	vld [tilespmem:s26+$0xD0C0];
	v61 =	vsub.f32 v47, v50;
	v35 =	vadd.f32 v35, v52;
	v36 =	vmul.f32 v58, v36  }
0x13a: {  	v53 =	vld [tilespmem:s26+$0xD0D0];
	v43 =	vadd.f32 v43, v51;
	v33 =	vadd.f32 v33, v54;
	v54 =	vperm.xlane v24, v3;
	[tilespmem:s26+$0x5020] =	vst v46  }
0x13b: {  	v47 =	vld [tilespmem:s26+$0xD110];
	v38 =	vmul.f32 v58, v38;
	[tilespmem:s26+$0x5010] =	vst v35;
	v36 =	vadd.f32 v36, v56;
	v56 =	vsub.f32 v48, v49  }
0x13c: {  	v58 =	vsub.f32 v57, v62;
	v46 =	vld [tilespmem:s26+$0x50C0];
	[tilespmem:s26+$0x5030] =	vst v43;
	v35 =	vmul.f32 v54, v61;
	v61 =	vperm.xlane v24, v4  }
0x13d: {  	v43 =	vld [tilespmem:s26+$0x5100];
	[tilespmem:s26+$0x5040] =	vst v36;
	v36 =	vmul.f32 v54, v56;
	v56 =	vsub.f32 v59, v60;
	v59 =	vperm.xlane v24, v5  }
0x13e: {  	[tilespmem:s26+$0x5000] =	vst v33;
	v33 =	vld [tilespmem:s26+$0xD100];
	v35 =	vadd.f32 v35, v50;
	v57 =	vmul.f32 v61, v58;
	v58 =	vsub.f32 v45, v39  }
0x13f: {  	v48 =	vld [tilespmem:s26+$0x5110];
	v38 =	vadd.f32 v38, v55;
	[tilespmem:$0x1FFE0] =	vst v53;
	v36 =	vadd.f32 v36, v49;
	v50 =	vmul.f32 v61, v56  }
0x140: {  	v53 =	vld [tilespmem:s26+$0x50D0];
	v61 =	vsub.f32 v44, v34;
	[tilespmem:s26+$0x5060] =	vst v35;
	v49 =	vadd.f32 v57, v62;
	v35 =	vmul.f32 v59, v58  }
0x141: {  	v54 =	vld [tilespmem:$0x1FFE0];
	v62 =	vsub.f32 v63, v46;
	v63 =	vperm.xlane v24, v6;
	v57 =	vsub.f32 v42, v32  }
0x142: {  	v58 =	vperm.xlane v24, v7;
	[tilespmem:s26+$0x5070] =	vst v36;
	v50 =	vadd.f32 v50, v60;
	v36 =	vmul.f32 v59, v61  }
0x143: {  	[tilespmem:s26+$0x5050] =	vst v38;
	v45 =	vld [tilespmem:s26+$0xD150];
	v59 =	vsub.f32 v41, v31;
	v33 =	vsub.f32 v33, v43;
	v61 =	vperm.xlane v24, v8  }
0x144: {  	v44 =	vld [tilespmem:s26+$0x5150];
	v51 =	vsub.f32 v47, v48;
	[tilespmem:s26+$0x5080] =	vst v49;
	v35 =	vadd.f32 v35, v39;
	v56 =	vmul.f32 v63, v62  }
0x145: {  	[tilespmem:s26+$0x5090] =	vst v50;
	v55 =	vadd.f32 v36, v34;
	v34 =	vmul.f32 v58, v59;
	v33 =	vmul.f32 v61, v33  }
0x146: {  	v59 =	vperm.xlane v24, v11;
	v50 =	vsub.f32 v54, v53;
	[tilespmem:s26+$0x50A0] =	vst v35;
	v36 =	vadd.f32 v56, v46  }
0x147: {  	v38 =	vld [tilespmem:s26+$0xD140];
	v35 =	vmul.f32 v58, v57;
	v54 =	vsub.f32 v37, v27;
	[tilespmem:s26+$0x50B0] =	vst v55;
	v52 =	vadd.f32 v34, v31  }
0x148: {  	v42 =	vld [tilespmem:s26+$0xD190];
	v57 =	vperm.xlane v24, v10;
	v33 =	vadd.f32 v33, v43;
	v30 =	vmul.f32 v59, v30;
	[tilespmem:s26+$0x50C0] =	vst v36  }
0x149: {  	v49 =	vld [tilespmem:s26+$0x5140];
	v58 =	vsub.f32 v45, v44;
	v29 =	vmul.f32 v59, v29;
	v62 =	vadd.f32 v35, v32;
	[tilespmem:s26+$0x50F0] =	vst v52  }
0x14a: {  	v41 =	vld [tilespmem:s26+$0x5190];
	v59 =	vperm.xlane v24, v15;
	v50 =	vmul.f32 v63, v50;
	[tilespmem:s26+$0x5100] =	vst v33;
	v23 =	vadd.f32 v30, v23  }
0x14b: {  	v39 =	vld [tilespmem:s26+$0xD180];
	v63 =	vsub.f32 v40, v28;
	v40 =	vmul.f32 v61, v51;
	v22 =	vadd.f32 v29, v22;
	[tilespmem:s26+$0x50E0] =	vst v62  }
0x14c: {  	v46 =	vld [tilespmem:s26+$0xD1C0];
	v43 =	vmul.f32 v57, v58;
	v51 =	vperm.xlane v24, v13;
	v60 =	vadd.f32 v50, v53;
	[tilespmem:s26+$0x5160] =	vst v23  }
0x14d: {  	v37 =	vld [tilespmem:s26+$0xD1D0];
	v21 =	vmul.f32 v59, v21;
	v53 =	vperm.xlane v24, v9;
	v40 =	vadd.f32 v40, v48;
	[tilespmem:s26+$0x5170] =	vst v22  }
0x14e: {  	v36 =	vld [tilespmem:s26+$0x5180];
	v56 =	vsub.f32 v38, v49;
	v20 =	vmul.f32 v59, v20;
	v33 =	vadd.f32 v43, v44;
	[tilespmem:s26+$0x50D0] =	vst v60  }
0x14f: {  	v26 =	vmul.f32 v51, v26;
	v17 =	vadd.f32 v21, v17;
	v35 =	vmul.f32 v53, v63;
	v63 =	vld [tilespmem:s26+$0x51C0];
	[tilespmem:s26+$0x5110] =	vst v40  }
0x150: {  	v38 =	vld [tilespmem:s26+$0x51D0];
	v25 =	vmul.f32 v51, v25;
	v16 =	vadd.f32 v20, v16;
	[tilespmem:s26+$0x5150] =	vst v33  }
0x151: {  	v47 =	vsub.f32 v42, v41;
	v62 =	vmul.f32 v57, v56;
	v19 =	vadd.f32 v26, v19;
	[tilespmem:s26+$0x51E0] =	vst v17  }
0x152: {  	v50 =	vperm.xlane v24, v12;
	v56 =	vperm.xlane v24, v14;
	v18 =	vadd.f32 v25, v18;
	[tilespmem:s26+$0x51F0] =	vst v16  }
0x153: {  	v55 =	vmul.f32 v53, v54;
	v48 =	vsub.f32 v39, v36;
	v49 =	vadd.f32 v62, v49;
	[tilespmem:s26+$0x51A0] =	vst v19  }
0x154: {  	v53 =	vmul.f32 v50, v47;
	v60 =	vadd.f32 v35, v28;
	[tilespmem:s26+$0x51B0] =	vst v18;
	v54 =	vsub.f32 v46, v63  }
0x155: {  	v61 =	vadd.f32 v55, v27;
	v57 =	vsub.f32 v37, v38;
	[tilespmem:s26+$0x5140] =	vst v49;
	v52 =	vmul.f32 v50, v48  }
0x156: {  	v58 =	vadd.f32 v53, v41;
	[tilespmem:s26+$0x5120] =	vst v60;
	v60 =	vmul.f32 v56, v54  }
0x157: {  	[tilespmem:s26+$0x5130] =	vst v61;
	v61 =	vmul.f32 v56, v57;
	v55 =	vadd.f32 v52, v36  }
.Ltmp10:
0x158: {  	[tilespmem:s26+$0x5190] =	vst v58;
	v62 =	vadd.f32 v60, v63;
	(pc) =	sbr.rel .LBB2_18-.Ltmp10, $4  }
0x159: {  	[tilespmem:s26+$0x5180] =	vst v55;
	v63 =	vadd.f32 v61, v38  }
0x15a: {  	s1 =	sshll.u32 s25, $0xB;
	[tilespmem:s26+$0x51C0] =	vst v62  }
0x15b: {  	s1 =	sadd.s32 s2, s1;
	[tilespmem:s26+$0x51D0] =	vst v63  }
0x15c: {  	[hbm4b:s1+s3] =	stream.linear.scatter [tilespmem:s30], [sflag:$0x4], $0x4000, $0x38;
	[tilespmem:$0x11000] =	vst v63  }
.LBB2_5:
0x15d: {  	s1 =	sshll.u32 s25, $0x6  }
0x15e: {  	s6 =	simm.s32 $0x0;
	s23 =	simm.s32 $0x200;
	s1 =	sadd.s32 s1, s7  }
0x15f: {  	[tilespmem:s23], [sflag:$0x1] =	stream.linear.gather [hbm4b:s1+s6], $0x200, $0x38;
	[tilespmem:$0x11000] =	vst v63  }
0x160: {  	_ =	swait.ge [sflag:s28], $0x1000  }
0x161: {  	[sflag:s28] =	ssyncset.done $0x0  }
0x162: {  	[sflag:s28] =	ssyncadd.s32 $0xFFFFF000  }
0x163: {  	_ =	swait.ge [sflag:s28], $0x1000  }
0x164: {  	[sflag:s28] =	ssyncset.done $0x0  }
0x165: {  	[sflag:s28] =	ssyncadd.s32 $0xFFFFF000  }
0x166: {  	_ =	swait.ge [sflag:s28], $0x1000  }
0x167: {  	[sflag:s28] =	ssyncset.done $0x0  }
0x168: {  	[sflag:s28] =	ssyncadd.s32 $0xFFFFF000  }
0x169: {  	_ =	swait.ge [sflag:s28], $0x1000  }
0x16a: {  	[sflag:s28] =	ssyncset.done $0x0  }
0x16b: {  	[sflag:s28] =	ssyncadd.s32 $0xFFFFF000  }
0x16c: {  	_ =	swait.ge [sflag:s28], $0x1000  }
0x16d: {  	[sflag:s28] =	ssyncset.done $0x0  }
0x16e: {  	[sflag:s28] =	ssyncadd.s32 $0xFFFFF000  }
0x16f: {  	_ =	swait.ge [sflag:s28], $0x1000  }
0x170: {  	[sflag:s28] =	ssyncset.done $0x0  }
0x171: {  	[sflag:s28] =	ssyncadd.s32 $0xFFFFF000  }
0x172: {  	_ =	swait.ge [sflag:s28], $0x1000  }
0x173: {  	[sflag:s28] =	ssyncset.done $0x0  }
0x174: {  	[sflag:s28] =	ssyncadd.s32 $0xFFFFF000  }
0x175: {  	_ =	swait.ge [sflag:s28], $0x1000  }
0x176: {  	[sflag:s28] =	ssyncset.done $0x0  }
0x177: {  	[sflag:s28] =	ssyncadd.s32 $0xFFFFF000  }
0x178: {  	_ =	swait.ge [sflag:s31], $0x200  }
0x179: {  	[sflag:s31] =	ssyncset.done $0x0  }
0x17a: {  	s6 =	simm.s32 $0x0;
	[sflag:s31] =	ssyncadd.s32 $0xFFFFFE00  }
0x17b: {  	v16 =	vld [tilespmem:s6+$0x200];
	_ =	sdelay $0x4  }
0x17c: {  	s1 =	simm.s32 $0x10;
	v16 =	vmax.f32 v16, $0.0e+00  }
0x17d: {  	v17 =	vld [tilespmem:s1+$0x200];
	v16 =	vmin.f32 v16, $1.000000000e+00  }
0x17e: {  	v16 =	vmul.f32 $9.999990000e+05, v16;
	_ =	sdelay $0x1  }
0x17f: {  	v18 =	vtrunc.f32 v16  }
0x180: {  	s23 =	simm.s32 $0x80;
	v18 =	vcvt.f32.s32 v18  }
.LBB2_6:
0x181: {  	s26 =	sshra.s32 s23, $0x2;
	p0 =	sne.s32 s23, $0x7C0;
	s23 =	sadd.s32 $0x40, s23;
	v19 =	vmax.f32 v17, $0.0e+00  }
.Ltmp11:
0x182: {  	v17 =	vld [tilespmem:s26+$0x200];
	v19 =	vmin.f32 v19, $1.000000000e+00;
	v20 =	vcvt.s32.f32 v18;
	[tilespmem:s6+$0x600] =	vst v18;
	v18 =	vadd.s32 $0x1, v18;
	(pc) =	sbr.rel @p0 .LBB2_6-.Ltmp11, $4  }
0x183: {  	v19 =	vmul.f32 $9.999990000e+05, v19;
	vm0 =	vlt.s32 v18, $0xF423F  }
0x184: {  	v20 =	vsub.f32 v16, v20;
	v21 =	vnsel vm0, $0xF423F, v18  }
0x185: {  	v18 =	vtrunc.f32 v19;
	[tilespmem:s6+$0xA00] =	vst v21;
	v16 =	vmov v19  }
0x186: {  	v18 =	vcvt.f32.s32 v18;
	[tilespmem:s6+$0xE00] =	vst v20;
	s6 =	smov.u32 s1;
	s1 =	smov.u32 s26  }
0x187: {  	v17 =	vmax.f32 v17, $0.0e+00  }
0x188: {  	v17 =	vmin.f32 v17, $1.000000000e+00  }
0x189: {  	v17 =	vmul.f32 $9.999990000e+05, v17;
	_ =	sdelay $0x1  }
0x18a: {  	v19 =	vcvt.s32.f32 v18;
	v20 =	vadd.s32 $0x1, v18;
	v21 =	vtrunc.f32 v17  }
0x18b: {  	vm0 =	vlt.s32 v20, $0xF423F;
	v21 =	vcvt.f32.s32 v21  }
0x18c: {  	[tilespmem:s6+$0x600] =	vst v18;
	v16 =	vsub.f32 v16, v19;
	v18 =	vnsel vm0, $0xF423F, v20  }
0x18d: {  	[tilespmem:s6+$0xA00] =	vst v18;
	v18 =	vcvt.s32.f32 v21;
	v19 =	vadd.s32 $0x1, v21  }
0x18e: {  	[tilespmem:s6+$0xE00] =	vst v16;
	vm15 =	vlt.s32 v19, $0xF423F  }
0x18f: {  	[tilespmem:s1+$0x600] =	vst v21;
	v16 =	vsub.f32 v17, v18;
	v17 =	vnsel vm15, $0xF423F, v19  }
0x190: {  	[tilespmem:s1+$0xA00] =	vst v17  }
0x191: {  	s26 =	simm.s32 $0x600;
	[tilespmem:s1+$0xE00] =	vst v16  }
0x192: {  	[tilespmem:s30], [sflag:$0x2] =	stream.indirect.gather [hbm4b:s4+s10], $0x20, s26, s10, $0xb8;
	[tilespmem:$0x11000] =	vst v63  }
0x193: {  	_ = 	snop  }
0x194: {  	[tilespmem:s9], [sflag:$0x2] =	stream.indirect.gather [hbm4b:s4+s10], $0x20, s8, s10, $0xb8;
	[tilespmem:$0x11000] =	vst v63  }
0x195: {  	_ = 	snop  }
0x196: {  	[tilespmem:s11], [sflag:$0x2] =	stream.indirect.gather [hbm4b:s4+s10], $0x20, s0, s10, $0xb8;
	[tilespmem:$0x11000] =	vst v63  }
0x197: {  	_ = 	snop  }
0x198: {  	[tilespmem:s14], [sflag:$0x2] =	stream.indirect.gather [hbm4b:s4+s10], $0x20, s13, s10, $0xb8;
	[tilespmem:$0x11000] =	vst v63  }
0x199: {  	_ = 	snop  }
0x19a: {  	[tilespmem:s16], [sflag:$0x2] =	stream.indirect.gather [hbm4b:s4+s10], $0x20, s15, s10, $0xb8;
	[tilespmem:$0x11000] =	vst v63  }
0x19b: {  	_ = 	snop  }
0x19c: {  	[tilespmem:s18], [sflag:$0x2] =	stream.indirect.gather [hbm4b:s4+s10], $0x20, s17, s10, $0xb8;
	[tilespmem:$0x11000] =	vst v63  }
0x19d: {  	p0 =	slt.u32 s24, $0x2  }
0x19e: {  	[tilespmem:s20], [sflag:$0x2] =	stream.indirect.gather [hbm4b:s4+s10], $0x20, s19, s10, $0xb8;
	[tilespmem:$0x11000] =	vst v63  }
0x19f: {  	s1 =	simm.s32 @!p0 $0x3  }
0x1a0: {  	[tilespmem:s22], [sflag:$0x2] =	stream.indirect.gather [hbm4b:s4+s10], $0x20, s21, s10, $0xb8;
	[tilespmem:$0x11000] =	vst v63  }
0x1a1: {  	_ =	swait.ge @!p0 [sflag:s1], $0x4000  }
0x1a2: {  	[sflag:s1] =	ssyncset.done @!p0 $0x0  }
0x1a3: {  	s26 =	simm.s32 $0x0;
	[sflag:s1] =	ssyncadd.s32 @!p0 $0xFFFFC000  }
0x1a4: {  	v33 =	vld [tilespmem:s26+$0x9000]  }
0x1a5: {  	v35 =	vld [tilespmem:s26+$0x9010]  }
0x1a6: {  	v46 =	vld [tilespmem:s26+$0x9020]  }
0x1a7: {  	v43 =	vld [tilespmem:s26+$0x9030]  }
0x1a8: {  	v36 =	vld [tilespmem:s26+$0x9040]  }
0x1a9: {  	v38 =	vld [tilespmem:s26+$0x9050]  }
0x1aa: {  	v47 =	vld [tilespmem:s26+$0x9060]  }
0x1ab: {  	v48 =	vld [tilespmem:s26+$0x9070]  }
0x1ac: {  	v45 =	vld [tilespmem:s26+$0x90A0]  }
0x1ad: {  	v44 =	vld [tilespmem:s26+$0x90B0]  }
0x1ae: {  	v42 =	vld [tilespmem:s26+$0x90E0]  }
0x1af: {  	v41 =	vld [tilespmem:s26+$0x90F0]  }
0x1b0: {  	v40 =	vld [tilespmem:s26+$0x9120]  }
0x1b1: {  	v37 =	vld [tilespmem:s26+$0x9130]  }
0x1b2: {  	v29 =	vld [tilespmem:s26+$0x9160]  }
0x1b3: {  	v54 =	vld [tilespmem:s26+$0x9170]  }
0x1b4: {  	v24 =	vld [tilespmem:s26+$0x91A0]  }
0x1b5: {  	v25 =	vld [tilespmem:s26+$0x91B0]  }
0x1b6: {  	v20 =	vld [tilespmem:s26+$0x91E0]  }
0x1b7: {  	v26 =	vld [tilespmem:s26+$0x91F0]  }
0x1b8: {  	v16 =	vld [tilespmem:s26+$0x11F0]  }
0x1b9: {  	v17 =	vld [tilespmem:s26+$0x11E0]  }
0x1ba: {  	v18 =	vld [tilespmem:s26+$0x11B0]  }
0x1bb: {  	v19 =	vld [tilespmem:s26+$0x11A0]  }
0x1bc: {  	v22 =	vld [tilespmem:s26+$0x1170]  }
0x1bd: {  	v23 =	vld [tilespmem:s26+$0x1160]  }
0x1be: {  	v27 =	vld [tilespmem:s26+$0x1130]  }
0x1bf: {  	v28 =	vld [tilespmem:s26+$0x1120]  }
0x1c0: {  	v31 =	vld [tilespmem:s26+$0x10F0]  }
0x1c1: {  	v32 =	vld [tilespmem:s26+$0x10E0]  }
0x1c2: {  	v34 =	vld [tilespmem:s26+$0x10B0]  }
0x1c3: {  	v39 =	vld [tilespmem:s26+$0x10A0]  }
0x1c4: {  	v49 =	vld [tilespmem:s26+$0x1070]  }
0x1c5: {  	v50 =	vld [tilespmem:s26+$0x1060]  }
0x1c6: {  	v51 =	vld [tilespmem:s26+$0x1030]  }
0x1c7: {  	v53 =	vld [tilespmem:s26+$0x1020];
	v21 =	vsub.f32 v20, v17;
	v20 =	vsub.f32 v26, v16  }
0x1c8: {  	s23 =	simm.s32 $0xC00;
	v52 =	vld [tilespmem:s26+$0x1010];
	v26 =	vsub.f32 v24, v19;
	v25 =	vsub.f32 v25, v18  }
0x1c9: {  	s1 =	simm.s32 $0x800;
	v24 =	vld [tilespmem:s23+$0x0];
	v30 =	vsub.f32 v29, v23;
	v29 =	vsub.f32 v54, v22  }
.LBB2_8:
0x1ca: {  	p0 =	sne.s32 s1, $0xF800;
	v54 =	vld [tilespmem:s26+$0x1000];
	v40 =	vsub.f32 v40, v28;
	v37 =	vsub.f32 v37, v27  }
0x1cb: {  	v42 =	vsub.f32 v42, v32;
	v41 =	vsub.f32 v41, v31;
	v55 =	vld [tilespmem:s26+$0x1050]  }
0x1cc: {  	v45 =	vsub.f32 v45, v39;
	v44 =	vsub.f32 v44, v34;
	v56 =	vld [tilespmem:s26+$0x1040]  }
0x1cd: {  	v47 =	vsub.f32 v47, v50;
	v48 =	vsub.f32 v48, v49;
	v57 =	vld [tilespmem:s26+$0x9080]  }
0x1ce: {  	v58 =	vperm.xlane v24, v1;
	v46 =	vsub.f32 v46, v53;
	v43 =	vsub.f32 v43, v51;
	v59 =	vld [tilespmem:s26+$0x9090]  }
0x1cf: {  	v60 =	vperm.xlane v24, v0;
	v35 =	vsub.f32 v35, v52;
	v33 =	vsub.f32 v33, v54;
	v61 =	vld [tilespmem:s26+$0x1090]  }
0x1d0: {  	v46 =	vmul.f32 v58, v46;
	v43 =	vmul.f32 v58, v43;
	v38 =	vsub.f32 v38, v55;
	v58 =	vld [tilespmem:s26+$0x1080]  }
0x1d1: {  	v35 =	vmul.f32 v60, v35;
	v33 =	vmul.f32 v60, v33;
	v36 =	vsub.f32 v36, v56;
	v60 =	vld [tilespmem:s26+$0x90C0]  }
0x1d2: {  	v46 =	vadd.f32 v46, v53;
	v43 =	vadd.f32 v43, v51;
	v51 =	vperm.xlane v24, v2;
	v53 =	vld [tilespmem:s26+$0x90D0]  }
0x1d3: {  	v35 =	vadd.f32 v35, v52;
	v52 =	vperm.xlane v24, v3;
	v33 =	vadd.f32 v33, v54;
	v54 =	vld [tilespmem:s26+$0x10D0]  }
0x1d4: {  	v38 =	vmul.f32 v51, v38;
	v36 =	vmul.f32 v51, v36;
	[tilespmem:s26+$0x1020] =	vst v46;
	v46 =	vsub.f32 v59, v61;
	v51 =	vld [tilespmem:s26+$0x10C0]  }
0x1d5: {  	[tilespmem:s26+$0x1000] =	vst v33;
	v33 =	vmul.f32 v52, v47;
	v47 =	vmul.f32 v52, v48;
	v48 =	vsub.f32 v57, v58;
	v52 =	vld [tilespmem:s26+$0x9100]  }
0x1d6: {  	[tilespmem:s26+$0x1010] =	vst v35;
	v35 =	vadd.f32 v36, v56;
	v36 =	vadd.f32 v38, v55;
	v38 =	vperm.xlane v24, v4;
	v55 =	vld [tilespmem:s26+$0x9110]  }
0x1d7: {  	[tilespmem:s26+$0x1030] =	vst v43;
	v33 =	vadd.f32 v33, v50;
	v43 =	vadd.f32 v47, v49;
	v47 =	vperm.xlane v24, v5;
	v49 =	vld [tilespmem:s26+$0x1110]  }
0x1d8: {  	[tilespmem:s26+$0x1040] =	vst v35;
	v35 =	vmul.f32 v38, v48;
	v38 =	vmul.f32 v38, v46;
	v46 =	vsub.f32 v53, v54;
	v48 =	vld [tilespmem:s26+$0x1100]  }
0x1d9: {  	[tilespmem:s26+$0x1050] =	vst v36;
	v36 =	vmul.f32 v47, v45;
	v44 =	vmul.f32 v47, v44;
	v45 =	vsub.f32 v60, v51;
	v47 =	vld [tilespmem:s26+$0x9140]  }
0x1da: {  	[tilespmem:s26+$0x1060] =	vst v33;
	v33 =	vadd.f32 v35, v58;
	v35 =	vadd.f32 v38, v61;
	v38 =	vperm.xlane v24, v6;
	v50 =	vld [tilespmem:s26+$0x9150]  }
0x1db: {  	[tilespmem:s26+$0x1070] =	vst v43;
	v36 =	vadd.f32 v36, v39;
	v34 =	vadd.f32 v44, v34;
	v39 =	vperm.xlane v24, v7;
	v43 =	vld [tilespmem:s26+$0x1150]  }
0x1dc: {  	[tilespmem:s26+$0x1080] =	vst v33;
	v33 =	vmul.f32 v38, v45;
	v38 =	vmul.f32 v38, v46;
	v44 =	vsub.f32 v55, v49;
	v45 =	vld [tilespmem:s26+$0x1140]  }
0x1dd: {  	[tilespmem:s26+$0x1090] =	vst v35;
	v35 =	vmul.f32 v39, v42;
	v39 =	vmul.f32 v39, v41;
	v41 =	vsub.f32 v52, v48;
	v42 =	vld [tilespmem:s26+$0x9180]  }
0x1de: {  	[tilespmem:s26+$0x10A0] =	vst v36;
	v33 =	vadd.f32 v33, v51;
	v36 =	vadd.f32 v38, v54;
	v38 =	vperm.xlane v24, v8;
	v46 =	vld [tilespmem:s26+$0x9190]  }
0x1df: {  	[tilespmem:s26+$0x10B0] =	vst v34;
	v32 =	vadd.f32 v35, v32;
	v31 =	vadd.f32 v39, v31;
	v34 =	vperm.xlane v24, v9;
	v39 =	vld [tilespmem:s26+$0x1190]  }
0x1e0: {  	[tilespmem:s26+$0x10C0] =	vst v33;
	v33 =	vmul.f32 v38, v41;
	v35 =	vmul.f32 v38, v44;
	v38 =	vsub.f32 v50, v43;
	v41 =	vld [tilespmem:s26+$0x1180]  }
0x1e1: {  	[tilespmem:s26+$0x10D0] =	vst v36;
	v36 =	vmul.f32 v34, v40;
	v34 =	vmul.f32 v34, v37;
	v37 =	vsub.f32 v47, v45;
	v40 =	vld [tilespmem:s26+$0x91C0]  }
0x1e2: {  	[tilespmem:s26+$0x10E0] =	vst v32;
	v32 =	vadd.f32 v33, v48;
	v35 =	vadd.f32 v35, v49;
	v33 =	vperm.xlane v24, v10;
	v44 =	vld [tilespmem:s26+$0x91D0]  }
0x1e3: {  	[tilespmem:s26+$0x10F0] =	vst v31;
	v28 =	vadd.f32 v36, v28;
	v27 =	vadd.f32 v34, v27;
	v31 =	vperm.xlane v24, v11;
	v34 =	vld [tilespmem:s26+$0x11D0]  }
0x1e4: {  	s6 =	sshra.s32 s1, $0x2;
	[tilespmem:s26+$0x1100] =	vst v32;
	v32 =	vmul.f32 v33, v37;
	v36 =	vmul.f32 v33, v38;
	v37 =	vsub.f32 v46, v39;
	v49 =	vld [tilespmem:s26+$0x11C0]  }
0x1e5: {  	v33 =	vld [tilespmem:s6+$0x9000];
	[tilespmem:s26+$0x1110] =	vst v35;
	v30 =	vmul.f32 v31, v30;
	v29 =	vmul.f32 v31, v29;
	v31 =	vsub.f32 v42, v41  }
0x1e6: {  	v35 =	vld [tilespmem:s6+$0x9010];
	[tilespmem:s26+$0x1120] =	vst v28;
	v28 =	vadd.f32 v32, v45;
	v32 =	vadd.f32 v36, v43;
	v36 =	vperm.xlane v24, v12  }
0x1e7: {  	v46 =	vld [tilespmem:s6+$0x9020];
	[tilespmem:s26+$0x1130] =	vst v27;
	v23 =	vadd.f32 v30, v23;
	v22 =	vadd.f32 v29, v22;
	v27 =	vperm.xlane v24, v13  }
0x1e8: {  	v43 =	vld [tilespmem:s6+$0x9030];
	[tilespmem:s26+$0x1140] =	vst v28;
	v28 =	vmul.f32 v36, v31;
	v29 =	vmul.f32 v36, v37;
	v30 =	vsub.f32 v44, v34  }
0x1e9: {  	v36 =	vld [tilespmem:s6+$0x9040];
	[tilespmem:s26+$0x1150] =	vst v32;
	v26 =	vmul.f32 v27, v26;
	v25 =	vmul.f32 v27, v25;
	v27 =	vsub.f32 v40, v49  }
0x1ea: {  	v38 =	vld [tilespmem:s6+$0x9050];
	[tilespmem:s26+$0x1160] =	vst v23;
	v23 =	vadd.f32 v28, v41;
	v28 =	vadd.f32 v29, v39;
	v29 =	vperm.xlane v24, v14  }
0x1eb: {  	v47 =	vld [tilespmem:s6+$0x9060];
	[tilespmem:s26+$0x1170] =	vst v22;
	v19 =	vadd.f32 v26, v19;
	v18 =	vadd.f32 v25, v18;
	v22 =	vperm.xlane v24, v15  }
0x1ec: {  	v48 =	vld [tilespmem:s6+$0x9070];
	[tilespmem:s26+$0x1180] =	vst v23;
	v23 =	vmul.f32 v29, v27;
	v24 =	vmul.f32 v29, v30  }
0x1ed: {  	v45 =	vld [tilespmem:s6+$0x90A0];
	[tilespmem:s26+$0x1190] =	vst v28;
	v21 =	vmul.f32 v22, v21;
	v20 =	vmul.f32 v22, v20  }
0x1ee: {  	v44 =	vld [tilespmem:s6+$0x90B0];
	[tilespmem:s26+$0x11A0] =	vst v19;
	v19 =	vadd.f32 v23, v49;
	v22 =	vadd.f32 v24, v34  }
0x1ef: {  	v42 =	vld [tilespmem:s6+$0x90E0];
	[tilespmem:s26+$0x11B0] =	vst v18;
	v17 =	vadd.f32 v21, v17;
	v16 =	vadd.f32 v20, v16  }
0x1f0: {  	v41 =	vld [tilespmem:s6+$0x90F0];
	[tilespmem:s26+$0x11C0] =	vst v19  }
0x1f1: {  	v40 =	vld [tilespmem:s6+$0x9120];
	[tilespmem:s26+$0x11D0] =	vst v22  }
0x1f2: {  	v37 =	vld [tilespmem:s6+$0x9130];
	[tilespmem:s26+$0x11E0] =	vst v17  }
0x1f3: {  	v29 =	vld [tilespmem:s6+$0x9160];
	[tilespmem:s26+$0x11F0] =	vst v16;
	s26 =	smov.u32 s6  }
0x1f4: {  	v54 =	vld [tilespmem:s26+$0x9170]  }
0x1f5: {  	v24 =	vld [tilespmem:s26+$0x91A0]  }
0x1f6: {  	v25 =	vld [tilespmem:s26+$0x91B0]  }
0x1f7: {  	v20 =	vld [tilespmem:s26+$0x91E0]  }
0x1f8: {  	v26 =	vld [tilespmem:s26+$0x91F0]  }
0x1f9: {  	v16 =	vld [tilespmem:s26+$0x11F0]  }
0x1fa: {  	v17 =	vld [tilespmem:s26+$0x11E0]  }
0x1fb: {  	v18 =	vld [tilespmem:s26+$0x11B0]  }
0x1fc: {  	v19 =	vld [tilespmem:s26+$0x11A0]  }
0x1fd: {  	v22 =	vld [tilespmem:s26+$0x1170]  }
0x1fe: {  	v23 =	vld [tilespmem:s26+$0x1160]  }
0x1ff: {  	v27 =	vld [tilespmem:s26+$0x1130]  }
0x200: {  	v28 =	vld [tilespmem:s26+$0x1120]  }
0x201: {  	v31 =	vld [tilespmem:s26+$0x10F0]  }
0x202: {  	v32 =	vld [tilespmem:s26+$0x10E0]  }
0x203: {  	v34 =	vld [tilespmem:s26+$0x10B0]  }
0x204: {  	v39 =	vld [tilespmem:s26+$0x10A0]  }
0x205: {  	v49 =	vld [tilespmem:s26+$0x1070]  }
.Ltmp12:
0x206: {  	v50 =	vld [tilespmem:s26+$0x1060];
	(pc) =	sbr.rel @p0 .LBB2_8-.Ltmp12, $4  }
0x207: {  	v51 =	vld [tilespmem:s26+$0x1030]  }
0x208: {  	v21 =	vsub.f32 v20, v17;
	v20 =	vsub.f32 v26, v16;
	v53 =	vld [tilespmem:s26+$0x1020]  }
0x209: {  	s23 =	sadd.s32 $0x10, s23;
	v25 =	vsub.f32 v25, v18;
	v26 =	vsub.f32 v24, v19;
	v52 =	vld [tilespmem:s26+$0x1010]  }
0x20a: {  	s1 =	sadd.s32 $0x800, s1;
	v30 =	vsub.f32 v29, v23;
	v29 =	vsub.f32 v54, v22;
	v24 =	vld [tilespmem:s23+$0x0]  }
.Ltmp13:
0x20b: {  	_ = 	snop;
	(pc) =	sbr.rel .LBB2_9-.Ltmp13, $1  }
0x20c: {  	_ =	sdelay $0x3  }
.LBB2_20:
0x20d: {  	_ =	sfence.sel $0x180000  }
0x20e: {  	[bflag:$0x0] =	sbarrier.arrive $0xFFFF  }
0x20f: {  	_ =	strace $0x90000047  }
0x210: {  	s0 =	stileid.u32;
	[bflag:$0x2] =	sbarrier.arrive $0xFFFF  }
0x211: {  	p0 =	sne.s32 s0, $0x0;
	s0 =	rddreg [dreg:$0x2]  }
0x212: {  	s0 =	sadd.s32 @!p0 $0x100000, s0  }
0x213: {  	[sflag:s0] =	ssyncadd.tile.s32 @!p0 $0x1;
	_ =	shalt  }
.Lfunc_end2:
_tile_overlayer_lowered:
.L_overlay_start_2:
0x214: {  	(tag) =	ssettag $0x2  }
0x215: {  	s0 =	rddreg [dreg:$0x0];
	s2 =	stileid.u32  }
0x216: {  	s1 =	rddreg [dreg:$0x1];
	p0 =	sne.s32 s2, $0x0  }
0x217: {  	s3 =	rddreg [dreg:$0x2];
	[bflag:$0x3] =	sbarrier.arrive $0xFFFF;
	s2 =	simm.s32 @!p0 $0x1C05  }
0x218: {  	[timem:s3], [sflag:s2] =	dma.local @!p0 [hbm:s0], s1  }
0x219: {  	s0 =	simm.s32 @!p0 $0x5  }
0x21a: {  	_ =	swait.ge @!p0 [sflag:s0], s1  }
0x21b: {  	s1 =	ssub.s32 @!p0 $0x0, s1;
	[sflag:s0] =	ssyncset.done @!p0 $0x0  }
0x21c: {  	[sflag:s0] =	ssyncadd.s32 @!p0 s1  }
0x21d: {  	[bflag:$0x3] =	sbarrier.arrive $0xFFFF  }
0x21e: {  	_ =	shalt  }

// kernel: sparse-core-data-format-call.cloned.1.call-start
scs
called_computation_lowered:
.L_overlay_start_0:
0x0: {  	s2 =	sld [smem:$0x3FD9]  }
0x1: {  	s3 =	sld [smem:$0x3FFE];
	_ =	sdelay $0x1  }
0x2: {  	s1 =	srdreg.scid  }
0x3: {  	s0 =	sand.u32 $0x1, s1  }
0x4: {  	s18 =	sshll.u32 s0, $0xA;
	s2 =	sadd.s32 s3, s2  }
0x5: {  	s2 =	sadd.s32 s2, s18  }
0x6: {  	[smem:$0x3FC6] =	sst s2  }
0x7: {  	_ = 	snop  }
0x8: {  	s2 =	sld [smem:$0x3FD0];
	(tm) =	ssettm $0x1  }
0x9: {  	s19 =	sld [smem:$0x3FFB];
	_ =	sdelay $0x3  }
0xa: {  	_ =	strace s19  }
0xb: {  	s3 =	sld [smem:$0x3FFC];
	_ =	sdelay $0x3  }
0xc: {  	_ =	strace s3  }
0xd: {  	s3 =	sld [smem:$0x3FFD];
	_ =	sdelay $0x3  }
0xe: {  	_ =	strace s3  }
0xf: {  	_ =	strace $0x8FFFFFFF  }
0x10: {  	s20 =	sld [smem:$0x3FDB];
	_ =	sdelay $0x1  }
0x11: {  	s4 =	simm.s32 $_scs_section_size  }
0x12: {  	s5 =	simm.s32 $_size__tile_overlayer_lowered;
	s6 =	simm.s32 $_tile_overlayer_lowered  }
0x13: {  	s23 =	simm.s32 $0x1BFF;
	s22 =	sshll.u32 s6, $0x1;
	s3 =	sadd.s32 s4, s20  }
0x14: {  	s7 =	simm.s32 $0x0;
	s21 =	sshll.u32 s5, $0x1;
	s5 =	sadd.s32 s22, s3  }
0x15: {  	[timem:s7], [sflag:s23] =	dma.local [hbm:s5], s21  }
0x16: {  	_ =	swait.ge [sflag:s23], s21  }
0x17: {  	s4 =	ssub.s32 $0x0, s21;
	[sflag:s23] =	ssyncset.done $0x0  }
0x18: {  	[sflag:s23] =	ssyncadd.s32 s4;
	_ =	sdelay $0x1  }
0x19: {  	s24 =	simm.s32 $0x1B8B  }
0x1a: {  	_ =	swait.ge [sflag:s24], $0x1  }
0x1b: {  	[sflag:s24] =	ssyncset.done $0x0  }
0x1c: {  	s26 =	simm.s32 $0x1B8E;
	s25 =	sld [smem:$0x3FFE];
	[sflag:s24] =	ssyncadd.s32 $0xFFFFFFFF  }
0x1d: {  	s27 =	simm.s32 $execute0_lowered;
	[smem:$0x3FD2] =	sst s26  }
0x1e: {  	s5 =	sshll.u32 s27, $0x1;
	_ =	strace $0x80000049;
	[dreg:$0x1] =	wrdreg $0xFFFFFFFF  }
0x1f: {  	s28 =	simm.s32 $_size_execute0_lowered;
	s3 =	sadd.s32 s3, s5;
	[dreg:$0x0] =	wrdreg $0x0  }
0x20: {  	s5 =	sshll.u32 s28, $0x1;
	[dreg:$0x2] =	wrdreg s3  }
0x21: {  	[dreg:$0x3] =	wrdreg s5  }
0x22: {  	[dreg:$0x4] =	wrdreg $0xC0  }
0x23: {  	_ =	task [dreg:s7], $0x5FFFF  }
0x24: {  	[dreg:$0x1] =	wrdreg $0xFFFFFFFF  }
0x25: {  	[dreg:$0x0] =	wrdreg $0x60  }
0x26: {  	[dreg:$0x2] =	wrdreg s25  }
0x27: {  	[dreg:$0x3] =	wrdreg s2  }
0x28: {  	[dreg:$0x4] =	wrdreg $0x9  }
0x29: {  	_ =	task.clear_ibuf [dreg:s7], $0x5FFFF;
	_ =	strace $0x90000049  }
0x2a: {  	s29 =	simm.s32 $0x9;
	_ =	strace $0x8000004B  }
0x2b: {  	_ =	swait.ge [sflag:s29], $0x1  }
0x2c: {  	[sflag:s29] =	ssyncadd.s32 $0xFFFFFFFF  }
0x2d: {  	_ =	strace $0x9000004B  }
0x2e: {  	_ =	sfence  }
0x2f: {  	s30 =	sld [smem:$0x0];
	_ =	sdelay $0x2  }
0x30: {  	s31 =	sshll.u32 s1, $0xD;
	s1 =	sshrl.u32 s1, $0x2  }
0x31: {  	s3 =	sand.u32 $0x4000, s31;
	s1 =	sadd.s32 s1, s30  }
0x32: {  	s0 =	sor.u32 s3, s0;
	s1 =	sshll.u32 s1, $0x11  }
0x33: {  	s0 =	sor.u32 s1, s0  }
0x34: {  	s0 =	sadd.s32 $0x8F2B, s0  }
0x35: {  	[sflag:s0] =	ssyncadd.remote.s32 $0x1  }
0x36: {  	_ =	sfence.sel $0xFFFF  }
0x37: {  	[dreg:$0x0] =	wrdreg $0xFFFFFFFF;
	(pc) =	sbr.abs _section_cstart, $3  }
0x38: {  	[dreg:$0x1] =	wrdreg $0xFFFFFFFF  }
0x39: {  	_ =	task.clear_ibuf [dreg:s7], $0x2FFFF;
	_ =	strace $0x9FFFFFFF  }
0x3a: {  	(tm) =	ssettm $0x7FFFFFFF  }
0x3b: {  	_ =	shalt  }
tec
execute0_lowered:
.L_overlay_start_1:
0x0: {  	(tag) =	ssettag $0x1  }
0x1: {  	s0 =	srdreg.scid  }
0x2: {  	s1 =	sshll.u32 s0, $0x4  }
0x3: {  	s9 =	rddreg [dreg:$0x0];
	s0 =	stileid.u32;
	s1 =	sand.u32 $0x10, s1  }
0x4: {  	s3 =	rddreg [dreg:$0x1];
	s5 =	simm.s32 $0x1;
	s1 =	sor.u32 s0, s1  }
0x5: {  	s7 =	simm.s32 $0x2;
	s15 =	simm.s32 $0x0;
	s2 =	sshll.u32 s1, $0x7  }
0x6: {  	s11 =	simm.s32 $0x20000;
	s16 =	simm.s32 $0x0;
	s4 =	ssub.s32 $0x4000, s2  }
0x7: {  	s13 =	simm.s32 $0x0;
	s14 =	simm.s32 $0x0;
	s31 =	sand.u32 $0xF80, s4  }
0x8: {  	s8 =	sadd.s32 $0x80800, s9;
	s1 =	rddreg [dreg:$0x2];
	p0 =	sne.s32 s31, $0x0  }
.Ltmp0:
0x9: {  	s6 =	sshrl.u32 s4, $0xC;
	s5 =	simm.s32 @!p0 $0x0;
	(pc) =	sbr.rel .LBB1_1-.Ltmp0, $4  }
0xa: {  	_ =	strace $0x8000004A;
	s4 =	simm.s32 $0x1;
	s5 =	sadd.s32 s5, s6  }
0xb: {  	s12 =	smov.u32 s2;
	[sflag:s4] =	ssyncpa.u1 $0x0;
	s5 =	smul.u32 $0x32, s5  }
0xc: {  	[sflag:s7] =	ssyncpa.u1 $0x0;
	s7 =	sadd.s32 $0x40800, s9;
	p0 =	por $0x0, $0x0  }
0xd: {  	s6 =	sadd.s32 $0x800, s9;
	s9 =	sadd.s32 $0xC0800, s9;
	s10 =	sor.u32 $0x1, s5  }
.LBB1_7:
0xe: {  	s17 =	sadd.s32 $0x1000, s12  }
0xf: {  	s15 =	sadd.s32 $0x4, s13;
	s19 =	smov.u32 s13;
	p2 =	sgt.s32 s17, $0x3FFF  }
0x10: {  	s19 =	smov.u32 @p2 s15  }
0x11: {  	s17 =	smov.u32 @p2 s2;
	p2 =	sgt.s32 s19, $0xC7  }
0x12: {  	s19 =	simm.s32 @p2 $0x0;
	p2 =	sne.s32 s14, s10  }
.Ltmp1:
0x13: {  	p1 =	slt.u32 s14, $0x2;
	(pc) =	sbr.rel @!p2 .LBB1_8-.Ltmp1, $4  }
0x14: {  	s18 =	simm.s32 @!p1 $0x2  }
0x15: {  	s16 =	smov.u32 s13;
	p0 =	por !p0, !p0;
	_ =	swait.ge @!p1 [sflag:s18], $0x4000  }
0x16: {  	s15 =	smov.u32 s12;
	[sflag:s18] =	ssyncset.done @!p1 $0x0;
	s12 =	smov.u32 s17  }
0x17: {  	s14 =	sadd.s32 $0x1, s14;
	[sflag:s18] =	ssyncadd.s32 @!p1 $0xFFFFC000;
	s13 =	smov.u32 s19  }
.LBB1_1:
0x18: {  	p1 =	sge.u32 s14, s5  }
0x19: {  	s17 =	sxor.u32 @!p1 $0xFFFFFFFF, s14  }
0x1a: {  	s18 =	sshll.u32 @!p1 s13, $0x12;
	s19 =	sshll.u32 @!p1 s12, $0x4;
	s21 =	simm.s32 @!p1 $0x20  }
0x1b: {  	s17 =	sshll.u32 @!p1 s17, $0xE;
	s19 =	sand.u32 @!p1 $0x3FFF0, s19;
	s20 =	sadd.s32 @!p1 s6, s18  }
0x1c: {  	s22 =	simm.s32 @!p1 $0x80;
	s17 =	sand.u32 @!p1 $0x4000, s17;
	s20 =	sadd.s32 @!p1 s19, s20  }
0x1d: {  	[tilespmem:s17], [sflag:$0x1] =	stream.strided.gather @!p1 [hbm4b:s20+s21], $0x1000, s22, s21, $0x38;
	[tilespmem:$0x10100] =	vst v63  }
0x1e: {  	s20 =	sadd.s32 @!p1 s18, s7  }
0x1f: {  	s23 =	sor.u32 @!p1 $0x1000, s17;
	s20 =	sadd.s32 @!p1 s19, s20  }
0x20: {  	[tilespmem:s23], [sflag:$0x1] =	stream.strided.gather @!p1 [hbm4b:s20+s21], $0x1000, s22, s21, $0x38;
	[tilespmem:$0x10100] =	vst v63  }
0x21: {  	s20 =	sadd.s32 @!p1 s18, s8  }
0x22: {  	s23 =	sor.u32 @!p1 $0x2000, s17;
	s18 =	sadd.s32 @!p1 s18, s9;
	s20 =	sadd.s32 @!p1 s19, s20  }
0x23: {  	[tilespmem:s23], [sflag:$0x1] =	stream.strided.gather @!p1 [hbm4b:s20+s21], $0x1000, s22, s21, $0x38;
	[tilespmem:$0x10100] =	vst v63  }
0x24: {  	s31 =	sadd.s32 $0xFFFFFFFF, s14;
	s17 =	sor.u32 @!p1 $0x3000, s17;
	s18 =	sadd.s32 @!p1 s19, s18  }
0x25: {  	[tilespmem:s17], [sflag:$0x1] =	stream.strided.gather @!p1 [hbm4b:s18+s21], $0x1000, s22, s21, $0x38;
	[tilespmem:$0x10100] =	vst v63  }
0x26: {  	p1 =	sge.u32 s31, s5  }
.Ltmp2:
0x27: {  	_ = 	snop;
	(pc) =	sbr.rel @p1 .LBB1_7-.Ltmp2, $1  }
0x28: {  	_ =	sdelay $0x3  }
0x29: {  	s17 =	simm.s32 $0x1;
	s19 =	sand.u32 $0x1, s14  }
0x2a: {  	_ =	swait.ge [sflag:s4], $0x4000;
	s17 =	simm.s32 @!p0 $0x0;
	s20 =	smul.u32 $0x10200, s19  }
0x2b: {  	[sflag:s4] =	ssyncset.done $0x0;
	s18 =	smul.u32 $0x10200, s17  }
0x2c: {  	s17 =	sshll.u32 s17, $0xE;
	[sflag:s4] =	ssyncadd.s32 $0xFFFFC000  }
0x2d: {  	s19 =	sor.u32 $0x10, s17;
	s31 =	sshrl.u32 s20, $0x2;
	s18 =	sshrl.u32 s18, $0x2  }
0x2e: {  	s20 =	simm.s32 $0x0;
	s17 =	sor.u32 $0x8000, s31;
	s18 =	sor.u32 $0x8000, s18  }
.LBB1_3:
0x2f: {  	v1 =	vld [tilespmem:s19+$0x0]  }
0x30: {  	v0 =	vld [tilespmem:s19+$0xFFFFFFF0];
	_ =	sdelay $0x2  }
0x31: {  	s23 =	sadd.s32 $0x0, s18  }
0x32: {  	s21 =	simm.s32 $0x4;
	s22 =	sadd.s32 $0x20, s19;
	[tilespmem:s23+$0x810 ss:$0x81] =	vst.msk $0xffff, v1  }
.LBB1_4:
0x33: {  	v1 =	vld [tilespmem:s22+$0x0];
	p1 =	sne.s32 s21, $0x1FC;
	[tilespmem:s23+$0x0 ss:$0x81] =	vst.msk $0xffff, v0;
	s23 =	smov.u32 s21;
	s21 =	sadd.s32 $0x4, s21  }
.Ltmp3:
0x34: {  	v0 =	vld [tilespmem:s22+$0xFFFFFFF0];
	(pc) =	sbr.rel @p1 .LBB1_4-.Ltmp3, $4  }
0x35: {  	_ = 	snop  }
0x36: {  	s23 =	sshra.s32 s23, $0x2  }
0x37: {  	s23 =	sadd.s32 s23, s18  }
0x38: {  	s22 =	sadd.s32 $0x20, s22;
	[tilespmem:s23+$0x810 ss:$0x81] =	vst.msk $0xffff, v1  }
0x39: {  	s20 =	sadd.s32 $0x1, s20  }
0x3a: {  	p1 =	sne.s32 s20, $0x4  }
.Ltmp4:
0x3b: {  	_ = 	snop;
	(pc) =	sbr.rel @p1 .LBB1_3-.Ltmp4, $2  }
0x3c: {  	_ =	sdelay $0x2  }
0x3d: {  	[tilespmem:s23+$0x0 ss:$0x81] =	vst.msk $0xffff, v0;
	s18 =	sadd.s32 $0x1020, s18;
	s19 =	sadd.s32 $0x1000, s19  }
0x3e: {  	s18 =	sshll.u32 s15, $0x3;
	s19 =	sand.u32 $0x78, s15;
	s16 =	sshll.u32 s16, $0x10  }
.Ltmp5:
0x3f: {  	s30 =	sand.u32 $0xF800, s15;
	s18 =	sand.u32 $0x3C00, s18;
	(pc) =	sbr.rel .LBB1_7-.Ltmp5, $4  }
0x40: {  	s31 =	sand.u32 $0x7, s15;
	s16 =	sadd.s32 s3, s16;
	s18 =	sor.u32 s19, s18  }
0x41: {  	s15 =	sshll.u32 s31, $0x12;
	s16 =	sadd.s32 s30, s16;
	s18 =	sshrl.u32 s18, $0x3  }
0x42: {  	s15 =	sor.u32 $0x400, s15;
	s16 =	sadd.s32 s18, s16  }
0x43: {  	[hbm4b:s16+s15] =	stream.strided.scatter [tilespmem:s17], [sflag:$0x2], $0x4000, s11, s15, $0x20;
	[tilespmem:$0x10100] =	vst v63  }
.LBB1_8:
0x44: {  	_ =	sfence.sel $0x180000  }
0x45: {  	s2 =	simm.s32 $0x1;
	[bflag:$0x0] =	sbarrier.arrive $0xFFFF  }
0x46: {  	s31 =	simm.s32 $0x2;
	[sflag:s2] =	ssyncpa.u1 $0x1  }
0x47: {  	[sflag:s31] =	ssyncpa.u1 $0x1  }
0x48: {  	p0 =	sne.s32 s0, $0x0;
	_ =	strace $0x9000004A  }
0x49: {  	s0 =	sadd.s32 @!p0 $0x100000, s1;
	[bflag:$0x2] =	sbarrier.arrive $0xFFFF  }
0x4a: {  	[sflag:s0] =	ssyncadd.tile.s32 @!p0 $0x1;
	_ =	shalt  }
.Lfunc_end1:
_tile_overlayer_lowered:
.L_overlay_start_2:
0x4b: {  	(tag) =	ssettag $0x2  }
0x4c: {  	s0 =	rddreg [dreg:$0x0];
	s2 =	stileid.u32  }
0x4d: {  	s1 =	rddreg [dreg:$0x1];
	p0 =	sne.s32 s2, $0x0  }
0x4e: {  	s3 =	rddreg [dreg:$0x2];
	[bflag:$0x3] =	sbarrier.arrive $0xFFFF;
	s2 =	simm.s32 @!p0 $0x1C01  }
0x4f: {  	[timem:s3], [sflag:s2] =	dma.local @!p0 [hbm:s0], s1  }
0x50: {  	s0 =	simm.s32 @!p0 $0x1  }
0x51: {  	_ =	swait.ge @!p0 [sflag:s0], s1  }
0x52: {  	s1 =	ssub.s32 @!p0 $0x0, s1;
	[sflag:s0] =	ssyncset.done @!p0 $0x0  }
0x53: {  	[sflag:s0] =	ssyncadd.s32 @!p0 s1  }
0x54: {  	[bflag:$0x3] =	sbarrier.arrive $0xFFFF  }
0x55: {  	_ =	shalt  }

</sc_bundles>
